<compile_context>
chip_gen: v7x
topology: tpu7x:2x2x1
jax: 0.10.2.dev20260603
libtpu: 0.0.44.dev20260713+nightly
codegen_flags: <defaults>
</compile_context>

<pallas_src>
import functools

import jax
import jax.numpy as jnp
from jax import lax
from jax.experimental import pallas as pl
from jax.experimental.pallas import tpu as pltpu
from jax.experimental.pallas import tpu_sc as plsc

_NC = 2
_NS = 16
_NW = _NC * _NS


def _sc_gather_cols(embT, xT):
    D, V = embT.shape
    B = xT.shape[1]
    b_per_w = B // _NW
    mesh = plsc.VectorSubcoreMesh(core_axis_name="c", subcore_axis_name="s")

    @functools.partial(
        pl.kernel,
        mesh=mesh,
        compiler_params=pltpu.CompilerParams(needs_layout_passes=False),
        out_type=jax.ShapeDtypeStruct((D, B), jnp.float32),
        scratch_types=[
            pltpu.VMEM((1, b_per_w), jnp.float32),
            pltpu.VMEM((D, 32 * 128), jnp.float32),
            pltpu.VMEM((D, 32 * 128), jnp.float32),
            pltpu.VMEM((D, b_per_w), jnp.float32),
            pltpu.SemaphoreType.DMA,
            pltpu.SemaphoreType.DMA,
        ],
    )
    def gather_kernel(tab_hbm, x_hbm, out_hbm, xf_v, win0, win1, cols_v,
                      sem0, sem1):
        wid = lax.axis_index("s") * _NC + lax.axis_index("c")
        base = pl.multiple_of(wid * b_per_w, 128)
        pltpu.sync_copy(x_hbm.at[:, pl.ds(base, b_per_w)], xf_v)

        def idx16(off):
            return xf_v[0, pl.ds(off, 16)].astype(jnp.int32)

        iota16 = lax.iota(jnp.int32, 16)
        R = 32
        n_rounds = b_per_w // R

        def fire(r, win, sem):
            for g in range(R // 16):
                vec = idx16(r * R + g * 16)
                alv = (vec >> 7) << 7
                for j in range(16):
                    k = g * 16 + j
                    al = pl.multiple_of(alv[j], 128)
                    pltpu.make_async_copy(
                        tab_hbm.at[:, pl.ds(al, 128)],
                        win.at[:, pl.ds(k * 128, 128)],
                        sem,
                    ).start()

        def drain_extract(r, win, sem):
            @pl.loop(0, R)
            def _(k):
                pltpu.make_async_copy(
                    tab_hbm.at[:, pl.ds(0, 128)],
                    win.at[:, pl.ds(0, 128)],
                    sem,
                ).wait()

            for g in range(R // 16):
                vec = idx16(r * R + g * 16)
                pos = g * (16 * 128) + iota16 * 128 + (vec & 127)
                for c in range(D):
                    row = jnp.full((16,), c, dtype=jnp.int32)
                    vals = plsc.load_gather(win, [row, pos])
                    cols_v[c, pl.ds(r * R + g * 16, 16)] = vals

        fire(0, win0, sem0)

        @pl.loop(0, n_rounds // 2)
        def _(p):
            fire(2 * p + 1, win1, sem1)
            drain_extract(2 * p, win0, sem0)

            @pl.when(p < n_rounds // 2 - 1)
            def _():
                fire(2 * p + 2, win0, sem0)

            drain_extract(2 * p + 1, win1, sem1)

        pltpu.sync_copy(cols_v, out_hbm.at[:, pl.ds(base, b_per_w)])

    return gather_kernel(embT, xT)


def _mlp_kernel(xT_ref, w1_ref, b1_ref, w2_ref, b2_ref, w3_ref, b3_ref,
                wo_ref, bo_ref, o_ref):
    h = jnp.dot(w1_ref[...], xT_ref[...], preferred_element_type=jnp.float32)
    h = jnp.maximum(h + b1_ref[...], 0.0)
    h = jnp.dot(w2_ref[...], h, preferred_element_type=jnp.float32)
    h = jnp.maximum(h + b2_ref[...], 0.0)
    h = jnp.dot(w3_ref[...], h, preferred_element_type=jnp.float32)
    h = jnp.maximum(h + b3_ref[...], 0.0)
    o = jnp.dot(wo_ref[...], h, preferred_element_type=jnp.float32)
    o_ref[...] = o + bo_ref[...]


def _tc_mlp(xT, W1, b1, W2, b2, W3, b3, Wo, bo, blk):
    D, B = xT.shape
    H = W2.shape[0]
    O = Wo.shape[0]
    full = lambda shape: pl.BlockSpec(shape, lambda i: (0, 0))
    return pl.pallas_call(
        _mlp_kernel,
        grid=(B // blk,),
        in_specs=[
            pl.BlockSpec((D, blk), lambda i: (0, i)),
            full((H, D)), full((H, 1)),
            full((H, H)), full((H, 1)),
            full((H, H)), full((H, 1)),
            full((O, H)), full((O, 1)),
        ],
        out_specs=pl.BlockSpec((O, blk), lambda i: (0, i)),
        out_shape=jax.ShapeDtypeStruct((O, B), jnp.float32),
    )(xT, W1, b1, W2, b2, W3, b3, Wo, bo)


def kernel(x, emb, W1, b1, W2, b2, W3, b3, Wm, bm, Wc, bc, Ws, bs):
    Wo = jnp.concatenate([Wm, Wc, Ws], axis=0)
    bo = jnp.concatenate([bm, bc, bs], axis=0)[:, None]
    xT = _sc_gather_cols(emb.T, x.T)
    oT = _tc_mlp(xT, W1, b1[:, None], W2, b2[:, None],
                 W3, b3[:, None], Wo, bo, blk=16384)
    return oT.T

# --- scband reference (transcript-rebuilt; emitter-appended) ---
"""Pipeline reference for scband-neural-network-44882408243666 (READ-ONLY COPY).

The authoritative reference and input builder live on the scoring server;
editing this copy changes nothing except your own understanding.
"""

import jax, jax.numpy as jnp
import numpy as np

V = 1000000          # len(unique_player_id)
EMBED_DIM = 5        # embedding_dim global
NON_EMB = 0          # non_embedding_features global
NUM_TARGET = 9       # num_target_cols global (chosen nonzero; 0 in the toy source)
H = 128
B = 16384


def _linear_params(key, out_f, in_f):
    k1, k2 = jax.random.split(key)
    bound = 1.0 / np.sqrt(in_f)
    W = jax.random.uniform(k1, (out_f, in_f), minval=-bound, maxval=bound, dtype=jnp.float32)
    b = jax.random.uniform(k2, (out_f,), minval=-bound, maxval=bound, dtype=jnp.float32)
    return W, b


def setup_inputs(seed: int = 0) -> dict:
    key = jax.random.key(seed)
    ks = jax.random.split(key, 8)
    # x packs [index, non_embedding_features]; NON_EMB == 0 so x is just the index column
    x = jax.random.randint(ks[0], (B, 1), 0, V).astype(jnp.float32)
    emb = jax.random.normal(ks[1], (V, EMBED_DIM), dtype=jnp.float32)
    W1, b1 = _linear_params(ks[2], H, NON_EMB + EMBED_DIM)
    W2, b2 = _linear_params(ks[3], H, H)
    W3, b3 = _linear_params(ks[4], H, H)
    Wm, bm = _linear_params(ks[5], NUM_TARGET, H)
    Wc, bc = _linear_params(ks[6], 2, H)
    Ws, bs = _linear_params(ks[7], 2, H)
    return {"x": x, "emb": emb, "W1": W1, "b1": b1, "W2": W2, "b2": b2,
            "W3": W3, "b3": b3, "Wm": Wm, "bm": bm, "Wc": Wc, "bc": bc,
            "Ws": Ws, "bs": bs}


def reference(x, emb, W1, b1, W2, b2, W3, b3, Wm, bm, Wc, bc, Ws, bs):
    # torch.split(x, [1, non_embedding_features], dim=1)
    idx = x[:, :1].astype(jnp.int32)
    x_vals = x[:, 1:1 + NON_EMB]
    # nn.Embedding lookup -> gather
    embeds = jnp.take(emb, idx.reshape(-1), axis=0).reshape(-1, EMBED_DIM)
    x_all = jnp.concatenate([embeds, x_vals], axis=1)
    h = jax.nn.relu(x_all @ W1.T + b1)
    h = jax.nn.relu(h @ W2.T + b2)
    h = jax.nn.relu(h @ W3.T + b3)
    move = h @ Wm.T + bm
    crouch = h @ Wc.T + bc
    shoot = h @ Ws.T + bs
    return jnp.concatenate([move, crouch, shoot], axis=1)

if __name__ == "__main__":
    import jax
    _d = setup_inputs()
    print(jax.jit(kernel)(*tuple(_d.values())))

</pallas_src>

<mosaic_0001>
#map = affine_map<(d0, d1) -> (0, 0)>
module attributes {stable_mosaic.version = 14 : i64} {
  func.func @gather_kernel(%arg0: i32, %arg1: i32, %arg2: memref<5x1000000xf32, #tpu.memory_space<hbm>>, %arg3: memref<1x16384xf32, #tpu.memory_space<hbm>>, %arg4: memref<5x16384xf32, #tpu.memory_space<hbm>>, %arg5: memref<1x512xf32, #tpu.memory_space<vmem>>, %arg6: memref<5x4096xf32, #tpu.memory_space<vmem>>, %arg7: memref<5x4096xf32, #tpu.memory_space<vmem>>, %arg8: memref<5x512xf32, #tpu.memory_space<vmem>>, %arg9: memref<!tpu.dma_semaphore, #tpu.memory_space<semaphore_mem>>, %arg10: memref<!tpu.dma_semaphore, #tpu.memory_space<semaphore_mem>>) attributes {dimension_semantics = [#tpu.dimension_semantics<core_parallel>, #tpu.dimension_semantics<subcore_parallel>], iteration_bounds = array<i64: 2, 16>, scalar_prefetch = 0 : i64, scratch_operands = 6 : i64, tpu.core_type = #tpu.core_type<sc_vector_subcore>, window_params = [{transform_indices = #map}, {transform_indices = #map}, {transform_indices = #map}]} {
    %mul3A = arith.constant 2 : i32
    %mul3A_0 = arith.muli %arg1, %mul3A : i32
    %add3A = arith.addi %mul3A_0, %arg0 : i32
    %mul3A_1 = arith.constant 512 : i32
    %mul3A_2 = arith.muli %add3A, %mul3A_1 : i32
    %multiple_of3A = tpu.assume_multiple %mul3A_2, 128 : i32
    "tpu.region"() ({
      %run_scoped3A = tpu.sem_alloc : memref<!tpu.dma_semaphore, #tpu.memory_space<semaphore_mem>>
      %dma_start3A_438 = arith.constant 0 : i32
      %dma_start3A_439 = tpu.memref_slice %arg3[%dma_start3A_438, %multiple_of3A] : memref<1x16384xf32, #tpu.memory_space<hbm>> -> memref<1x512xf32, #tpu.memory_space<hbm>>
      %dma_start3A_440 = arith.constant 0 : i32
      %dma_start3A_441 = tpu.memref_slice %arg3[%dma_start3A_440, %multiple_of3A] : memref<1x16384xf32, #tpu.memory_space<hbm>> -> memref<1x512xf32, #tpu.memory_space<hbm>>
      tpu.enqueue_dma source(%dma_start3A_441 : memref<1x512xf32, #tpu.memory_space<hbm>>) target(%arg5 : memref<1x512xf32, #tpu.memory_space<vmem>>) target_semaphore(%run_scoped3A : memref<!tpu.dma_semaphore, #tpu.memory_space<semaphore_mem>>)
      %dma_wait3A = arith.constant 0 : i32
      %dma_wait3A_442 = tpu.memref_slice %arg3[%dma_wait3A, %multiple_of3A] : memref<1x16384xf32, #tpu.memory_space<hbm>> -> memref<1x512xf32, #tpu.memory_space<hbm>>
      %dma_wait3A_443 = arith.constant 0 : i32
      %dma_wait3A_444 = tpu.memref_slice %arg3[%dma_wait3A_443, %multiple_of3A] : memref<1x16384xf32, #tpu.memory_space<hbm>> -> memref<1x512xf32, #tpu.memory_space<hbm>>
      tpu.wait_dma2 semaphore(%run_scoped3A : memref<!tpu.dma_semaphore, #tpu.memory_space<semaphore_mem>>) src(%dma_wait3A_444 : memref<1x512xf32, #tpu.memory_space<hbm>>) dst(%arg5 : memref<1x512xf32, #tpu.memory_space<vmem>>)
      tpu.yield
    }) : () -> ()
    %iota3A = tpu.iota {dimensions = array<i32: 0>} : vector<16xi32>
    %get3A = arith.constant 0 : i32
    %get3A_3 = arith.index_cast %get3A : i32 to index
    %get3A_4 = arith.constant 0 : index
    %get3A_5 = tpu.vector_load %arg5[%get3A_3, %get3A_4] {strides = array<i32>} : memref<1x512xf32, #tpu.memory_space<vmem>>, vector<16xf32>,
    %convert_element_type3A = arith.fptosi %get3A_5 : vector<16xf32> to vector<16xi32>
    %shift_right_arithmetic3A = arith.constant 7 : i32
    %shift_right_arithmetic3A_6 = vector.broadcast %shift_right_arithmetic3A : i32 to vector<16xi32>
    %shift_right_arithmetic3A_7 = arith.shrsi %convert_element_type3A, %shift_right_arithmetic3A_6 : vector<16xi32>
    %shift_left3A = arith.constant 7 : i32
    %shift_left3A_8 = vector.broadcast %shift_left3A : i32 to vector<16xi32>
    %shift_left3A_9 = arith.shli %shift_right_arithmetic3A_7, %shift_left3A_8 : vector<16xi32>
    %slice3A = vector.extract_strided_slice %shift_left3A_9 {offsets = [0], sizes = [1], strides = [1]} : vector<16xi32> to vector<1xi32>
    %squeeze3A = vector.extract %slice3A[0] : i32 from vector<1xi32>
    %multiple_of3A_10 = tpu.assume_multiple %squeeze3A, 128 : i32
    %dma_start3A = arith.constant 0 : i32
    %dma_start3A_11 = arith.constant 0 : i32
    %dma_start3A_12 = tpu.memref_slice %arg6[%dma_start3A, %dma_start3A_11] : memref<5x4096xf32, #tpu.memory_space<vmem>> -> memref<5x128xf32, #tpu.memory_space<vmem>>
    %dma_start3A_13 = arith.constant 0 : i32
    %dma_start3A_14 = tpu.memref_slice %arg2[%dma_start3A_13, %multiple_of3A_10] : memref<5x1000000xf32, #tpu.memory_space<hbm>> -> memref<5x128xf32, #tpu.memory_space<hbm>>
    %dma_start3A_15 = arith.constant 0 : i32
    %dma_start3A_16 = arith.constant 0 : i32
    %dma_start3A_17 = tpu.memref_slice %arg6[%dma_start3A_15, %dma_start3A_16] : memref<5x4096xf32, #tpu.memory_space<vmem>> -> memref<5x128xf32, #tpu.memory_space<vmem>>
    %dma_start3A_18 = arith.constant 0 : i32
    %dma_start3A_19 = tpu.memref_slice %arg2[%dma_start3A_18, %multiple_of3A_10] : memref<5x1000000xf32, #tpu.memory_space<hbm>> -> memref<5x128xf32, #tpu.memory_space<hbm>>
    tpu.enqueue_dma source(%dma_start3A_19 : memref<5x128xf32, #tpu.memory_space<hbm>>) target(%dma_start3A_17 : memref<5x128xf32, #tpu.memory_space<vmem>>) target_semaphore(%arg9 : memref<!tpu.dma_semaphore, #tpu.memory_space<semaphore_mem>>)
    %slice3A_20 = vector.extract_strided_slice %shift_left3A_9 {offsets = [1], sizes = [1], strides = [1]} : vector<16xi32> to vector<1xi32>
    %squeeze3A_21 = vector.extract %slice3A_20[0] : i32 from vector<1xi32>
    %multiple_of3A_22 = tpu.assume_multiple %squeeze3A_21, 128 : i32
    %dma_start3A_23 = arith.constant 0 : i32
    %dma_start3A_24 = arith.constant 128 : i32
    %dma_start3A_25 = tpu.memref_slice %arg6[%dma_start3A_23, %dma_start3A_24] : memref<5x4096xf32, #tpu.memory_space<vmem>> -> memref<5x128xf32, #tpu.memory_space<vmem>>
    %dma_start3A_26 = arith.constant 0 : i32
    %dma_start3A_27 = tpu.memref_slice %arg2[%dma_start3A_26, %multiple_of3A_22] : memref<5x1000000xf32, #tpu.memory_space<hbm>> -> memref<5x128xf32, #tpu.memory_space<hbm>>
    %dma_start3A_28 = arith.constant 0 : i32
    %dma_start3A_29 = arith.constant 128 : i32
    %dma_start3A_30 = tpu.memref_slice %arg6[%dma_start3A_28, %dma_start3A_29] : memref<5x4096xf32, #tpu.memory_space<vmem>> -> memref<5x128xf32, #tpu.memory_space<vmem>>
    %dma_start3A_31 = arith.constant 0 : i32
    %dma_start3A_32 = tpu.memref_slice %arg2[%dma_start3A_31, %multiple_of3A_22] : memref<5x1000000xf32, #tpu.memory_space<hbm>> -> memref<5x128xf32, #tpu.memory_space<hbm>>
    tpu.enqueue_dma source(%dma_start3A_32 : memref<5x128xf32, #tpu.memory_space<hbm>>) target(%dma_start3A_30 : memref<5x128xf32, #tpu.memory_space<vmem>>) target_semaphore(%arg9 : memref<!tpu.dma_semaphore, #tpu.memory_space<semaphore_mem>>)
    %slice3A_33 = vector.extract_strided_slice %shift_left3A_9 {offsets = [2], sizes = [1], strides = [1]} : vector<16xi32> to vector<1xi32>
    %squeeze3A_34 = vector.extract %slice3A_33[0] : i32 from vector<1xi32>
    %multiple_of3A_35 = tpu.assume_multiple %squeeze3A_34, 128 : i32
    %dma_start3A_36 = arith.constant 0 : i32
    %dma_start3A_37 = arith.constant 256 : i32
    %dma_start3A_38 = tpu.memref_slice %arg6[%dma_start3A_36, %dma_start3A_37] : memref<5x4096xf32, #tpu.memory_space<vmem>> -> memref<5x128xf32, #tpu.memory_space<vmem>>
    %dma_start3A_39 = arith.constant 0 : i32
    %dma_start3A_40 = tpu.memref_slice %arg2[%dma_start3A_39, %multiple_of3A_35] : memref<5x1000000xf32, #tpu.memory_space<hbm>> -> memref<5x128xf32, #tpu.memory_space<hbm>>
    %dma_start3A_41 = arith.constant 0 : i32
    %dma_start3A_42 = arith.constant 256 : i32
    %dma_start3A_43 = tpu.memref_slice %arg6[%dma_start3A_41, %dma_start3A_42] : memref<5x4096xf32, #tpu.memory_space<vmem>> -> memref<5x128xf32, #tpu.memory_space<vmem>>
    %dma_start3A_44 = arith.constant 0 : i32
    %dma_start3A_45 = tpu.memref_slice %arg2[%dma_start3A_44, %multiple_of3A_35] : memref<5x1000000xf32, #tpu.memory_space<hbm>> -> memref<5x128xf32, #tpu.memory_space<hbm>>
    tpu.enqueue_dma source(%dma_start3A_45 : memref<5x128xf32, #tpu.memory_space<hbm>>) target(%dma_start3A_43 : memref<5x128xf32, #tpu.memory_space<vmem>>) target_semaphore(%arg9 : memref<!tpu.dma_semaphore, #tpu.memory_space<semaphore_mem>>)
    %slice3A_46 = vector.extract_strided_slice %shift_left3A_9 {offsets = [3], sizes = [1], strides = [1]} : vector<16xi32> to vector<1xi32>
    %squeeze3A_47 = vector.extract %slice3A_46[0] : i32 from vector<1xi32>
    %multiple_of3A_48 = tpu.assume_multiple %squeeze3A_47, 128 : i32
    %dma_start3A_49 = arith.constant 0 : i32
    %dma_start3A_50 = arith.constant 384 : i32
    %dma_start3A_51 = tpu.memref_slice %arg6[%dma_start3A_49, %dma_start3A_50] : memref<5x4096xf32, #tpu.memory_space<vmem>> -> memref<5x128xf32, #tpu.memory_space<vmem>>
    %dma_start3A_52 = arith.constant 0 : i32
    %dma_start3A_53 = tpu.memref_slice %arg2[%dma_start3A_52, %multiple_of3A_48] : memref<5x1000000xf32, #tpu.memory_space<hbm>> -> memref<5x128xf32, #tpu.memory_space<hbm>>
    %dma_start3A_54 = arith.constant 0 : i32
    %dma_start3A_55 = arith.constant 384 : i32
    %dma_start3A_56 = tpu.memref_slice %arg6[%dma_start3A_54, %dma_start3A_55] : memref<5x4096xf32, #tpu.memory_space<vmem>> -> memref<5x128xf32, #tpu.memory_space<vmem>>
    %dma_start3A_57 = arith.constant 0 : i32
    %dma_start3A_58 = tpu.memref_slice %arg2[%dma_start3A_57, %multiple_of3A_48] : memref<5x1000000xf32, #tpu.memory_space<hbm>> -> memref<5x128xf32, #tpu.memory_space<hbm>>
    tpu.enqueue_dma source(%dma_start3A_58 : memref<5x128xf32, #tpu.memory_space<hbm>>) target(%dma_start3A_56 : memref<5x128xf32, #tpu.memory_space<vmem>>) target_semaphore(%arg9 : memref<!tpu.dma_semaphore, #tpu.memory_space<semaphore_mem>>)
    %slice3A_59 = vector.extract_strided_slice %shift_left3A_9 {offsets = [4], sizes = [1], strides = [1]} : vector<16xi32> to vector<1xi32>
    %squeeze3A_60 = vector.extract %slice3A_59[0] : i32 from vector<1xi32>
    %multiple_of3A_61 = tpu.assume_multiple %squeeze3A_60, 128 : i32
    %dma_start3A_62 = arith.constant 0 : i32
    %dma_start3A_63 = arith.constant 512 : i32
    %dma_start3A_64 = tpu.memref_slice %arg6[%dma_start3A_62, %dma_start3A_63] : memref<5x4096xf32, #tpu.memory_space<vmem>> -> memref<5x128xf32, #tpu.memory_space<vmem>>
    %dma_start3A_65 = arith.constant 0 : i32
    %dma_start3A_66 = tpu.memref_slice %arg2[%dma_start3A_65, %multiple_of3A_61] : memref<5x1000000xf32, #tpu.memory_space<hbm>> -> memref<5x128xf32, #tpu.memory_space<hbm>>
    %dma_start3A_67 = arith.constant 0 : i32
    %dma_start3A_68 = arith.constant 512 : i32
    %dma_start3A_69 = tpu.memref_slice %arg6[%dma_start3A_67, %dma_start3A_68] : memref<5x4096xf32, #tpu.memory_space<vmem>> -> memref<5x128xf32, #tpu.memory_space<vmem>>
    %dma_start3A_70 = arith.constant 0 : i32
    %dma_start3A_71 = tpu.memref_slice %arg2[%dma_start3A_70, %multiple_of3A_61] : memref<5x1000000xf32, #tpu.memory_space<hbm>> -> memref<5x128xf32, #tpu.memory_space<hbm>>
    tpu.enqueue_dma source(%dma_start3A_71 : memref<5x128xf32, #tpu.memory_space<hbm>>) target(%dma_start3A_69 : memref<5x128xf32, #tpu.memory_space<vmem>>) target_semaphore(%arg9 : memref<!tpu.dma_semaphore, #tpu.memory_space<semaphore_mem>>)
    %slice3A_72 = vector.extract_strided_slice %shift_left3A_9 {offsets = [5], sizes = [1], strides = [1]} : vector<16xi32> to vector<1xi32>
    %squeeze3A_73 = vector.extract %slice3A_72[0] : i32 from vector<1xi32>
    %multiple_of3A_74 = tpu.assume_multiple %squeeze3A_73, 128 : i32
    %dma_start3A_75 = arith.constant 0 : i32
    %dma_start3A_76 = arith.constant 640 : i32
    %dma_start3A_77 = tpu.memref_slice %arg6[%dma_start3A_75, %dma_start3A_76] : memref<5x4096xf32, #tpu.memory_space<vmem>> -> memref<5x128xf32, #tpu.memory_space<vmem>>
    %dma_start3A_78 = arith.constant 0 : i32
    %dma_start3A_79 = tpu.memref_slice %arg2[%dma_start3A_78, %multiple_of3A_74] : memref<5x1000000xf32, #tpu.memory_space<hbm>> -> memref<5x128xf32, #tpu.memory_space<hbm>>
    %dma_start3A_80 = arith.constant 0 : i32
    %dma_start3A_81 = arith.constant 640 : i32
    %dma_start3A_82 = tpu.memref_slice %arg6[%dma_start3A_80, %dma_start3A_81] : memref<5x4096xf32, #tpu.memory_space<vmem>> -> memref<5x128xf32, #tpu.memory_space<vmem>>
    %dma_start3A_83 = arith.constant 0 : i32
    %dma_start3A_84 = tpu.memref_slice %arg2[%dma_start3A_83, %multiple_of3A_74] : memref<5x1000000xf32, #tpu.memory_space<hbm>> -> memref<5x128xf32, #tpu.memory_space<hbm>>
    tpu.enqueue_dma source(%dma_start3A_84 : memref<5x128xf32, #tpu.memory_space<hbm>>) target(%dma_start3A_82 : memref<5x128xf32, #tpu.memory_space<vmem>>) target_semaphore(%arg9 : memref<!tpu.dma_semaphore, #tpu.memory_space<semaphore_mem>>)
    %slice3A_85 = vector.extract_strided_slice %shift_left3A_9 {offsets = [6], sizes = [1], strides = [1]} : vector<16xi32> to vector<1xi32>
    %squeeze3A_86 = vector.extract %slice3A_85[0] : i32 from vector<1xi32>
    %multiple_of3A_87 = tpu.assume_multiple %squeeze3A_86, 128 : i32
    %dma_start3A_88 = arith.constant 0 : i32
    %dma_start3A_89 = arith.constant 768 : i32
    %dma_start3A_90 = tpu.memref_slice %arg6[%dma_start3A_88, %dma_start3A_89] : memref<5x4096xf32, #tpu.memory_space<vmem>> -> memref<5x128xf32, #tpu.memory_space<vmem>>
    %dma_start3A_91 = arith.constant 0 : i32
    %dma_start3A_92 = tpu.memref_slice %arg2[%dma_start3A_91, %multiple_of3A_87] : memref<5x1000000xf32, #tpu.memory_space<hbm>> -> memref<5x128xf32, #tpu.memory_space<hbm>>
    %dma_start3A_93 = arith.constant 0 : i32
    %dma_start3A_94 = arith.constant 768 : i32
    %dma_start3A_95 = tpu.memref_slice %arg6[%dma_start3A_93, %dma_start3A_94] : memref<5x4096xf32, #tpu.memory_space<vmem>> -> memref<5x128xf32, #tpu.memory_space<vmem>>
    %dma_start3A_96 = arith.constant 0 : i32
    %dma_start3A_97 = tpu.memref_slice %arg2[%dma_start3A_96, %multiple_of3A_87] : memref<5x1000000xf32, #tpu.memory_space<hbm>> -> memref<5x128xf32, #tpu.memory_space<hbm>>
    tpu.enqueue_dma source(%dma_start3A_97 : memref<5x128xf32, #tpu.memory_space<hbm>>) target(%dma_start3A_95 : memref<5x128xf32, #tpu.memory_space<vmem>>) target_semaphore(%arg9 : memref<!tpu.dma_semaphore, #tpu.memory_space<semaphore_mem>>)
    %slice3A_98 = vector.extract_strided_slice %shift_left3A_9 {offsets = [7], sizes = [1], strides = [1]} : vector<16xi32> to vector<1xi32>
    %squeeze3A_99 = vector.extract %slice3A_98[0] : i32 from vector<1xi32>
    %multiple_of3A_100 = tpu.assume_multiple %squeeze3A_99, 128 : i32
    %dma_start3A_101 = arith.constant 0 : i32
    %dma_start3A_102 = arith.constant 896 : i32
    %dma_start3A_103 = tpu.memref_slice %arg6[%dma_start3A_101, %dma_start3A_102] : memref<5x4096xf32, #tpu.memory_space<vmem>> -> memref<5x128xf32, #tpu.memory_space<vmem>>
    %dma_start3A_104 = arith.constant 0 : i32
    %dma_start3A_105 = tpu.memref_slice %arg2[%dma_start3A_104, %multiple_of3A_100] : memref<5x1000000xf32, #tpu.memory_space<hbm>> -> memref<5x128xf32, #tpu.memory_space<hbm>>
    %dma_start3A_106 = arith.constant 0 : i32
    %dma_start3A_107 = arith.constant 896 : i32
    %dma_start3A_108 = tpu.memref_slice %arg6[%dma_start3A_106, %dma_start3A_107] : memref<5x4096xf32, #tpu.memory_space<vmem>> -> memref<5x128xf32, #tpu.memory_space<vmem>>
    %dma_start3A_109 = arith.constant 0 : i32
    %dma_start3A_110 = tpu.memref_slice %arg2[%dma_start3A_109, %multiple_of3A_100] : memref<5x1000000xf32, #tpu.memory_space<hbm>> -> memref<5x128xf32, #tpu.memory_space<hbm>>
    tpu.enqueue_dma source(%dma_start3A_110 : memref<5x128xf32, #tpu.memory_space<hbm>>) target(%dma_start3A_108 : memref<5x128xf32, #tpu.memory_space<vmem>>) target_semaphore(%arg9 : memref<!tpu.dma_semaphore, #tpu.memory_space<semaphore_mem>>)
    %slice3A_111 = vector.extract_strided_slice %shift_left3A_9 {offsets = [8], sizes = [1], strides = [1]} : vector<16xi32> to vector<1xi32>
    %squeeze3A_112 = vector.extract %slice3A_111[0] : i32 from vector<1xi32>
    %multiple_of3A_113 = tpu.assume_multiple %squeeze3A_112, 128 : i32
    %dma_start3A_114 = arith.constant 0 : i32
    %dma_start3A_115 = arith.constant 1024 : i32
    %dma_start3A_116 = tpu.memref_slice %arg6[%dma_start3A_114, %dma_start3A_115] : memref<5x4096xf32, #tpu.memory_space<vmem>> -> memref<5x128xf32, #tpu.memory_space<vmem>>
    %dma_start3A_117 = arith.constant 0 : i32
    %dma_start3A_118 = tpu.memref_slice %arg2[%dma_start3A_117, %multiple_of3A_113] : memref<5x1000000xf32, #tpu.memory_space<hbm>> -> memref<5x128xf32, #tpu.memory_space<hbm>>
    %dma_start3A_119 = arith.constant 0 : i32
    %dma_start3A_120 = arith.constant 1024 : i32
    %dma_start3A_121 = tpu.memref_slice %arg6[%dma_start3A_119, %dma_start3A_120] : memref<5x4096xf32, #tpu.memory_space<vmem>> -> memref<5x128xf32, #tpu.memory_space<vmem>>
    %dma_start3A_122 = arith.constant 0 : i32
    %dma_start3A_123 = tpu.memref_slice %arg2[%dma_start3A_122, %multiple_of3A_113] : memref<5x1000000xf32, #tpu.memory_space<hbm>> -> memref<5x128xf32, #tpu.memory_space<hbm>>
    tpu.enqueue_dma source(%dma_start3A_123 : memref<5x128xf32, #tpu.memory_space<hbm>>) target(%dma_start3A_121 : memref<5x128xf32, #tpu.memory_space<vmem>>) target_semaphore(%arg9 : memref<!tpu.dma_semaphore, #tpu.memory_space<semaphore_mem>>)
    %slice3A_124 = vector.extract_strided_slice %shift_left3A_9 {offsets = [9], sizes = [1], strides = [1]} : vector<16xi32> to vector<1xi32>
    %squeeze3A_125 = vector.extract %slice3A_124[0] : i32 from vector<1xi32>
    %multiple_of3A_126 = tpu.assume_multiple %squeeze3A_125, 128 : i32
    %dma_start3A_127 = arith.constant 0 : i32
    %dma_start3A_128 = arith.constant 1152 : i32
    %dma_start3A_129 = tpu.memref_slice %arg6[%dma_start3A_127, %dma_start3A_128] : memref<5x4096xf32, #tpu.memory_space<vmem>> -> memref<5x128xf32, #tpu.memory_space<vmem>>
    %dma_start3A_130 = arith.constant 0 : i32
    %dma_start3A_131 = tpu.memref_slice %arg2[%dma_start3A_130, %multiple_of3A_126] : memref<5x1000000xf32, #tpu.memory_space<hbm>> -> memref<5x128xf32, #tpu.memory_space<hbm>>
    %dma_start3A_132 = arith.constant 0 : i32
    %dma_start3A_133 = arith.constant 1152 : i32
    %dma_start3A_134 = tpu.memref_slice %arg6[%dma_start3A_132, %dma_start3A_133] : memref<5x4096xf32, #tpu.memory_space<vmem>> -> memref<5x128xf32, #tpu.memory_space<vmem>>
    %dma_start3A_135 = arith.constant 0 : i32
    %dma_start3A_136 = tpu.memref_slice %arg2[%dma_start3A_135, %multiple_of3A_126] : memref<5x1000000xf32, #tpu.memory_space<hbm>> -> memref<5x128xf32, #tpu.memory_space<hbm>>
    tpu.enqueue_dma source(%dma_start3A_136 : memref<5x128xf32, #tpu.memory_space<hbm>>) target(%dma_start3A_134 : memref<5x128xf32, #tpu.memory_space<vmem>>) target_semaphore(%arg9 : memref<!tpu.dma_semaphore, #tpu.memory_space<semaphore_mem>>)
    %slice3A_137 = vector.extract_strided_slice %shift_left3A_9 {offsets = [10], sizes = [1], strides = [1]} : vector<16xi32> to vector<1xi32>
    %squeeze3A_138 = vector.extract %slice3A_137[0] : i32 from vector<1xi32>
    %multiple_of3A_139 = tpu.assume_multiple %squeeze3A_138, 128 : i32
    %dma_start3A_140 = arith.constant 0 : i32
    %dma_start3A_141 = arith.constant 1280 : i32
    %dma_start3A_142 = tpu.memref_slice %arg6[%dma_start3A_140, %dma_start3A_141] : memref<5x4096xf32, #tpu.memory_space<vmem>> -> memref<5x128xf32, #tpu.memory_space<vmem>>
    %dma_start3A_143 = arith.constant 0 : i32
    %dma_start3A_144 = tpu.memref_slice %arg2[%dma_start3A_143, %multiple_of3A_139] : memref<5x1000000xf32, #tpu.memory_space<hbm>> -> memref<5x128xf32, #tpu.memory_space<hbm>>
    %dma_start3A_145 = arith.constant 0 : i32
    %dma_start3A_146 = arith.constant 1280 : i32
    %dma_start3A_147 = tpu.memref_slice %arg6[%dma_start3A_145, %dma_start3A_146] : memref<5x4096xf32, #tpu.memory_space<vmem>> -> memref<5x128xf32, #tpu.memory_space<vmem>>
    %dma_start3A_148 = arith.constant 0 : i32
    %dma_start3A_149 = tpu.memref_slice %arg2[%dma_start3A_148, %multiple_of3A_139] : memref<5x1000000xf32, #tpu.memory_space<hbm>> -> memref<5x128xf32, #tpu.memory_space<hbm>>
    tpu.enqueue_dma source(%dma_start3A_149 : memref<5x128xf32, #tpu.memory_space<hbm>>) target(%dma_start3A_147 : memref<5x128xf32, #tpu.memory_space<vmem>>) target_semaphore(%arg9 : memref<!tpu.dma_semaphore, #tpu.memory_space<semaphore_mem>>)
    %slice3A_150 = vector.extract_strided_slice %shift_left3A_9 {offsets = [11], sizes = [1], strides = [1]} : vector<16xi32> to vector<1xi32>
    %squeeze3A_151 = vector.extract %slice3A_150[0] : i32 from vector<1xi32>
    %multiple_of3A_152 = tpu.assume_multiple %squeeze3A_151, 128 : i32
    %dma_start3A_153 = arith.constant 0 : i32
    %dma_start3A_154 = arith.constant 1408 : i32
    %dma_start3A_155 = tpu.memref_slice %arg6[%dma_start3A_153, %dma_start3A_154] : memref<5x4096xf32, #tpu.memory_space<vmem>> -> memref<5x128xf32, #tpu.memory_space<vmem>>
    %dma_start3A_156 = arith.constant 0 : i32
    %dma_start3A_157 = tpu.memref_slice %arg2[%dma_start3A_156, %multiple_of3A_152] : memref<5x1000000xf32, #tpu.memory_space<hbm>> -> memref<5x128xf32, #tpu.memory_space<hbm>>
    %dma_start3A_158 = arith.constant 0 : i32
    %dma_start3A_159 = arith.constant 1408 : i32
    %dma_start3A_160 = tpu.memref_slice %arg6[%dma_start3A_158, %dma_start3A_159] : memref<5x4096xf32, #tpu.memory_space<vmem>> -> memref<5x128xf32, #tpu.memory_space<vmem>>
    %dma_start3A_161 = arith.constant 0 : i32
    %dma_start3A_162 = tpu.memref_slice %arg2[%dma_start3A_161, %multiple_of3A_152] : memref<5x1000000xf32, #tpu.memory_space<hbm>> -> memref<5x128xf32, #tpu.memory_space<hbm>>
    tpu.enqueue_dma source(%dma_start3A_162 : memref<5x128xf32, #tpu.memory_space<hbm>>) target(%dma_start3A_160 : memref<5x128xf32, #tpu.memory_space<vmem>>) target_semaphore(%arg9 : memref<!tpu.dma_semaphore, #tpu.memory_space<semaphore_mem>>)
    %slice3A_163 = vector.extract_strided_slice %shift_left3A_9 {offsets = [12], sizes = [1], strides = [1]} : vector<16xi32> to vector<1xi32>
    %squeeze3A_164 = vector.extract %slice3A_163[0] : i32 from vector<1xi32>
    %multiple_of3A_165 = tpu.assume_multiple %squeeze3A_164, 128 : i32
    %dma_start3A_166 = arith.constant 0 : i32
    %dma_start3A_167 = arith.constant 1536 : i32
    %dma_start3A_168 = tpu.memref_slice %arg6[%dma_start3A_166, %dma_start3A_167] : memref<5x4096xf32, #tpu.memory_space<vmem>> -> memref<5x128xf32, #tpu.memory_space<vmem>>
    %dma_start3A_169 = arith.constant 0 : i32
    %dma_start3A_170 = tpu.memref_slice %arg2[%dma_start3A_169, %multiple_of3A_165] : memref<5x1000000xf32, #tpu.memory_space<hbm>> -> memref<5x128xf32, #tpu.memory_space<hbm>>
    %dma_start3A_171 = arith.constant 0 : i32
    %dma_start3A_172 = arith.constant 1536 : i32
    %dma_start3A_173 = tpu.memref_slice %arg6[%dma_start3A_171, %dma_start3A_172] : memref<5x4096xf32, #tpu.memory_space<vmem>> -> memref<5x128xf32, #tpu.memory_space<vmem>>
    %dma_start3A_174 = arith.constant 0 : i32
    %dma_start3A_175 = tpu.memref_slice %arg2[%dma_start3A_174, %multiple_of3A_165] : memref<5x1000000xf32, #tpu.memory_space<hbm>> -> memref<5x128xf32, #tpu.memory_space<hbm>>
    tpu.enqueue_dma source(%dma_start3A_175 : memref<5x128xf32, #tpu.memory_space<hbm>>) target(%dma_start3A_173 : memref<5x128xf32, #tpu.memory_space<vmem>>) target_semaphore(%arg9 : memref<!tpu.dma_semaphore, #tpu.memory_space<semaphore_mem>>)
    %slice3A_176 = vector.extract_strided_slice %shift_left3A_9 {offsets = [13], sizes = [1], strides = [1]} : vector<16xi32> to vector<1xi32>
    %squeeze3A_177 = vector.extract %slice3A_176[0] : i32 from vector<1xi32>
    %multiple_of3A_178 = tpu.assume_multiple %squeeze3A_177, 128 : i32
    %dma_start3A_179 = arith.constant 0 : i32
    %dma_start3A_180 = arith.constant 1664 : i32
    %dma_start3A_181 = tpu.memref_slice %arg6[%dma_start3A_179, %dma_start3A_180] : memref<5x4096xf32, #tpu.memory_space<vmem>> -> memref<5x128xf32, #tpu.memory_space<vmem>>
    %dma_start3A_182 = arith.constant 0 : i32
    %dma_start3A_183 = tpu.memref_slice %arg2[%dma_start3A_182, %multiple_of3A_178] : memref<5x1000000xf32, #tpu.memory_space<hbm>> -> memref<5x128xf32, #tpu.memory_space<hbm>>
    %dma_start3A_184 = arith.constant 0 : i32
    %dma_start3A_185 = arith.constant 1664 : i32
    %dma_start3A_186 = tpu.memref_slice %arg6[%dma_start3A_184, %dma_start3A_185] : memref<5x4096xf32, #tpu.memory_space<vmem>> -> memref<5x128xf32, #tpu.memory_space<vmem>>
    %dma_start3A_187 = arith.constant 0 : i32
    %dma_start3A_188 = tpu.memref_slice %arg2[%dma_start3A_187, %multiple_of3A_178] : memref<5x1000000xf32, #tpu.memory_space<hbm>> -> memref<5x128xf32, #tpu.memory_space<hbm>>
    tpu.enqueue_dma source(%dma_start3A_188 : memref<5x128xf32, #tpu.memory_space<hbm>>) target(%dma_start3A_186 : memref<5x128xf32, #tpu.memory_space<vmem>>) target_semaphore(%arg9 : memref<!tpu.dma_semaphore, #tpu.memory_space<semaphore_mem>>)
    %slice3A_189 = vector.extract_strided_slice %shift_left3A_9 {offsets = [14], sizes = [1], strides = [1]} : vector<16xi32> to vector<1xi32>
    %squeeze3A_190 = vector.extract %slice3A_189[0] : i32 from vector<1xi32>
    %multiple_of3A_191 = tpu.assume_multiple %squeeze3A_190, 128 : i32
    %dma_start3A_192 = arith.constant 0 : i32
    %dma_start3A_193 = arith.constant 1792 : i32
    %dma_start3A_194 = tpu.memref_slice %arg6[%dma_start3A_192, %dma_start3A_193] : memref<5x4096xf32, #tpu.memory_space<vmem>> -> memref<5x128xf32, #tpu.memory_space<vmem>>
    %dma_start3A_195 = arith.constant 0 : i32
    %dma_start3A_196 = tpu.memref_slice %arg2[%dma_start3A_195, %multiple_of3A_191] : memref<5x1000000xf32, #tpu.memory_space<hbm>> -> memref<5x128xf32, #tpu.memory_space<hbm>>
    %dma_start3A_197 = arith.constant 0 : i32
    %dma_start3A_198 = arith.constant 1792 : i32
    %dma_start3A_199 = tpu.memref_slice %arg6[%dma_start3A_197, %dma_start3A_198] : memref<5x4096xf32, #tpu.memory_space<vmem>> -> memref<5x128xf32, #tpu.memory_space<vmem>>
    %dma_start3A_200 = arith.constant 0 : i32
    %dma_start3A_201 = tpu.memref_slice %arg2[%dma_start3A_200, %multiple_of3A_191] : memref<5x1000000xf32, #tpu.memory_space<hbm>> -> memref<5x128xf32, #tpu.memory_space<hbm>>
    tpu.enqueue_dma source(%dma_start3A_201 : memref<5x128xf32, #tpu.memory_space<hbm>>) target(%dma_start3A_199 : memref<5x128xf32, #tpu.memory_space<vmem>>) target_semaphore(%arg9 : memref<!tpu.dma_semaphore, #tpu.memory_space<semaphore_mem>>)
    %slice3A_202 = vector.extract_strided_slice %shift_left3A_9 {offsets = [15], sizes = [1], strides = [1]} : vector<16xi32> to vector<1xi32>
    %squeeze3A_203 = vector.extract %slice3A_202[0] : i32 from vector<1xi32>
    %multiple_of3A_204 = tpu.assume_multiple %squeeze3A_203, 128 : i32
    %dma_start3A_205 = arith.constant 0 : i32
    %dma_start3A_206 = arith.constant 1920 : i32
    %dma_start3A_207 = tpu.memref_slice %arg6[%dma_start3A_205, %dma_start3A_206] : memref<5x4096xf32, #tpu.memory_space<vmem>> -> memref<5x128xf32, #tpu.memory_space<vmem>>
    %dma_start3A_208 = arith.constant 0 : i32
    %dma_start3A_209 = tpu.memref_slice %arg2[%dma_start3A_208, %multiple_of3A_204] : memref<5x1000000xf32, #tpu.memory_space<hbm>> -> memref<5x128xf32, #tpu.memory_space<hbm>>
    %dma_start3A_210 = arith.constant 0 : i32
    %dma_start3A_211 = arith.constant 1920 : i32
    %dma_start3A_212 = tpu.memref_slice %arg6[%dma_start3A_210, %dma_start3A_211] : memref<5x4096xf32, #tpu.memory_space<vmem>> -> memref<5x128xf32, #tpu.memory_space<vmem>>
    %dma_start3A_213 = arith.constant 0 : i32
    %dma_start3A_214 = tpu.memref_slice %arg2[%dma_start3A_213, %multiple_of3A_204] : memref<5x1000000xf32, #tpu.memory_space<hbm>> -> memref<5x128xf32, #tpu.memory_space<hbm>>
    tpu.enqueue_dma source(%dma_start3A_214 : memref<5x128xf32, #tpu.memory_space<hbm>>) target(%dma_start3A_212 : memref<5x128xf32, #tpu.memory_space<vmem>>) target_semaphore(%arg9 : memref<!tpu.dma_semaphore, #tpu.memory_space<semaphore_mem>>)
    %get3A_215 = arith.constant 0 : i32
    %get3A_216 = arith.index_cast %get3A_215 : i32 to index
    %get3A_217 = arith.constant 16 : index
    %get3A_218 = tpu.vector_load %arg5[%get3A_216, %get3A_217] {strides = array<i32>} : memref<1x512xf32, #tpu.memory_space<vmem>>, vector<16xf32>,
    %convert_element_type3A_219 = arith.fptosi %get3A_218 : vector<16xf32> to vector<16xi32>
    %shift_right_arithmetic3A_220 = arith.constant 7 : i32
    %shift_right_arithmetic3A_221 = vector.broadcast %shift_right_arithmetic3A_220 : i32 to vector<16xi32>
    %shift_right_arithmetic3A_222 = arith.shrsi %convert_element_type3A_219, %shift_right_arithmetic3A_221 : vector<16xi32>
    %shift_left3A_223 = arith.constant 7 : i32
    %shift_left3A_224 = vector.broadcast %shift_left3A_223 : i32 to vector<16xi32>
    %shift_left3A_225 = arith.shli %shift_right_arithmetic3A_222, %shift_left3A_224 : vector<16xi32>
    %slice3A_226 = vector.extract_strided_slice %shift_left3A_225 {offsets = [0], sizes = [1], strides = [1]} : vector<16xi32> to vector<1xi32>
    %squeeze3A_227 = vector.extract %slice3A_226[0] : i32 from vector<1xi32>
    %multiple_of3A_228 = tpu.assume_multiple %squeeze3A_227, 128 : i32
    %dma_start3A_229 = arith.constant 0 : i32
    %dma_start3A_230 = arith.constant 2048 : i32
    %dma_start3A_231 = tpu.memref_slice %arg6[%dma_start3A_229, %dma_start3A_230] : memref<5x4096xf32, #tpu.memory_space<vmem>> -> memref<5x128xf32, #tpu.memory_space<vmem>>
    %dma_start3A_232 = arith.constant 0 : i32
    %dma_start3A_233 = tpu.memref_slice %arg2[%dma_start3A_232, %multiple_of3A_228] : memref<5x1000000xf32, #tpu.memory_space<hbm>> -> memref<5x128xf32, #tpu.memory_space<hbm>>
    %dma_start3A_234 = arith.constant 0 : i32
    %dma_start3A_235 = arith.constant 2048 : i32
    %dma_start3A_236 = tpu.memref_slice %arg6[%dma_start3A_234, %dma_start3A_235] : memref<5x4096xf32, #tpu.memory_space<vmem>> -> memref<5x128xf32, #tpu.memory_space<vmem>>
    %dma_start3A_237 = arith.constant 0 : i32
    %dma_start3A_238 = tpu.memref_slice %arg2[%dma_start3A_237, %multiple_of3A_228] : memref<5x1000000xf32, #tpu.memory_space<hbm>> -> memref<5x128xf32, #tpu.memory_space<hbm>>
    tpu.enqueue_dma source(%dma_start3A_238 : memref<5x128xf32, #tpu.memory_space<hbm>>) target(%dma_start3A_236 : memref<5x128xf32, #tpu.memory_space<vmem>>) target_semaphore(%arg9 : memref<!tpu.dma_semaphore, #tpu.memory_space<semaphore_mem>>)
    %slice3A_239 = vector.extract_strided_slice %shift_left3A_225 {offsets = [1], sizes = [1], strides = [1]} : vector<16xi32> to vector<1xi32>
    %squeeze3A_240 = vector.extract %slice3A_239[0] : i32 from vector<1xi32>
    %multiple_of3A_241 = tpu.assume_multiple %squeeze3A_240, 128 : i32
    %dma_start3A_242 = arith.constant 0 : i32
    %dma_start3A_243 = arith.constant 2176 : i32
    %dma_start3A_244 = tpu.memref_slice %arg6[%dma_start3A_242, %dma_start3A_243] : memref<5x4096xf32, #tpu.memory_space<vmem>> -> memref<5x128xf32, #tpu.memory_space<vmem>>
    %dma_start3A_245 = arith.constant 0 : i32
    %dma_start3A_246 = tpu.memref_slice %arg2[%dma_start3A_245, %multiple_of3A_241] : memref<5x1000000xf32, #tpu.memory_space<hbm>> -> memref<5x128xf32, #tpu.memory_space<hbm>>
    %dma_start3A_247 = arith.constant 0 : i32
    %dma_start3A_248 = arith.constant 2176 : i32
    %dma_start3A_249 = tpu.memref_slice %arg6[%dma_start3A_247, %dma_start3A_248] : memref<5x4096xf32, #tpu.memory_space<vmem>> -> memref<5x128xf32, #tpu.memory_space<vmem>>
    %dma_start3A_250 = arith.constant 0 : i32
    %dma_start3A_251 = tpu.memref_slice %arg2[%dma_start3A_250, %multiple_of3A_241] : memref<5x1000000xf32, #tpu.memory_space<hbm>> -> memref<5x128xf32, #tpu.memory_space<hbm>>
    tpu.enqueue_dma source(%dma_start3A_251 : memref<5x128xf32, #tpu.memory_space<hbm>>) target(%dma_start3A_249 : memref<5x128xf32, #tpu.memory_space<vmem>>) target_semaphore(%arg9 : memref<!tpu.dma_semaphore, #tpu.memory_space<semaphore_mem>>)
    %slice3A_252 = vector.extract_strided_slice %shift_left3A_225 {offsets = [2], sizes = [1], strides = [1]} : vector<16xi32> to vector<1xi32>
    %squeeze3A_253 = vector.extract %slice3A_252[0] : i32 from vector<1xi32>
    %multiple_of3A_254 = tpu.assume_multiple %squeeze3A_253, 128 : i32
    %dma_start3A_255 = arith.constant 0 : i32
    %dma_start3A_256 = arith.constant 2304 : i32
    %dma_start3A_257 = tpu.memref_slice %arg6[%dma_start3A_255, %dma_start3A_256] : memref<5x4096xf32, #tpu.memory_space<vmem>> -> memref<5x128xf32, #tpu.memory_space<vmem>>
    %dma_start3A_258 = arith.constant 0 : i32
    %dma_start3A_259 = tpu.memref_slice %arg2[%dma_start3A_258, %multiple_of3A_254] : memref<5x1000000xf32, #tpu.memory_space<hbm>> -> memref<5x128xf32, #tpu.memory_space<hbm>>
    %dma_start3A_260 = arith.constant 0 : i32
    %dma_start3A_261 = arith.constant 2304 : i32
    %dma_start3A_262 = tpu.memref_slice %arg6[%dma_start3A_260, %dma_start3A_261] : memref<5x4096xf32, #tpu.memory_space<vmem>> -> memref<5x128xf32, #tpu.memory_space<vmem>>
    %dma_start3A_263 = arith.constant 0 : i32
    %dma_start3A_264 = tpu.memref_slice %arg2[%dma_start3A_263, %multiple_of3A_254] : memref<5x1000000xf32, #tpu.memory_space<hbm>> -> memref<5x128xf32, #tpu.memory_space<hbm>>
    tpu.enqueue_dma source(%dma_start3A_264 : memref<5x128xf32, #tpu.memory_space<hbm>>) target(%dma_start3A_262 : memref<5x128xf32, #tpu.memory_space<vmem>>) target_semaphore(%arg9 : memref<!tpu.dma_semaphore, #tpu.memory_space<semaphore_mem>>)
    %slice3A_265 = vector.extract_strided_slice %shift_left3A_225 {offsets = [3], sizes = [1], strides = [1]} : vector<16xi32> to vector<1xi32>
    %squeeze3A_266 = vector.extract %slice3A_265[0] : i32 from vector<1xi32>
    %multiple_of3A_267 = tpu.assume_multiple %squeeze3A_266, 128 : i32
    %dma_start3A_268 = arith.constant 0 : i32
    %dma_start3A_269 = arith.constant 2432 : i32
    %dma_start3A_270 = tpu.memref_slice %arg6[%dma_start3A_268, %dma_start3A_269] : memref<5x4096xf32, #tpu.memory_space<vmem>> -> memref<5x128xf32, #tpu.memory_space<vmem>>
    %dma_start3A_271 = arith.constant 0 : i32
    %dma_start3A_272 = tpu.memref_slice %arg2[%dma_start3A_271, %multiple_of3A_267] : memref<5x1000000xf32, #tpu.memory_space<hbm>> -> memref<5x128xf32, #tpu.memory_space<hbm>>
    %dma_start3A_273 = arith.constant 0 : i32
    %dma_start3A_274 = arith.constant 2432 : i32
    %dma_start3A_275 = tpu.memref_slice %arg6[%dma_start3A_273, %dma_start3A_274] : memref<5x4096xf32, #tpu.memory_space<vmem>> -> memref<5x128xf32, #tpu.memory_space<vmem>>
    %dma_start3A_276 = arith.constant 0 : i32
    %dma_start3A_277 = tpu.memref_slice %arg2[%dma_start3A_276, %multiple_of3A_267] : memref<5x1000000xf32, #tpu.memory_space<hbm>> -> memref<5x128xf32, #tpu.memory_space<hbm>>
    tpu.enqueue_dma source(%dma_start3A_277 : memref<5x128xf32, #tpu.memory_space<hbm>>) target(%dma_start3A_275 : memref<5x128xf32, #tpu.memory_space<vmem>>) target_semaphore(%arg9 : memref<!tpu.dma_semaphore, #tpu.memory_space<semaphore_mem>>)
    %slice3A_278 = vector.extract_strided_slice %shift_left3A_225 {offsets = [4], sizes = [1], strides = [1]} : vector<16xi32> to vector<1xi32>
    %squeeze3A_279 = vector.extract %slice3A_278[0] : i32 from vector<1xi32>
    %multiple_of3A_280 = tpu.assume_multiple %squeeze3A_279, 128 : i32
    %dma_start3A_281 = arith.constant 0 : i32
    %dma_start3A_282 = arith.constant 2560 : i32
    %dma_start3A_283 = tpu.memref_slice %arg6[%dma_start3A_281, %dma_start3A_282] : memref<5x4096xf32, #tpu.memory_space<vmem>> -> memref<5x128xf32, #tpu.memory_space<vmem>>
    %dma_start3A_284 = arith.constant 0 : i32
    %dma_start3A_285 = tpu.memref_slice %arg2[%dma_start3A_284, %multiple_of3A_280] : memref<5x1000000xf32, #tpu.memory_space<hbm>> -> memref<5x128xf32, #tpu.memory_space<hbm>>
    %dma_start3A_286 = arith.constant 0 : i32
    %dma_start3A_287 = arith.constant 2560 : i32
    %dma_start3A_288 = tpu.memref_slice %arg6[%dma_start3A_286, %dma_start3A_287] : memref<5x4096xf32, #tpu.memory_space<vmem>> -> memref<5x128xf32, #tpu.memory_space<vmem>>
    %dma_start3A_289 = arith.constant 0 : i32
    %dma_start3A_290 = tpu.memref_slice %arg2[%dma_start3A_289, %multiple_of3A_280] : memref<5x1000000xf32, #tpu.memory_space<hbm>> -> memref<5x128xf32, #tpu.memory_space<hbm>>
    tpu.enqueue_dma source(%dma_start3A_290 : memref<5x128xf32, #tpu.memory_space<hbm>>) target(%dma_start3A_288 : memref<5x128xf32, #tpu.memory_space<vmem>>) target_semaphore(%arg9 : memref<!tpu.dma_semaphore, #tpu.memory_space<semaphore_mem>>)
    %slice3A_291 = vector.extract_strided_slice %shift_left3A_225 {offsets = [5], sizes = [1], strides = [1]} : vector<16xi32> to vector<1xi32>
    %squeeze3A_292 = vector.extract %slice3A_291[0] : i32 from vector<1xi32>
    %multiple_of3A_293 = tpu.assume_multiple %squeeze3A_292, 128 : i32
    %dma_start3A_294 = arith.constant 0 : i32
    %dma_start3A_295 = arith.constant 2688 : i32
    %dma_start3A_296 = tpu.memref_slice %arg6[%dma_start3A_294, %dma_start3A_295] : memref<5x4096xf32, #tpu.memory_space<vmem>> -> memref<5x128xf32, #tpu.memory_space<vmem>>
    %dma_start3A_297 = arith.constant 0 : i32
    %dma_start3A_298 = tpu.memref_slice %arg2[%dma_start3A_297, %multiple_of3A_293] : memref<5x1000000xf32, #tpu.memory_space<hbm>> -> memref<5x128xf32, #tpu.memory_space<hbm>>
    %dma_start3A_299 = arith.constant 0 : i32
    %dma_start3A_300 = arith.constant 2688 : i32
    %dma_start3A_301 = tpu.memref_slice %arg6[%dma_start3A_299, %dma_start3A_300] : memref<5x4096xf32, #tpu.memory_space<vmem>> -> memref<5x128xf32, #tpu.memory_space<vmem>>
    %dma_start3A_302 = arith.constant 0 : i32
    %dma_start3A_303 = tpu.memref_slice %arg2[%dma_start3A_302, %multiple_of3A_293] : memref<5x1000000xf32, #tpu.memory_space<hbm>> -> memref<5x128xf32, #tpu.memory_space<hbm>>
    tpu.enqueue_dma source(%dma_start3A_303 : memref<5x128xf32, #tpu.memory_space<hbm>>) target(%dma_start3A_301 : memref<5x128xf32, #tpu.memory_space<vmem>>) target_semaphore(%arg9 : memref<!tpu.dma_semaphore, #tpu.memory_space<semaphore_mem>>)
    %slice3A_304 = vector.extract_strided_slice %shift_left3A_225 {offsets = [6], sizes = [1], strides = [1]} : vector<16xi32> to vector<1xi32>
    %squeeze3A_305 = vector.extract %slice3A_304[0] : i32 from vector<1xi32>
    %multiple_of3A_306 = tpu.assume_multiple %squeeze3A_305, 128 : i32
    %dma_start3A_307 = arith.constant 0 : i32
    %dma_start3A_308 = arith.constant 2816 : i32
    %dma_start3A_309 = tpu.memref_slice %arg6[%dma_start3A_307, %dma_start3A_308] : memref<5x4096xf32, #tpu.memory_space<vmem>> -> memref<5x128xf32, #tpu.memory_space<vmem>>
    %dma_start3A_310 = arith.constant 0 : i32
    %dma_start3A_311 = tpu.memref_slice %arg2[%dma_start3A_310, %multiple_of3A_306] : memref<5x1000000xf32, #tpu.memory_space<hbm>> -> memref<5x128xf32, #tpu.memory_space<hbm>>
    %dma_start3A_312 = arith.constant 0 : i32
    %dma_start3A_313 = arith.constant 2816 : i32
    %dma_start3A_314 = tpu.memref_slice %arg6[%dma_start3A_312, %dma_start3A_313] : memref<5x4096xf32, #tpu.memory_space<vmem>> -> memref<5x128xf32, #tpu.memory_space<vmem>>
    %dma_start3A_315 = arith.constant 0 : i32
    %dma_start3A_316 = tpu.memref_slice %arg2[%dma_start3A_315, %multiple_of3A_306] : memref<5x1000000xf32, #tpu.memory_space<hbm>> -> memref<5x128xf32, #tpu.memory_space<hbm>>
    tpu.enqueue_dma source(%dma_start3A_316 : memref<5x128xf32, #tpu.memory_space<hbm>>) target(%dma_start3A_314 : memref<5x128xf32, #tpu.memory_space<vmem>>) target_semaphore(%arg9 : memref<!tpu.dma_semaphore, #tpu.memory_space<semaphore_mem>>)
    %slice3A_317 = vector.extract_strided_slice %shift_left3A_225 {offsets = [7], sizes = [1], strides = [1]} : vector<16xi32> to vector<1xi32>
    %squeeze3A_318 = vector.extract %slice3A_317[0] : i32 from vector<1xi32>
    %multiple_of3A_319 = tpu.assume_multiple %squeeze3A_318, 128 : i32
    %dma_start3A_320 = arith.constant 0 : i32
    %dma_start3A_321 = arith.constant 2944 : i32
    %dma_start3A_322 = tpu.memref_slice %arg6[%dma_start3A_320, %dma_start3A_321] : memref<5x4096xf32, #tpu.memory_space<vmem>> -> memref<5x128xf32, #tpu.memory_space<vmem>>
    %dma_start3A_323 = arith.constant 0 : i32
    %dma_start3A_324 = tpu.memref_slice %arg2[%dma_start3A_323, %multiple_of3A_319] : memref<5x1000000xf32, #tpu.memory_space<hbm>> -> memref<5x128xf32, #tpu.memory_space<hbm>>
    %dma_start3A_325 = arith.constant 0 : i32
    %dma_start3A_326 = arith.constant 2944 : i32
    %dma_start3A_327 = tpu.memref_slice %arg6[%dma_start3A_325, %dma_start3A_326] : memref<5x4096xf32, #tpu.memory_space<vmem>> -> memref<5x128xf32, #tpu.memory_space<vmem>>
    %dma_start3A_328 = arith.constant 0 : i32
    %dma_start3A_329 = tpu.memref_slice %arg2[%dma_start3A_328, %multiple_of3A_319] : memref<5x1000000xf32, #tpu.memory_space<hbm>> -> memref<5x128xf32, #tpu.memory_space<hbm>>
    tpu.enqueue_dma source(%dma_start3A_329 : memref<5x128xf32, #tpu.memory_space<hbm>>) target(%dma_start3A_327 : memref<5x128xf32, #tpu.memory_space<vmem>>) target_semaphore(%arg9 : memref<!tpu.dma_semaphore, #tpu.memory_space<semaphore_mem>>)
    %slice3A_330 = vector.extract_strided_slice %shift_left3A_225 {offsets = [8], sizes = [1], strides = [1]} : vector<16xi32> to vector<1xi32>
    %squeeze3A_331 = vector.extract %slice3A_330[0] : i32 from vector<1xi32>
    %multiple_of3A_332 = tpu.assume_multiple %squeeze3A_331, 128 : i32
    %dma_start3A_333 = arith.constant 0 : i32
    %dma_start3A_334 = arith.constant 3072 : i32
    %dma_start3A_335 = tpu.memref_slice %arg6[%dma_start3A_333, %dma_start3A_334] : memref<5x4096xf32, #tpu.memory_space<vmem>> -> memref<5x128xf32, #tpu.memory_space<vmem>>
    %dma_start3A_336 = arith.constant 0 : i32
    %dma_start3A_337 = tpu.memref_slice %arg2[%dma_start3A_336, %multiple_of3A_332] : memref<5x1000000xf32, #tpu.memory_space<hbm>> -> memref<5x128xf32, #tpu.memory_space<hbm>>
    %dma_start3A_338 = arith.constant 0 : i32
    %dma_start3A_339 = arith.constant 3072 : i32
    %dma_start3A_340 = tpu.memref_slice %arg6[%dma_start3A_338, %dma_start3A_339] : memref<5x4096xf32, #tpu.memory_space<vmem>> -> memref<5x128xf32, #tpu.memory_space<vmem>>
    %dma_start3A_341 = arith.constant 0 : i32
    %dma_start3A_342 = tpu.memref_slice %arg2[%dma_start3A_341, %multiple_of3A_332] : memref<5x1000000xf32, #tpu.memory_space<hbm>> -> memref<5x128xf32, #tpu.memory_space<hbm>>
    tpu.enqueue_dma source(%dma_start3A_342 : memref<5x128xf32, #tpu.memory_space<hbm>>) target(%dma_start3A_340 : memref<5x128xf32, #tpu.memory_space<vmem>>) target_semaphore(%arg9 : memref<!tpu.dma_semaphore, #tpu.memory_space<semaphore_mem>>)
    %slice3A_343 = vector.extract_strided_slice %shift_left3A_225 {offsets = [9], sizes = [1], strides = [1]} : vector<16xi32> to vector<1xi32>
    %squeeze3A_344 = vector.extract %slice3A_343[0] : i32 from vector<1xi32>
    %multiple_of3A_345 = tpu.assume_multiple %squeeze3A_344, 128 : i32
    %dma_start3A_346 = arith.constant 0 : i32
    %dma_start3A_347 = arith.constant 3200 : i32
    %dma_start3A_348 = tpu.memref_slice %arg6[%dma_start3A_346, %dma_start3A_347] : memref<5x4096xf32, #tpu.memory_space<vmem>> -> memref<5x128xf32, #tpu.memory_space<vmem>>
    %dma_start3A_349 = arith.constant 0 : i32
    %dma_start3A_350 = tpu.memref_slice %arg2[%dma_start3A_349, %multiple_of3A_345] : memref<5x1000000xf32, #tpu.memory_space<hbm>> -> memref<5x128xf32, #tpu.memory_space<hbm>>
    %dma_start3A_351 = arith.constant 0 : i32
    %dma_start3A_352 = arith.constant 3200 : i32
    %dma_start3A_353 = tpu.memref_slice %arg6[%dma_start3A_351, %dma_start3A_352] : memref<5x4096xf32, #tpu.memory_space<vmem>> -> memref<5x128xf32, #tpu.memory_space<vmem>>
    %dma_start3A_354 = arith.constant 0 : i32
    %dma_start3A_355 = tpu.memref_slice %arg2[%dma_start3A_354, %multiple_of3A_345] : memref<5x1000000xf32, #tpu.memory_space<hbm>> -> memref<5x128xf32, #tpu.memory_space<hbm>>
    tpu.enqueue_dma source(%dma_start3A_355 : memref<5x128xf32, #tpu.memory_space<hbm>>) target(%dma_start3A_353 : memref<5x128xf32, #tpu.memory_space<vmem>>) target_semaphore(%arg9 : memref<!tpu.dma_semaphore, #tpu.memory_space<semaphore_mem>>)
    %slice3A_356 = vector.extract_strided_slice %shift_left3A_225 {offsets = [10], sizes = [1], strides = [1]} : vector<16xi32> to vector<1xi32>
    %squeeze3A_357 = vector.extract %slice3A_356[0] : i32 from vector<1xi32>
    %multiple_of3A_358 = tpu.assume_multiple %squeeze3A_357, 128 : i32
    %dma_start3A_359 = arith.constant 0 : i32
    %dma_start3A_360 = arith.constant 3328 : i32
    %dma_start3A_361 = tpu.memref_slice %arg6[%dma_start3A_359, %dma_start3A_360] : memref<5x4096xf32, #tpu.memory_space<vmem>> -> memref<5x128xf32, #tpu.memory_space<vmem>>
    %dma_start3A_362 = arith.constant 0 : i32
    %dma_start3A_363 = tpu.memref_slice %arg2[%dma_start3A_362, %multiple_of3A_358] : memref<5x1000000xf32, #tpu.memory_space<hbm>> -> memref<5x128xf32, #tpu.memory_space<hbm>>
    %dma_start3A_364 = arith.constant 0 : i32
    %dma_start3A_365 = arith.constant 3328 : i32
    %dma_start3A_366 = tpu.memref_slice %arg6[%dma_start3A_364, %dma_start3A_365] : memref<5x4096xf32, #tpu.memory_space<vmem>> -> memref<5x128xf32, #tpu.memory_space<vmem>>
    %dma_start3A_367 = arith.constant 0 : i32
    %dma_start3A_368 = tpu.memref_slice %arg2[%dma_start3A_367, %multiple_of3A_358] : memref<5x1000000xf32, #tpu.memory_space<hbm>> -> memref<5x128xf32, #tpu.memory_space<hbm>>
    tpu.enqueue_dma source(%dma_start3A_368 : memref<5x128xf32, #tpu.memory_space<hbm>>) target(%dma_start3A_366 : memref<5x128xf32, #tpu.memory_space<vmem>>) target_semaphore(%arg9 : memref<!tpu.dma_semaphore, #tpu.memory_space<semaphore_mem>>)
    %slice3A_369 = vector.extract_strided_slice %shift_left3A_225 {offsets = [11], sizes = [1], strides = [1]} : vector<16xi32> to vector<1xi32>
    %squeeze3A_370 = vector.extract %slice3A_369[0] : i32 from vector<1xi32>
    %multiple_of3A_371 = tpu.assume_multiple %squeeze3A_370, 128 : i32
    %dma_start3A_372 = arith.constant 0 : i32
    %dma_start3A_373 = arith.constant 3456 : i32
    %dma_start3A_374 = tpu.memref_slice %arg6[%dma_start3A_372, %dma_start3A_373] : memref<5x4096xf32, #tpu.memory_space<vmem>> -> memref<5x128xf32, #tpu.memory_space<vmem>>
    %dma_start3A_375 = arith.constant 0 : i32
    %dma_start3A_376 = tpu.memref_slice %arg2[%dma_start3A_375, %multiple_of3A_371] : memref<5x1000000xf32, #tpu.memory_space<hbm>> -> memref<5x128xf32, #tpu.memory_space<hbm>>
    %dma_start3A_377 = arith.constant 0 : i32
    %dma_start3A_378 = arith.constant 3456 : i32
    %dma_start3A_379 = tpu.memref_slice %arg6[%dma_start3A_377, %dma_start3A_378] : memref<5x4096xf32, #tpu.memory_space<vmem>> -> memref<5x128xf32, #tpu.memory_space<vmem>>
    %dma_start3A_380 = arith.constant 0 : i32
    %dma_start3A_381 = tpu.memref_slice %arg2[%dma_start3A_380, %multiple_of3A_371] : memref<5x1000000xf32, #tpu.memory_space<hbm>> -> memref<5x128xf32, #tpu.memory_space<hbm>>
    tpu.enqueue_dma source(%dma_start3A_381 : memref<5x128xf32, #tpu.memory_space<hbm>>) target(%dma_start3A_379 : memref<5x128xf32, #tpu.memory_space<vmem>>) target_semaphore(%arg9 : memref<!tpu.dma_semaphore, #tpu.memory_space<semaphore_mem>>)
    %slice3A_382 = vector.extract_strided_slice %shift_left3A_225 {offsets = [12], sizes = [1], strides = [1]} : vector<16xi32> to vector<1xi32>
    %squeeze3A_383 = vector.extract %slice3A_382[0] : i32 from vector<1xi32>
    %multiple_of3A_384 = tpu.assume_multiple %squeeze3A_383, 128 : i32
    %dma_start3A_385 = arith.constant 0 : i32
    %dma_start3A_386 = arith.constant 3584 : i32
    %dma_start3A_387 = tpu.memref_slice %arg6[%dma_start3A_385, %dma_start3A_386] : memref<5x4096xf32, #tpu.memory_space<vmem>> -> memref<5x128xf32, #tpu.memory_space<vmem>>
    %dma_start3A_388 = arith.constant 0 : i32
    %dma_start3A_389 = tpu.memref_slice %arg2[%dma_start3A_388, %multiple_of3A_384] : memref<5x1000000xf32, #tpu.memory_space<hbm>> -> memref<5x128xf32, #tpu.memory_space<hbm>>
    %dma_start3A_390 = arith.constant 0 : i32
    %dma_start3A_391 = arith.constant 3584 : i32
    %dma_start3A_392 = tpu.memref_slice %arg6[%dma_start3A_390, %dma_start3A_391] : memref<5x4096xf32, #tpu.memory_space<vmem>> -> memref<5x128xf32, #tpu.memory_space<vmem>>
    %dma_start3A_393 = arith.constant 0 : i32
    %dma_start3A_394 = tpu.memref_slice %arg2[%dma_start3A_393, %multiple_of3A_384] : memref<5x1000000xf32, #tpu.memory_space<hbm>> -> memref<5x128xf32, #tpu.memory_space<hbm>>
    tpu.enqueue_dma source(%dma_start3A_394 : memref<5x128xf32, #tpu.memory_space<hbm>>) target(%dma_start3A_392 : memref<5x128xf32, #tpu.memory_space<vmem>>) target_semaphore(%arg9 : memref<!tpu.dma_semaphore, #tpu.memory_space<semaphore_mem>>)
    %slice3A_395 = vector.extract_strided_slice %shift_left3A_225 {offsets = [13], sizes = [1], strides = [1]} : vector<16xi32> to vector<1xi32>
    %squeeze3A_396 = vector.extract %slice3A_395[0] : i32 from vector<1xi32>
    %multiple_of3A_397 = tpu.assume_multiple %squeeze3A_396, 128 : i32
    %dma_start3A_398 = arith.constant 0 : i32
    %dma_start3A_399 = arith.constant 3712 : i32
    %dma_start3A_400 = tpu.memref_slice %arg6[%dma_start3A_398, %dma_start3A_399] : memref<5x4096xf32, #tpu.memory_space<vmem>> -> memref<5x128xf32, #tpu.memory_space<vmem>>
    %dma_start3A_401 = arith.constant 0 : i32
    %dma_start3A_402 = tpu.memref_slice %arg2[%dma_start3A_401, %multiple_of3A_397] : memref<5x1000000xf32, #tpu.memory_space<hbm>> -> memref<5x128xf32, #tpu.memory_space<hbm>>
    %dma_start3A_403 = arith.constant 0 : i32
    %dma_start3A_404 = arith.constant 3712 : i32
    %dma_start3A_405 = tpu.memref_slice %arg6[%dma_start3A_403, %dma_start3A_404] : memref<5x4096xf32, #tpu.memory_space<vmem>> -> memref<5x128xf32, #tpu.memory_space<vmem>>
    %dma_start3A_406 = arith.constant 0 : i32
    %dma_start3A_407 = tpu.memref_slice %arg2[%dma_start3A_406, %multiple_of3A_397] : memref<5x1000000xf32, #tpu.memory_space<hbm>> -> memref<5x128xf32, #tpu.memory_space<hbm>>
    tpu.enqueue_dma source(%dma_start3A_407 : memref<5x128xf32, #tpu.memory_space<hbm>>) target(%dma_start3A_405 : memref<5x128xf32, #tpu.memory_space<vmem>>) target_semaphore(%arg9 : memref<!tpu.dma_semaphore, #tpu.memory_space<semaphore_mem>>)
    %slice3A_408 = vector.extract_strided_slice %shift_left3A_225 {offsets = [14], sizes = [1], strides = [1]} : vector<16xi32> to vector<1xi32>
    %squeeze3A_409 = vector.extract %slice3A_408[0] : i32 from vector<1xi32>
    %multiple_of3A_410 = tpu.assume_multiple %squeeze3A_409, 128 : i32
    %dma_start3A_411 = arith.constant 0 : i32
    %dma_start3A_412 = arith.constant 3840 : i32
    %dma_start3A_413 = tpu.memref_slice %arg6[%dma_start3A_411, %dma_start3A_412] : memref<5x4096xf32, #tpu.memory_space<vmem>> -> memref<5x128xf32, #tpu.memory_space<vmem>>
    %dma_start3A_414 = arith.constant 0 : i32
    %dma_start3A_415 = tpu.memref_slice %arg2[%dma_start3A_414, %multiple_of3A_410] : memref<5x1000000xf32, #tpu.memory_space<hbm>> -> memref<5x128xf32, #tpu.memory_space<hbm>>
    %dma_start3A_416 = arith.constant 0 : i32
    %dma_start3A_417 = arith.constant 3840 : i32
    %dma_start3A_418 = tpu.memref_slice %arg6[%dma_start3A_416, %dma_start3A_417] : memref<5x4096xf32, #tpu.memory_space<vmem>> -> memref<5x128xf32, #tpu.memory_space<vmem>>
    %dma_start3A_419 = arith.constant 0 : i32
    %dma_start3A_420 = tpu.memref_slice %arg2[%dma_start3A_419, %multiple_of3A_410] : memref<5x1000000xf32, #tpu.memory_space<hbm>> -> memref<5x128xf32, #tpu.memory_space<hbm>>
    tpu.enqueue_dma source(%dma_start3A_420 : memref<5x128xf32, #tpu.memory_space<hbm>>) target(%dma_start3A_418 : memref<5x128xf32, #tpu.memory_space<vmem>>) target_semaphore(%arg9 : memref<!tpu.dma_semaphore, #tpu.memory_space<semaphore_mem>>)
    %slice3A_421 = vector.extract_strided_slice %shift_left3A_225 {offsets = [15], sizes = [1], strides = [1]} : vector<16xi32> to vector<1xi32>
    %squeeze3A_422 = vector.extract %slice3A_421[0] : i32 from vector<1xi32>
    %multiple_of3A_423 = tpu.assume_multiple %squeeze3A_422, 128 : i32
    %dma_start3A_424 = arith.constant 0 : i32
    %dma_start3A_425 = arith.constant 3968 : i32
    %dma_start3A_426 = tpu.memref_slice %arg6[%dma_start3A_424, %dma_start3A_425] : memref<5x4096xf32, #tpu.memory_space<vmem>> -> memref<5x128xf32, #tpu.memory_space<vmem>>
    %dma_start3A_427 = arith.constant 0 : i32
    %dma_start3A_428 = tpu.memref_slice %arg2[%dma_start3A_427, %multiple_of3A_423] : memref<5x1000000xf32, #tpu.memory_space<hbm>> -> memref<5x128xf32, #tpu.memory_space<hbm>>
    %dma_start3A_429 = arith.constant 0 : i32
    %dma_start3A_430 = arith.constant 3968 : i32
    %dma_start3A_431 = tpu.memref_slice %arg6[%dma_start3A_429, %dma_start3A_430] : memref<5x4096xf32, #tpu.memory_space<vmem>> -> memref<5x128xf32, #tpu.memory_space<vmem>>
    %dma_start3A_432 = arith.constant 0 : i32
    %dma_start3A_433 = tpu.memref_slice %arg2[%dma_start3A_432, %multiple_of3A_423] : memref<5x1000000xf32, #tpu.memory_space<hbm>> -> memref<5x128xf32, #tpu.memory_space<hbm>>
    tpu.enqueue_dma source(%dma_start3A_433 : memref<5x128xf32, #tpu.memory_space<hbm>>) target(%dma_start3A_431 : memref<5x128xf32, #tpu.memory_space<vmem>>) target_semaphore(%arg9 : memref<!tpu.dma_semaphore, #tpu.memory_space<semaphore_mem>>)
    %scan3A = arith.constant 0 : i32
    %scan3A_434 = arith.constant 8 : i32
    %scan3A_435 = arith.addi %scan3A, %scan3A_434 : i32
    %scan3A_436 = arith.constant 1 : i32
    scf.for %scan3A_438 = %scan3A to %scan3A_435 step %scan3A_436  : i32 {
      %mul3A_439 = arith.constant 1 : i32
      %mul3A_440 = arith.muli %scan3A_438, %mul3A_439 : i32
      %add3A_441 = arith.constant 0 : i32
      %add3A_442 = arith.addi %add3A_441, %mul3A_440 : i32
      %mul3A_443 = arith.constant 2 : i32
      %mul3A_444 = arith.muli %mul3A_443, %add3A_442 : i32
      %add3A_445 = arith.constant 1 : i32
      %add3A_446 = arith.addi %mul3A_444, %add3A_445 : i32
      %mul3A_447 = arith.constant 32 : i32
      %mul3A_448 = arith.muli %add3A_446, %mul3A_447 : i32
      %add3A_449 = arith.constant 0 : i32
      %add3A_450 = arith.addi %mul3A_448, %add3A_449 : i32
      %get3A_451 = arith.constant 0 : i32
      %get3A_452 = arith.index_cast %get3A_451 : i32 to index
      %get3A_453 = arith.index_cast %add3A_450 : i32 to index
      %get3A_454 = tpu.vector_load %arg5[%get3A_452, %get3A_453] {strides = array<i32>} : memref<1x512xf32, #tpu.memory_space<vmem>>, vector<16xf32>,
      %convert_element_type3A_455 = arith.fptosi %get3A_454 : vector<16xf32> to vector<16xi32>
      %shift_right_arithmetic3A_456 = arith.constant 7 : i32
      %shift_right_arithmetic3A_457 = vector.broadcast %shift_right_arithmetic3A_456 : i32 to vector<16xi32>
      %shift_right_arithmetic3A_458 = arith.shrsi %convert_element_type3A_455, %shift_right_arithmetic3A_457 : vector<16xi32>
      %shift_left3A_459 = arith.constant 7 : i32
      %shift_left3A_460 = vector.broadcast %shift_left3A_459 : i32 to vector<16xi32>
      %shift_left3A_461 = arith.shli %shift_right_arithmetic3A_458, %shift_left3A_460 : vector<16xi32>
      %slice3A_462 = vector.extract_strided_slice %shift_left3A_461 {offsets = [0], sizes = [1], strides = [1]} : vector<16xi32> to vector<1xi32>
      %squeeze3A_463 = vector.extract %slice3A_462[0] : i32 from vector<1xi32>
      %multiple_of3A_464 = tpu.assume_multiple %squeeze3A_463, 128 : i32
      %dma_start3A_465 = arith.constant 0 : i32
      %dma_start3A_466 = arith.constant 0 : i32
      %dma_start3A_467 = tpu.memref_slice %arg7[%dma_start3A_465, %dma_start3A_466] : memref<5x4096xf32, #tpu.memory_space<vmem>> -> memref<5x128xf32, #tpu.memory_space<vmem>>
      %dma_start3A_468 = arith.constant 0 : i32
      %dma_start3A_469 = tpu.memref_slice %arg2[%dma_start3A_468, %multiple_of3A_464] : memref<5x1000000xf32, #tpu.memory_space<hbm>> -> memref<5x128xf32, #tpu.memory_space<hbm>>
      %dma_start3A_470 = arith.constant 0 : i32
      %dma_start3A_471 = arith.constant 0 : i32
      %dma_start3A_472 = tpu.memref_slice %arg7[%dma_start3A_470, %dma_start3A_471] : memref<5x4096xf32, #tpu.memory_space<vmem>> -> memref<5x128xf32, #tpu.memory_space<vmem>>
      %dma_start3A_473 = arith.constant 0 : i32
      %dma_start3A_474 = tpu.memref_slice %arg2[%dma_start3A_473, %multiple_of3A_464] : memref<5x1000000xf32, #tpu.memory_space<hbm>> -> memref<5x128xf32, #tpu.memory_space<hbm>>
      tpu.enqueue_dma source(%dma_start3A_474 : memref<5x128xf32, #tpu.memory_space<hbm>>) target(%dma_start3A_472 : memref<5x128xf32, #tpu.memory_space<vmem>>) target_semaphore(%arg10 : memref<!tpu.dma_semaphore, #tpu.memory_space<semaphore_mem>>)
      %slice3A_475 = vector.extract_strided_slice %shift_left3A_461 {offsets = [1], sizes = [1], strides = [1]} : vector<16xi32> to vector<1xi32>
      %squeeze3A_476 = vector.extract %slice3A_475[0] : i32 from vector<1xi32>
      %multiple_of3A_477 = tpu.assume_multiple %squeeze3A_476, 128 : i32
      %dma_start3A_478 = arith.constant 0 : i32
      %dma_start3A_479 = arith.constant 128 : i32
      %dma_start3A_480 = tpu.memref_slice %arg7[%dma_start3A_478, %dma_start3A_479] : memref<5x4096xf32, #tpu.memory_space<vmem>> -> memref<5x128xf32, #tpu.memory_space<vmem>>
      %dma_start3A_481 = arith.constant 0 : i32
      %dma_start3A_482 = tpu.memref_slice %arg2[%dma_start3A_481, %multiple_of3A_477] : memref<5x1000000xf32, #tpu.memory_space<hbm>> -> memref<5x128xf32, #tpu.memory_space<hbm>>
      %dma_start3A_483 = arith.constant 0 : i32
      %dma_start3A_484 = arith.constant 128 : i32
      %dma_start3A_485 = tpu.memref_slice %arg7[%dma_start3A_483, %dma_start3A_484] : memref<5x4096xf32, #tpu.memory_space<vmem>> -> memref<5x128xf32, #tpu.memory_space<vmem>>
      %dma_start3A_486 = arith.constant 0 : i32
      %dma_start3A_487 = tpu.memref_slice %arg2[%dma_start3A_486, %multiple_of3A_477] : memref<5x1000000xf32, #tpu.memory_space<hbm>> -> memref<5x128xf32, #tpu.memory_space<hbm>>
      tpu.enqueue_dma source(%dma_start3A_487 : memref<5x128xf32, #tpu.memory_space<hbm>>) target(%dma_start3A_485 : memref<5x128xf32, #tpu.memory_space<vmem>>) target_semaphore(%arg10 : memref<!tpu.dma_semaphore, #tpu.memory_space<semaphore_mem>>)
      %slice3A_488 = vector.extract_strided_slice %shift_left3A_461 {offsets = [2], sizes = [1], strides = [1]} : vector<16xi32> to vector<1xi32>
      %squeeze3A_489 = vector.extract %slice3A_488[0] : i32 from vector<1xi32>
      %multiple_of3A_490 = tpu.assume_multiple %squeeze3A_489, 128 : i32
      %dma_start3A_491 = arith.constant 0 : i32
      %dma_start3A_492 = arith.constant 256 : i32
      %dma_start3A_493 = tpu.memref_slice %arg7[%dma_start3A_491, %dma_start3A_492] : memref<5x4096xf32, #tpu.memory_space<vmem>> -> memref<5x128xf32, #tpu.memory_space<vmem>>
      %dma_start3A_494 = arith.constant 0 : i32
      %dma_start3A_495 = tpu.memref_slice %arg2[%dma_start3A_494, %multiple_of3A_490] : memref<5x1000000xf32, #tpu.memory_space<hbm>> -> memref<5x128xf32, #tpu.memory_space<hbm>>
      %dma_start3A_496 = arith.constant 0 : i32
      %dma_start3A_497 = arith.constant 256 : i32
      %dma_start3A_498 = tpu.memref_slice %arg7[%dma_start3A_496, %dma_start3A_497] : memref<5x4096xf32, #tpu.memory_space<vmem>> -> memref<5x128xf32, #tpu.memory_space<vmem>>
      %dma_start3A_499 = arith.constant 0 : i32
      %dma_start3A_500 = tpu.memref_slice %arg2[%dma_start3A_499, %multiple_of3A_490] : memref<5x1000000xf32, #tpu.memory_space<hbm>> -> memref<5x128xf32, #tpu.memory_space<hbm>>
      tpu.enqueue_dma source(%dma_start3A_500 : memref<5x128xf32, #tpu.memory_space<hbm>>) target(%dma_start3A_498 : memref<5x128xf32, #tpu.memory_space<vmem>>) target_semaphore(%arg10 : memref<!tpu.dma_semaphore, #tpu.memory_space<semaphore_mem>>)
      %slice3A_501 = vector.extract_strided_slice %shift_left3A_461 {offsets = [3], sizes = [1], strides = [1]} : vector<16xi32> to vector<1xi32>
      %squeeze3A_502 = vector.extract %slice3A_501[0] : i32 from vector<1xi32>
      %multiple_of3A_503 = tpu.assume_multiple %squeeze3A_502, 128 : i32
      %dma_start3A_504 = arith.constant 0 : i32
      %dma_start3A_505 = arith.constant 384 : i32
      %dma_start3A_506 = tpu.memref_slice %arg7[%dma_start3A_504, %dma_start3A_505] : memref<5x4096xf32, #tpu.memory_space<vmem>> -> memref<5x128xf32, #tpu.memory_space<vmem>>
      %dma_start3A_507 = arith.constant 0 : i32
      %dma_start3A_508 = tpu.memref_slice %arg2[%dma_start3A_507, %multiple_of3A_503] : memref<5x1000000xf32, #tpu.memory_space<hbm>> -> memref<5x128xf32, #tpu.memory_space<hbm>>
      %dma_start3A_509 = arith.constant 0 : i32
      %dma_start3A_510 = arith.constant 384 : i32
      %dma_start3A_511 = tpu.memref_slice %arg7[%dma_start3A_509, %dma_start3A_510] : memref<5x4096xf32, #tpu.memory_space<vmem>> -> memref<5x128xf32, #tpu.memory_space<vmem>>
      %dma_start3A_512 = arith.constant 0 : i32
      %dma_start3A_513 = tpu.memref_slice %arg2[%dma_start3A_512, %multiple_of3A_503] : memref<5x1000000xf32, #tpu.memory_space<hbm>> -> memref<5x128xf32, #tpu.memory_space<hbm>>
      tpu.enqueue_dma source(%dma_start3A_513 : memref<5x128xf32, #tpu.memory_space<hbm>>) target(%dma_start3A_511 : memref<5x128xf32, #tpu.memory_space<vmem>>) target_semaphore(%arg10 : memref<!tpu.dma_semaphore, #tpu.memory_space<semaphore_mem>>)
      %slice3A_514 = vector.extract_strided_slice %shift_left3A_461 {offsets = [4], sizes = [1], strides = [1]} : vector<16xi32> to vector<1xi32>
      %squeeze3A_515 = vector.extract %slice3A_514[0] : i32 from vector<1xi32>
      %multiple_of3A_516 = tpu.assume_multiple %squeeze3A_515, 128 : i32
      %dma_start3A_517 = arith.constant 0 : i32
      %dma_start3A_518 = arith.constant 512 : i32
      %dma_start3A_519 = tpu.memref_slice %arg7[%dma_start3A_517, %dma_start3A_518] : memref<5x4096xf32, #tpu.memory_space<vmem>> -> memref<5x128xf32, #tpu.memory_space<vmem>>
      %dma_start3A_520 = arith.constant 0 : i32
      %dma_start3A_521 = tpu.memref_slice %arg2[%dma_start3A_520, %multiple_of3A_516] : memref<5x1000000xf32, #tpu.memory_space<hbm>> -> memref<5x128xf32, #tpu.memory_space<hbm>>
      %dma_start3A_522 = arith.constant 0 : i32
      %dma_start3A_523 = arith.constant 512 : i32
      %dma_start3A_524 = tpu.memref_slice %arg7[%dma_start3A_522, %dma_start3A_523] : memref<5x4096xf32, #tpu.memory_space<vmem>> -> memref<5x128xf32, #tpu.memory_space<vmem>>
      %dma_start3A_525 = arith.constant 0 : i32
      %dma_start3A_526 = tpu.memref_slice %arg2[%dma_start3A_525, %multiple_of3A_516] : memref<5x1000000xf32, #tpu.memory_space<hbm>> -> memref<5x128xf32, #tpu.memory_space<hbm>>
      tpu.enqueue_dma source(%dma_start3A_526 : memref<5x128xf32, #tpu.memory_space<hbm>>) target(%dma_start3A_524 : memref<5x128xf32, #tpu.memory_space<vmem>>) target_semaphore(%arg10 : memref<!tpu.dma_semaphore, #tpu.memory_space<semaphore_mem>>)
      %slice3A_527 = vector.extract_strided_slice %shift_left3A_461 {offsets = [5], sizes = [1], strides = [1]} : vector<16xi32> to vector<1xi32>
      %squeeze3A_528 = vector.extract %slice3A_527[0] : i32 from vector<1xi32>
      %multiple_of3A_529 = tpu.assume_multiple %squeeze3A_528, 128 : i32
      %dma_start3A_530 = arith.constant 0 : i32
      %dma_start3A_531 = arith.constant 640 : i32
      %dma_start3A_532 = tpu.memref_slice %arg7[%dma_start3A_530, %dma_start3A_531] : memref<5x4096xf32, #tpu.memory_space<vmem>> -> memref<5x128xf32, #tpu.memory_space<vmem>>
      %dma_start3A_533 = arith.constant 0 : i32
      %dma_start3A_534 = tpu.memref_slice %arg2[%dma_start3A_533, %multiple_of3A_529] : memref<5x1000000xf32, #tpu.memory_space<hbm>> -> memref<5x128xf32, #tpu.memory_space<hbm>>
      %dma_start3A_535 = arith.constant 0 : i32
      %dma_start3A_536 = arith.constant 640 : i32
      %dma_start3A_537 = tpu.memref_slice %arg7[%dma_start3A_535, %dma_start3A_536] : memref<5x4096xf32, #tpu.memory_space<vmem>> -> memref<5x128xf32, #tpu.memory_space<vmem>>
      %dma_start3A_538 = arith.constant 0 : i32
      %dma_start3A_539 = tpu.memref_slice %arg2[%dma_start3A_538, %multiple_of3A_529] : memref<5x1000000xf32, #tpu.memory_space<hbm>> -> memref<5x128xf32, #tpu.memory_space<hbm>>
      tpu.enqueue_dma source(%dma_start3A_539 : memref<5x128xf32, #tpu.memory_space<hbm>>) target(%dma_start3A_537 : memref<5x128xf32, #tpu.memory_space<vmem>>) target_semaphore(%arg10 : memref<!tpu.dma_semaphore, #tpu.memory_space<semaphore_mem>>)
      %slice3A_540 = vector.extract_strided_slice %shift_left3A_461 {offsets = [6], sizes = [1], strides = [1]} : vector<16xi32> to vector<1xi32>
      %squeeze3A_541 = vector.extract %slice3A_540[0] : i32 from vector<1xi32>
      %multiple_of3A_542 = tpu.assume_multiple %squeeze3A_541, 128 : i32
      %dma_start3A_543 = arith.constant 0 : i32
      %dma_start3A_544 = arith.constant 768 : i32
      %dma_start3A_545 = tpu.memref_slice %arg7[%dma_start3A_543, %dma_start3A_544] : memref<5x4096xf32, #tpu.memory_space<vmem>> -> memref<5x128xf32, #tpu.memory_space<vmem>>
      %dma_start3A_546 = arith.constant 0 : i32
      %dma_start3A_547 = tpu.memref_slice %arg2[%dma_start3A_546, %multiple_of3A_542] : memref<5x1000000xf32, #tpu.memory_space<hbm>> -> memref<5x128xf32, #tpu.memory_space<hbm>>
      %dma_start3A_548 = arith.constant 0 : i32
      %dma_start3A_549 = arith.constant 768 : i32
      %dma_start3A_550 = tpu.memref_slice %arg7[%dma_start3A_548, %dma_start3A_549] : memref<5x4096xf32, #tpu.memory_space<vmem>> -> memref<5x128xf32, #tpu.memory_space<vmem>>
      %dma_start3A_551 = arith.constant 0 : i32
      %dma_start3A_552 = tpu.memref_slice %arg2[%dma_start3A_551, %multiple_of3A_542] : memref<5x1000000xf32, #tpu.memory_space<hbm>> -> memref<5x128xf32, #tpu.memory_space<hbm>>
      tpu.enqueue_dma source(%dma_start3A_552 : memref<5x128xf32, #tpu.memory_space<hbm>>) target(%dma_start3A_550 : memref<5x128xf32, #tpu.memory_space<vmem>>) target_semaphore(%arg10 : memref<!tpu.dma_semaphore, #tpu.memory_space<semaphore_mem>>)
      %slice3A_553 = vector.extract_strided_slice %shift_left3A_461 {offsets = [7], sizes = [1], strides = [1]} : vector<16xi32> to vector<1xi32>
      %squeeze3A_554 = vector.extract %slice3A_553[0] : i32 from vector<1xi32>
      %multiple_of3A_555 = tpu.assume_multiple %squeeze3A_554, 128 : i32
      %dma_start3A_556 = arith.constant 0 : i32
      %dma_start3A_557 = arith.constant 896 : i32
      %dma_start3A_558 = tpu.memref_slice %arg7[%dma_start3A_556, %dma_start3A_557] : memref<5x4096xf32, #tpu.memory_space<vmem>> -> memref<5x128xf32, #tpu.memory_space<vmem>>
      %dma_start3A_559 = arith.constant 0 : i32
      %dma_start3A_560 = tpu.memref_slice %arg2[%dma_start3A_559, %multiple_of3A_555] : memref<5x1000000xf32, #tpu.memory_space<hbm>> -> memref<5x128xf32, #tpu.memory_space<hbm>>
      %dma_start3A_561 = arith.constant 0 : i32
      %dma_start3A_562 = arith.constant 896 : i32
      %dma_start3A_563 = tpu.memref_slice %arg7[%dma_start3A_561, %dma_start3A_562] : memref<5x4096xf32, #tpu.memory_space<vmem>> -> memref<5x128xf32, #tpu.memory_space<vmem>>
      %dma_start3A_564 = arith.constant 0 : i32
      %dma_start3A_565 = tpu.memref_slice %arg2[%dma_start3A_564, %multiple_of3A_555] : memref<5x1000000xf32, #tpu.memory_space<hbm>> -> memref<5x128xf32, #tpu.memory_space<hbm>>
      tpu.enqueue_dma source(%dma_start3A_565 : memref<5x128xf32, #tpu.memory_space<hbm>>) target(%dma_start3A_563 : memref<5x128xf32, #tpu.memory_space<vmem>>) target_semaphore(%arg10 : memref<!tpu.dma_semaphore, #tpu.memory_space<semaphore_mem>>)
      %slice3A_566 = vector.extract_strided_slice %shift_left3A_461 {offsets = [8], sizes = [1], strides = [1]} : vector<16xi32> to vector<1xi32>
      %squeeze3A_567 = vector.extract %slice3A_566[0] : i32 from vector<1xi32>
      %multiple_of3A_568 = tpu.assume_multiple %squeeze3A_567, 128 : i32
      %dma_start3A_569 = arith.constant 0 : i32
      %dma_start3A_570 = arith.constant 1024 : i32
      %dma_start3A_571 = tpu.memref_slice %arg7[%dma_start3A_569, %dma_start3A_570] : memref<5x4096xf32, #tpu.memory_space<vmem>> -> memref<5x128xf32, #tpu.memory_space<vmem>>
      %dma_start3A_572 = arith.constant 0 : i32
      %dma_start3A_573 = tpu.memref_slice %arg2[%dma_start3A_572, %multiple_of3A_568] : memref<5x1000000xf32, #tpu.memory_space<hbm>> -> memref<5x128xf32, #tpu.memory_space<hbm>>
      %dma_start3A_574 = arith.constant 0 : i32
      %dma_start3A_575 = arith.constant 1024 : i32
      %dma_start3A_576 = tpu.memref_slice %arg7[%dma_start3A_574, %dma_start3A_575] : memref<5x4096xf32, #tpu.memory_space<vmem>> -> memref<5x128xf32, #tpu.memory_space<vmem>>
      %dma_start3A_577 = arith.constant 0 : i32
      %dma_start3A_578 = tpu.memref_slice %arg2[%dma_start3A_577, %multiple_of3A_568] : memref<5x1000000xf32, #tpu.memory_space<hbm>> -> memref<5x128xf32, #tpu.memory_space<hbm>>
      tpu.enqueue_dma source(%dma_start3A_578 : memref<5x128xf32, #tpu.memory_space<hbm>>) target(%dma_start3A_576 : memref<5x128xf32, #tpu.memory_space<vmem>>) target_semaphore(%arg10 : memref<!tpu.dma_semaphore, #tpu.memory_space<semaphore_mem>>)
      %slice3A_579 = vector.extract_strided_slice %shift_left3A_461 {offsets = [9], sizes = [1], strides = [1]} : vector<16xi32> to vector<1xi32>
      %squeeze3A_580 = vector.extract %slice3A_579[0] : i32 from vector<1xi32>
      %multiple_of3A_581 = tpu.assume_multiple %squeeze3A_580, 128 : i32
      %dma_start3A_582 = arith.constant 0 : i32
      %dma_start3A_583 = arith.constant 1152 : i32
      %dma_start3A_584 = tpu.memref_slice %arg7[%dma_start3A_582, %dma_start3A_583] : memref<5x4096xf32, #tpu.memory_space<vmem>> -> memref<5x128xf32, #tpu.memory_space<vmem>>
      %dma_start3A_585 = arith.constant 0 : i32
      %dma_start3A_586 = tpu.memref_slice %arg2[%dma_start3A_585, %multiple_of3A_581] : memref<5x1000000xf32, #tpu.memory_space<hbm>> -> memref<5x128xf32, #tpu.memory_space<hbm>>
      %dma_start3A_587 = arith.constant 0 : i32
      %dma_start3A_588 = arith.constant 1152 : i32
      %dma_start3A_589 = tpu.memref_slice %arg7[%dma_start3A_587, %dma_start3A_588] : memref<5x4096xf32, #tpu.memory_space<vmem>> -> memref<5x128xf32, #tpu.memory_space<vmem>>
      %dma_start3A_590 = arith.constant 0 : i32
      %dma_start3A_591 = tpu.memref_slice %arg2[%dma_start3A_590, %multiple_of3A_581] : memref<5x1000000xf32, #tpu.memory_space<hbm>> -> memref<5x128xf32, #tpu.memory_space<hbm>>
      tpu.enqueue_dma source(%dma_start3A_591 : memref<5x128xf32, #tpu.memory_space<hbm>>) target(%dma_start3A_589 : memref<5x128xf32, #tpu.memory_space<vmem>>) target_semaphore(%arg10 : memref<!tpu.dma_semaphore, #tpu.memory_space<semaphore_mem>>)
      %slice3A_592 = vector.extract_strided_slice %shift_left3A_461 {offsets = [10], sizes = [1], strides = [1]} : vector<16xi32> to vector<1xi32>
      %squeeze3A_593 = vector.extract %slice3A_592[0] : i32 from vector<1xi32>
      %multiple_of3A_594 = tpu.assume_multiple %squeeze3A_593, 128 : i32
      %dma_start3A_595 = arith.constant 0 : i32
      %dma_start3A_596 = arith.constant 1280 : i32
      %dma_start3A_597 = tpu.memref_slice %arg7[%dma_start3A_595, %dma_start3A_596] : memref<5x4096xf32, #tpu.memory_space<vmem>> -> memref<5x128xf32, #tpu.memory_space<vmem>>
      %dma_start3A_598 = arith.constant 0 : i32
      %dma_start3A_599 = tpu.memref_slice %arg2[%dma_start3A_598, %multiple_of3A_594] : memref<5x1000000xf32, #tpu.memory_space<hbm>> -> memref<5x128xf32, #tpu.memory_space<hbm>>
      %dma_start3A_600 = arith.constant 0 : i32
      %dma_start3A_601 = arith.constant 1280 : i32
      %dma_start3A_602 = tpu.memref_slice %arg7[%dma_start3A_600, %dma_start3A_601] : memref<5x4096xf32, #tpu.memory_space<vmem>> -> memref<5x128xf32, #tpu.memory_space<vmem>>
      %dma_start3A_603 = arith.constant 0 : i32
      %dma_start3A_604 = tpu.memref_slice %arg2[%dma_start3A_603, %multiple_of3A_594] : memref<5x1000000xf32, #tpu.memory_space<hbm>> -> memref<5x128xf32, #tpu.memory_space<hbm>>
      tpu.enqueue_dma source(%dma_start3A_604 : memref<5x128xf32, #tpu.memory_space<hbm>>) target(%dma_start3A_602 : memref<5x128xf32, #tpu.memory_space<vmem>>) target_semaphore(%arg10 : memref<!tpu.dma_semaphore, #tpu.memory_space<semaphore_mem>>)
      %slice3A_605 = vector.extract_strided_slice %shift_left3A_461 {offsets = [11], sizes = [1], strides = [1]} : vector<16xi32> to vector<1xi32>
      %squeeze3A_606 = vector.extract %slice3A_605[0] : i32 from vector<1xi32>
      %multiple_of3A_607 = tpu.assume_multiple %squeeze3A_606, 128 : i32
      %dma_start3A_608 = arith.constant 0 : i32
      %dma_start3A_609 = arith.constant 1408 : i32
      %dma_start3A_610 = tpu.memref_slice %arg7[%dma_start3A_608, %dma_start3A_609] : memref<5x4096xf32, #tpu.memory_space<vmem>> -> memref<5x128xf32, #tpu.memory_space<vmem>>
      %dma_start3A_611 = arith.constant 0 : i32
      %dma_start3A_612 = tpu.memref_slice %arg2[%dma_start3A_611, %multiple_of3A_607] : memref<5x1000000xf32, #tpu.memory_space<hbm>> -> memref<5x128xf32, #tpu.memory_space<hbm>>
      %dma_start3A_613 = arith.constant 0 : i32
      %dma_start3A_614 = arith.constant 1408 : i32
      %dma_start3A_615 = tpu.memref_slice %arg7[%dma_start3A_613, %dma_start3A_614] : memref<5x4096xf32, #tpu.memory_space<vmem>> -> memref<5x128xf32, #tpu.memory_space<vmem>>
      %dma_start3A_616 = arith.constant 0 : i32
      %dma_start3A_617 = tpu.memref_slice %arg2[%dma_start3A_616, %multiple_of3A_607] : memref<5x1000000xf32, #tpu.memory_space<hbm>> -> memref<5x128xf32, #tpu.memory_space<hbm>>
      tpu.enqueue_dma source(%dma_start3A_617 : memref<5x128xf32, #tpu.memory_space<hbm>>) target(%dma_start3A_615 : memref<5x128xf32, #tpu.memory_space<vmem>>) target_semaphore(%arg10 : memref<!tpu.dma_semaphore, #tpu.memory_space<semaphore_mem>>)
      %slice3A_618 = vector.extract_strided_slice %shift_left3A_461 {offsets = [12], sizes = [1], strides = [1]} : vector<16xi32> to vector<1xi32>
      %squeeze3A_619 = vector.extract %slice3A_618[0] : i32 from vector<1xi32>
      %multiple_of3A_620 = tpu.assume_multiple %squeeze3A_619, 128 : i32
      %dma_start3A_621 = arith.constant 0 : i32
      %dma_start3A_622 = arith.constant 1536 : i32
      %dma_start3A_623 = tpu.memref_slice %arg7[%dma_start3A_621, %dma_start3A_622] : memref<5x4096xf32, #tpu.memory_space<vmem>> -> memref<5x128xf32, #tpu.memory_space<vmem>>
      %dma_start3A_624 = arith.constant 0 : i32
      %dma_start3A_625 = tpu.memref_slice %arg2[%dma_start3A_624, %multiple_of3A_620] : memref<5x1000000xf32, #tpu.memory_space<hbm>> -> memref<5x128xf32, #tpu.memory_space<hbm>>
      %dma_start3A_626 = arith.constant 0 : i32
      %dma_start3A_627 = arith.constant 1536 : i32
      %dma_start3A_628 = tpu.memref_slice %arg7[%dma_start3A_626, %dma_start3A_627] : memref<5x4096xf32, #tpu.memory_space<vmem>> -> memref<5x128xf32, #tpu.memory_space<vmem>>
      %dma_start3A_629 = arith.constant 0 : i32
      %dma_start3A_630 = tpu.memref_slice %arg2[%dma_start3A_629, %multiple_of3A_620] : memref<5x1000000xf32, #tpu.memory_space<hbm>> -> memref<5x128xf32, #tpu.memory_space<hbm>>
      tpu.enqueue_dma source(%dma_start3A_630 : memref<5x128xf32, #tpu.memory_space<hbm>>) target(%dma_start3A_628 : memref<5x128xf32, #tpu.memory_space<vmem>>) target_semaphore(%arg10 : memref<!tpu.dma_semaphore, #tpu.memory_space<semaphore_mem>>)
      %slice3A_631 = vector.extract_strided_slice %shift_left3A_461 {offsets = [13], sizes = [1], strides = [1]} : vector<16xi32> to vector<1xi32>
      %squeeze3A_632 = vector.extract %slice3A_631[0] : i32 from vector<1xi32>
      %multiple_of3A_633 = tpu.assume_multiple %squeeze3A_632, 128 : i32
      %dma_start3A_634 = arith.constant 0 : i32
      %dma_start3A_635 = arith.constant 1664 : i32
      %dma_start3A_636 = tpu.memref_slice %arg7[%dma_start3A_634, %dma_start3A_635] : memref<5x4096xf32, #tpu.memory_space<vmem>> -> memref<5x128xf32, #tpu.memory_space<vmem>>
      %dma_start3A_637 = arith.constant 0 : i32
      %dma_start3A_638 = tpu.memref_slice %arg2[%dma_start3A_637, %multiple_of3A_633] : memref<5x1000000xf32, #tpu.memory_space<hbm>> -> memref<5x128xf32, #tpu.memory_space<hbm>>
      %dma_start3A_639 = arith.constant 0 : i32
      %dma_start3A_640 = arith.constant 1664 : i32
      %dma_start3A_641 = tpu.memref_slice %arg7[%dma_start3A_639, %dma_start3A_640] : memref<5x4096xf32, #tpu.memory_space<vmem>> -> memref<5x128xf32, #tpu.memory_space<vmem>>
      %dma_start3A_642 = arith.constant 0 : i32
      %dma_start3A_643 = tpu.memref_slice %arg2[%dma_start3A_642, %multiple_of3A_633] : memref<5x1000000xf32, #tpu.memory_space<hbm>> -> memref<5x128xf32, #tpu.memory_space<hbm>>
      tpu.enqueue_dma source(%dma_start3A_643 : memref<5x128xf32, #tpu.memory_space<hbm>>) target(%dma_start3A_641 : memref<5x128xf32, #tpu.memory_space<vmem>>) target_semaphore(%arg10 : memref<!tpu.dma_semaphore, #tpu.memory_space<semaphore_mem>>)
      %slice3A_644 = vector.extract_strided_slice %shift_left3A_461 {offsets = [14], sizes = [1], strides = [1]} : vector<16xi32> to vector<1xi32>
      %squeeze3A_645 = vector.extract %slice3A_644[0] : i32 from vector<1xi32>
      %multiple_of3A_646 = tpu.assume_multiple %squeeze3A_645, 128 : i32
      %dma_start3A_647 = arith.constant 0 : i32
      %dma_start3A_648 = arith.constant 1792 : i32
      %dma_start3A_649 = tpu.memref_slice %arg7[%dma_start3A_647, %dma_start3A_648] : memref<5x4096xf32, #tpu.memory_space<vmem>> -> memref<5x128xf32, #tpu.memory_space<vmem>>
      %dma_start3A_650 = arith.constant 0 : i32
      %dma_start3A_651 = tpu.memref_slice %arg2[%dma_start3A_650, %multiple_of3A_646] : memref<5x1000000xf32, #tpu.memory_space<hbm>> -> memref<5x128xf32, #tpu.memory_space<hbm>>
      %dma_start3A_652 = arith.constant 0 : i32
      %dma_start3A_653 = arith.constant 1792 : i32
      %dma_start3A_654 = tpu.memref_slice %arg7[%dma_start3A_652, %dma_start3A_653] : memref<5x4096xf32, #tpu.memory_space<vmem>> -> memref<5x128xf32, #tpu.memory_space<vmem>>
      %dma_start3A_655 = arith.constant 0 : i32
      %dma_start3A_656 = tpu.memref_slice %arg2[%dma_start3A_655, %multiple_of3A_646] : memref<5x1000000xf32, #tpu.memory_space<hbm>> -> memref<5x128xf32, #tpu.memory_space<hbm>>
      tpu.enqueue_dma source(%dma_start3A_656 : memref<5x128xf32, #tpu.memory_space<hbm>>) target(%dma_start3A_654 : memref<5x128xf32, #tpu.memory_space<vmem>>) target_semaphore(%arg10 : memref<!tpu.dma_semaphore, #tpu.memory_space<semaphore_mem>>)
      %slice3A_657 = vector.extract_strided_slice %shift_left3A_461 {offsets = [15], sizes = [1], strides = [1]} : vector<16xi32> to vector<1xi32>
      %squeeze3A_658 = vector.extract %slice3A_657[0] : i32 from vector<1xi32>
      %multiple_of3A_659 = tpu.assume_multiple %squeeze3A_658, 128 : i32
      %dma_start3A_660 = arith.constant 0 : i32
      %dma_start3A_661 = arith.constant 1920 : i32
      %dma_start3A_662 = tpu.memref_slice %arg7[%dma_start3A_660, %dma_start3A_661] : memref<5x4096xf32, #tpu.memory_space<vmem>> -> memref<5x128xf32, #tpu.memory_space<vmem>>
      %dma_start3A_663 = arith.constant 0 : i32
      %dma_start3A_664 = tpu.memref_slice %arg2[%dma_start3A_663, %multiple_of3A_659] : memref<5x1000000xf32, #tpu.memory_space<hbm>> -> memref<5x128xf32, #tpu.memory_space<hbm>>
      %dma_start3A_665 = arith.constant 0 : i32
      %dma_start3A_666 = arith.constant 1920 : i32
      %dma_start3A_667 = tpu.memref_slice %arg7[%dma_start3A_665, %dma_start3A_666] : memref<5x4096xf32, #tpu.memory_space<vmem>> -> memref<5x128xf32, #tpu.memory_space<vmem>>
      %dma_start3A_668 = arith.constant 0 : i32
      %dma_start3A_669 = tpu.memref_slice %arg2[%dma_start3A_668, %multiple_of3A_659] : memref<5x1000000xf32, #tpu.memory_space<hbm>> -> memref<5x128xf32, #tpu.memory_space<hbm>>
      tpu.enqueue_dma source(%dma_start3A_669 : memref<5x128xf32, #tpu.memory_space<hbm>>) target(%dma_start3A_667 : memref<5x128xf32, #tpu.memory_space<vmem>>) target_semaphore(%arg10 : memref<!tpu.dma_semaphore, #tpu.memory_space<semaphore_mem>>)
      %mul3A_670 = arith.constant 32 : i32
      %mul3A_671 = arith.muli %add3A_446, %mul3A_670 : i32
      %add3A_672 = arith.constant 16 : i32
      %add3A_673 = arith.addi %mul3A_671, %add3A_672 : i32
      %get3A_674 = arith.constant 0 : i32
      %get3A_675 = arith.index_cast %get3A_674 : i32 to index
      %get3A_676 = arith.index_cast %add3A_673 : i32 to index
      %get3A_677 = tpu.vector_load %arg5[%get3A_675, %get3A_676] {strides = array<i32>} : memref<1x512xf32, #tpu.memory_space<vmem>>, vector<16xf32>,
      %convert_element_type3A_678 = arith.fptosi %get3A_677 : vector<16xf32> to vector<16xi32>
      %shift_right_arithmetic3A_679 = arith.constant 7 : i32
      %shift_right_arithmetic3A_680 = vector.broadcast %shift_right_arithmetic3A_679 : i32 to vector<16xi32>
      %shift_right_arithmetic3A_681 = arith.shrsi %convert_element_type3A_678, %shift_right_arithmetic3A_680 : vector<16xi32>
      %shift_left3A_682 = arith.constant 7 : i32
      %shift_left3A_683 = vector.broadcast %shift_left3A_682 : i32 to vector<16xi32>
      %shift_left3A_684 = arith.shli %shift_right_arithmetic3A_681, %shift_left3A_683 : vector<16xi32>
      %slice3A_685 = vector.extract_strided_slice %shift_left3A_684 {offsets = [0], sizes = [1], strides = [1]} : vector<16xi32> to vector<1xi32>
      %squeeze3A_686 = vector.extract %slice3A_685[0] : i32 from vector<1xi32>
      %multiple_of3A_687 = tpu.assume_multiple %squeeze3A_686, 128 : i32
      %dma_start3A_688 = arith.constant 0 : i32
      %dma_start3A_689 = arith.constant 2048 : i32
      %dma_start3A_690 = tpu.memref_slice %arg7[%dma_start3A_688, %dma_start3A_689] : memref<5x4096xf32, #tpu.memory_space<vmem>> -> memref<5x128xf32, #tpu.memory_space<vmem>>
      %dma_start3A_691 = arith.constant 0 : i32
      %dma_start3A_692 = tpu.memref_slice %arg2[%dma_start3A_691, %multiple_of3A_687] : memref<5x1000000xf32, #tpu.memory_space<hbm>> -> memref<5x128xf32, #tpu.memory_space<hbm>>
      %dma_start3A_693 = arith.constant 0 : i32
      %dma_start3A_694 = arith.constant 2048 : i32
      %dma_start3A_695 = tpu.memref_slice %arg7[%dma_start3A_693, %dma_start3A_694] : memref<5x4096xf32, #tpu.memory_space<vmem>> -> memref<5x128xf32, #tpu.memory_space<vmem>>
      %dma_start3A_696 = arith.constant 0 : i32
      %dma_start3A_697 = tpu.memref_slice %arg2[%dma_start3A_696, %multiple_of3A_687] : memref<5x1000000xf32, #tpu.memory_space<hbm>> -> memref<5x128xf32, #tpu.memory_space<hbm>>
      tpu.enqueue_dma source(%dma_start3A_697 : memref<5x128xf32, #tpu.memory_space<hbm>>) target(%dma_start3A_695 : memref<5x128xf32, #tpu.memory_space<vmem>>) target_semaphore(%arg10 : memref<!tpu.dma_semaphore, #tpu.memory_space<semaphore_mem>>)
      %slice3A_698 = vector.extract_strided_slice %shift_left3A_684 {offsets = [1], sizes = [1], strides = [1]} : vector<16xi32> to vector<1xi32>
      %squeeze3A_699 = vector.extract %slice3A_698[0] : i32 from vector<1xi32>
      %multiple_of3A_700 = tpu.assume_multiple %squeeze3A_699, 128 : i32
      %dma_start3A_701 = arith.constant 0 : i32
      %dma_start3A_702 = arith.constant 2176 : i32
      %dma_start3A_703 = tpu.memref_slice %arg7[%dma_start3A_701, %dma_start3A_702] : memref<5x4096xf32, #tpu.memory_space<vmem>> -> memref<5x128xf32, #tpu.memory_space<vmem>>
      %dma_start3A_704 = arith.constant 0 : i32
      %dma_start3A_705 = tpu.memref_slice %arg2[%dma_start3A_704, %multiple_of3A_700] : memref<5x1000000xf32, #tpu.memory_space<hbm>> -> memref<5x128xf32, #tpu.memory_space<hbm>>
      %dma_start3A_706 = arith.constant 0 : i32
      %dma_start3A_707 = arith.constant 2176 : i32
      %dma_start3A_708 = tpu.memref_slice %arg7[%dma_start3A_706, %dma_start3A_707] : memref<5x4096xf32, #tpu.memory_space<vmem>> -> memref<5x128xf32, #tpu.memory_space<vmem>>
      %dma_start3A_709 = arith.constant 0 : i32
      %dma_start3A_710 = tpu.memref_slice %arg2[%dma_start3A_709, %multiple_of3A_700] : memref<5x1000000xf32, #tpu.memory_space<hbm>> -> memref<5x128xf32, #tpu.memory_space<hbm>>
      tpu.enqueue_dma source(%dma_start3A_710 : memref<5x128xf32, #tpu.memory_space<hbm>>) target(%dma_start3A_708 : memref<5x128xf32, #tpu.memory_space<vmem>>) target_semaphore(%arg10 : memref<!tpu.dma_semaphore, #tpu.memory_space<semaphore_mem>>)
      %slice3A_711 = vector.extract_strided_slice %shift_left3A_684 {offsets = [2], sizes = [1], strides = [1]} : vector<16xi32> to vector<1xi32>
      %squeeze3A_712 = vector.extract %slice3A_711[0] : i32 from vector<1xi32>
      %multiple_of3A_713 = tpu.assume_multiple %squeeze3A_712, 128 : i32
      %dma_start3A_714 = arith.constant 0 : i32
      %dma_start3A_715 = arith.constant 2304 : i32
      %dma_start3A_716 = tpu.memref_slice %arg7[%dma_start3A_714, %dma_start3A_715] : memref<5x4096xf32, #tpu.memory_space<vmem>> -> memref<5x128xf32, #tpu.memory_space<vmem>>
      %dma_start3A_717 = arith.constant 0 : i32
      %dma_start3A_718 = tpu.memref_slice %arg2[%dma_start3A_717, %multiple_of3A_713] : memref<5x1000000xf32, #tpu.memory_space<hbm>> -> memref<5x128xf32, #tpu.memory_space<hbm>>
      %dma_start3A_719 = arith.constant 0 : i32
      %dma_start3A_720 = arith.constant 2304 : i32
      %dma_start3A_721 = tpu.memref_slice %arg7[%dma_start3A_719, %dma_start3A_720] : memref<5x4096xf32, #tpu.memory_space<vmem>> -> memref<5x128xf32, #tpu.memory_space<vmem>>
      %dma_start3A_722 = arith.constant 0 : i32
      %dma_start3A_723 = tpu.memref_slice %arg2[%dma_start3A_722, %multiple_of3A_713] : memref<5x1000000xf32, #tpu.memory_space<hbm>> -> memref<5x128xf32, #tpu.memory_space<hbm>>
      tpu.enqueue_dma source(%dma_start3A_723 : memref<5x128xf32, #tpu.memory_space<hbm>>) target(%dma_start3A_721 : memref<5x128xf32, #tpu.memory_space<vmem>>) target_semaphore(%arg10 : memref<!tpu.dma_semaphore, #tpu.memory_space<semaphore_mem>>)
      %slice3A_724 = vector.extract_strided_slice %shift_left3A_684 {offsets = [3], sizes = [1], strides = [1]} : vector<16xi32> to vector<1xi32>
      %squeeze3A_725 = vector.extract %slice3A_724[0] : i32 from vector<1xi32>
      %multiple_of3A_726 = tpu.assume_multiple %squeeze3A_725, 128 : i32
      %dma_start3A_727 = arith.constant 0 : i32
      %dma_start3A_728 = arith.constant 2432 : i32
      %dma_start3A_729 = tpu.memref_slice %arg7[%dma_start3A_727, %dma_start3A_728] : memref<5x4096xf32, #tpu.memory_space<vmem>> -> memref<5x128xf32, #tpu.memory_space<vmem>>
      %dma_start3A_730 = arith.constant 0 : i32
      %dma_start3A_731 = tpu.memref_slice %arg2[%dma_start3A_730, %multiple_of3A_726] : memref<5x1000000xf32, #tpu.memory_space<hbm>> -> memref<5x128xf32, #tpu.memory_space<hbm>>
      %dma_start3A_732 = arith.constant 0 : i32
      %dma_start3A_733 = arith.constant 2432 : i32
      %dma_start3A_734 = tpu.memref_slice %arg7[%dma_start3A_732, %dma_start3A_733] : memref<5x4096xf32, #tpu.memory_space<vmem>> -> memref<5x128xf32, #tpu.memory_space<vmem>>
      %dma_start3A_735 = arith.constant 0 : i32
      %dma_start3A_736 = tpu.memref_slice %arg2[%dma_start3A_735, %multiple_of3A_726] : memref<5x1000000xf32, #tpu.memory_space<hbm>> -> memref<5x128xf32, #tpu.memory_space<hbm>>
      tpu.enqueue_dma source(%dma_start3A_736 : memref<5x128xf32, #tpu.memory_space<hbm>>) target(%dma_start3A_734 : memref<5x128xf32, #tpu.memory_space<vmem>>) target_semaphore(%arg10 : memref<!tpu.dma_semaphore, #tpu.memory_space<semaphore_mem>>)
      %slice3A_737 = vector.extract_strided_slice %shift_left3A_684 {offsets = [4], sizes = [1], strides = [1]} : vector<16xi32> to vector<1xi32>
      %squeeze3A_738 = vector.extract %slice3A_737[0] : i32 from vector<1xi32>
      %multiple_of3A_739 = tpu.assume_multiple %squeeze3A_738, 128 : i32
      %dma_start3A_740 = arith.constant 0 : i32
      %dma_start3A_741 = arith.constant 2560 : i32
      %dma_start3A_742 = tpu.memref_slice %arg7[%dma_start3A_740, %dma_start3A_741] : memref<5x4096xf32, #tpu.memory_space<vmem>> -> memref<5x128xf32, #tpu.memory_space<vmem>>
      %dma_start3A_743 = arith.constant 0 : i32
      %dma_start3A_744 = tpu.memref_slice %arg2[%dma_start3A_743, %multiple_of3A_739] : memref<5x1000000xf32, #tpu.memory_space<hbm>> -> memref<5x128xf32, #tpu.memory_space<hbm>>
      %dma_start3A_745 = arith.constant 0 : i32
      %dma_start3A_746 = arith.constant 2560 : i32
      %dma_start3A_747 = tpu.memref_slice %arg7[%dma_start3A_745, %dma_start3A_746] : memref<5x4096xf32, #tpu.memory_space<vmem>> -> memref<5x128xf32, #tpu.memory_space<vmem>>
      %dma_start3A_748 = arith.constant 0 : i32
      %dma_start3A_749 = tpu.memref_slice %arg2[%dma_start3A_748, %multiple_of3A_739] : memref<5x1000000xf32, #tpu.memory_space<hbm>> -> memref<5x128xf32, #tpu.memory_space<hbm>>
      tpu.enqueue_dma source(%dma_start3A_749 : memref<5x128xf32, #tpu.memory_space<hbm>>) target(%dma_start3A_747 : memref<5x128xf32, #tpu.memory_space<vmem>>) target_semaphore(%arg10 : memref<!tpu.dma_semaphore, #tpu.memory_space<semaphore_mem>>)
      %slice3A_750 = vector.extract_strided_slice %shift_left3A_684 {offsets = [5], sizes = [1], strides = [1]} : vector<16xi32> to vector<1xi32>
      %squeeze3A_751 = vector.extract %slice3A_750[0] : i32 from vector<1xi32>
      %multiple_of3A_752 = tpu.assume_multiple %squeeze3A_751, 128 : i32
      %dma_start3A_753 = arith.constant 0 : i32
      %dma_start3A_754 = arith.constant 2688 : i32
      %dma_start3A_755 = tpu.memref_slice %arg7[%dma_start3A_753, %dma_start3A_754] : memref<5x4096xf32, #tpu.memory_space<vmem>> -> memref<5x128xf32, #tpu.memory_space<vmem>>
      %dma_start3A_756 = arith.constant 0 : i32
      %dma_start3A_757 = tpu.memref_slice %arg2[%dma_start3A_756, %multiple_of3A_752] : memref<5x1000000xf32, #tpu.memory_space<hbm>> -> memref<5x128xf32, #tpu.memory_space<hbm>>
      %dma_start3A_758 = arith.constant 0 : i32
      %dma_start3A_759 = arith.constant 2688 : i32
      %dma_start3A_760 = tpu.memref_slice %arg7[%dma_start3A_758, %dma_start3A_759] : memref<5x4096xf32, #tpu.memory_space<vmem>> -> memref<5x128xf32, #tpu.memory_space<vmem>>
      %dma_start3A_761 = arith.constant 0 : i32
      %dma_start3A_762 = tpu.memref_slice %arg2[%dma_start3A_761, %multiple_of3A_752] : memref<5x1000000xf32, #tpu.memory_space<hbm>> -> memref<5x128xf32, #tpu.memory_space<hbm>>
      tpu.enqueue_dma source(%dma_start3A_762 : memref<5x128xf32, #tpu.memory_space<hbm>>) target(%dma_start3A_760 : memref<5x128xf32, #tpu.memory_space<vmem>>) target_semaphore(%arg10 : memref<!tpu.dma_semaphore, #tpu.memory_space<semaphore_mem>>)
      %slice3A_763 = vector.extract_strided_slice %shift_left3A_684 {offsets = [6], sizes = [1], strides = [1]} : vector<16xi32> to vector<1xi32>
      %squeeze3A_764 = vector.extract %slice3A_763[0] : i32 from vector<1xi32>
      %multiple_of3A_765 = tpu.assume_multiple %squeeze3A_764, 128 : i32
      %dma_start3A_766 = arith.constant 0 : i32
      %dma_start3A_767 = arith.constant 2816 : i32
      %dma_start3A_768 = tpu.memref_slice %arg7[%dma_start3A_766, %dma_start3A_767] : memref<5x4096xf32, #tpu.memory_space<vmem>> -> memref<5x128xf32, #tpu.memory_space<vmem>>
      %dma_start3A_769 = arith.constant 0 : i32
      %dma_start3A_770 = tpu.memref_slice %arg2[%dma_start3A_769, %multiple_of3A_765] : memref<5x1000000xf32, #tpu.memory_space<hbm>> -> memref<5x128xf32, #tpu.memory_space<hbm>>
      %dma_start3A_771 = arith.constant 0 : i32
      %dma_start3A_772 = arith.constant 2816 : i32
      %dma_start3A_773 = tpu.memref_slice %arg7[%dma_start3A_771, %dma_start3A_772] : memref<5x4096xf32, #tpu.memory_space<vmem>> -> memref<5x128xf32, #tpu.memory_space<vmem>>
      %dma_start3A_774 = arith.constant 0 : i32
      %dma_start3A_775 = tpu.memref_slice %arg2[%dma_start3A_774, %multiple_of3A_765] : memref<5x1000000xf32, #tpu.memory_space<hbm>> -> memref<5x128xf32, #tpu.memory_space<hbm>>
      tpu.enqueue_dma source(%dma_start3A_775 : memref<5x128xf32, #tpu.memory_space<hbm>>) target(%dma_start3A_773 : memref<5x128xf32, #tpu.memory_space<vmem>>) target_semaphore(%arg10 : memref<!tpu.dma_semaphore, #tpu.memory_space<semaphore_mem>>)
      %slice3A_776 = vector.extract_strided_slice %shift_left3A_684 {offsets = [7], sizes = [1], strides = [1]} : vector<16xi32> to vector<1xi32>
      %squeeze3A_777 = vector.extract %slice3A_776[0] : i32 from vector<1xi32>
      %multiple_of3A_778 = tpu.assume_multiple %squeeze3A_777, 128 : i32
      %dma_start3A_779 = arith.constant 0 : i32
      %dma_start3A_780 = arith.constant 2944 : i32
      %dma_start3A_781 = tpu.memref_slice %arg7[%dma_start3A_779, %dma_start3A_780] : memref<5x4096xf32, #tpu.memory_space<vmem>> -> memref<5x128xf32, #tpu.memory_space<vmem>>
      %dma_start3A_782 = arith.constant 0 : i32
      %dma_start3A_783 = tpu.memref_slice %arg2[%dma_start3A_782, %multiple_of3A_778] : memref<5x1000000xf32, #tpu.memory_space<hbm>> -> memref<5x128xf32, #tpu.memory_space<hbm>>
      %dma_start3A_784 = arith.constant 0 : i32
      %dma_start3A_785 = arith.constant 2944 : i32
      %dma_start3A_786 = tpu.memref_slice %arg7[%dma_start3A_784, %dma_start3A_785] : memref<5x4096xf32, #tpu.memory_space<vmem>> -> memref<5x128xf32, #tpu.memory_space<vmem>>
      %dma_start3A_787 = arith.constant 0 : i32
      %dma_start3A_788 = tpu.memref_slice %arg2[%dma_start3A_787, %multiple_of3A_778] : memref<5x1000000xf32, #tpu.memory_space<hbm>> -> memref<5x128xf32, #tpu.memory_space<hbm>>
      tpu.enqueue_dma source(%dma_start3A_788 : memref<5x128xf32, #tpu.memory_space<hbm>>) target(%dma_start3A_786 : memref<5x128xf32, #tpu.memory_space<vmem>>) target_semaphore(%arg10 : memref<!tpu.dma_semaphore, #tpu.memory_space<semaphore_mem>>)
      %slice3A_789 = vector.extract_strided_slice %shift_left3A_684 {offsets = [8], sizes = [1], strides = [1]} : vector<16xi32> to vector<1xi32>
      %squeeze3A_790 = vector.extract %slice3A_789[0] : i32 from vector<1xi32>
      %multiple_of3A_791 = tpu.assume_multiple %squeeze3A_790, 128 : i32
      %dma_start3A_792 = arith.constant 0 : i32
      %dma_start3A_793 = arith.constant 3072 : i32
      %dma_start3A_794 = tpu.memref_slice %arg7[%dma_start3A_792, %dma_start3A_793] : memref<5x4096xf32, #tpu.memory_space<vmem>> -> memref<5x128xf32, #tpu.memory_space<vmem>>
      %dma_start3A_795 = arith.constant 0 : i32
      %dma_start3A_796 = tpu.memref_slice %arg2[%dma_start3A_795, %multiple_of3A_791] : memref<5x1000000xf32, #tpu.memory_space<hbm>> -> memref<5x128xf32, #tpu.memory_space<hbm>>
      %dma_start3A_797 = arith.constant 0 : i32
      %dma_start3A_798 = arith.constant 3072 : i32
      %dma_start3A_799 = tpu.memref_slice %arg7[%dma_start3A_797, %dma_start3A_798] : memref<5x4096xf32, #tpu.memory_space<vmem>> -> memref<5x128xf32, #tpu.memory_space<vmem>>
      %dma_start3A_800 = arith.constant 0 : i32
      %dma_start3A_801 = tpu.memref_slice %arg2[%dma_start3A_800, %multiple_of3A_791] : memref<5x1000000xf32, #tpu.memory_space<hbm>> -> memref<5x128xf32, #tpu.memory_space<hbm>>
      tpu.enqueue_dma source(%dma_start3A_801 : memref<5x128xf32, #tpu.memory_space<hbm>>) target(%dma_start3A_799 : memref<5x128xf32, #tpu.memory_space<vmem>>) target_semaphore(%arg10 : memref<!tpu.dma_semaphore, #tpu.memory_space<semaphore_mem>>)
      %slice3A_802 = vector.extract_strided_slice %shift_left3A_684 {offsets = [9], sizes = [1], strides = [1]} : vector<16xi32> to vector<1xi32>
      %squeeze3A_803 = vector.extract %slice3A_802[0] : i32 from vector<1xi32>
      %multiple_of3A_804 = tpu.assume_multiple %squeeze3A_803, 128 : i32
      %dma_start3A_805 = arith.constant 0 : i32
      %dma_start3A_806 = arith.constant 3200 : i32
      %dma_start3A_807 = tpu.memref_slice %arg7[%dma_start3A_805, %dma_start3A_806] : memref<5x4096xf32, #tpu.memory_space<vmem>> -> memref<5x128xf32, #tpu.memory_space<vmem>>
      %dma_start3A_808 = arith.constant 0 : i32
      %dma_start3A_809 = tpu.memref_slice %arg2[%dma_start3A_808, %multiple_of3A_804] : memref<5x1000000xf32, #tpu.memory_space<hbm>> -> memref<5x128xf32, #tpu.memory_space<hbm>>
      %dma_start3A_810 = arith.constant 0 : i32
      %dma_start3A_811 = arith.constant 3200 : i32
      %dma_start3A_812 = tpu.memref_slice %arg7[%dma_start3A_810, %dma_start3A_811] : memref<5x4096xf32, #tpu.memory_space<vmem>> -> memref<5x128xf32, #tpu.memory_space<vmem>>
      %dma_start3A_813 = arith.constant 0 : i32
      %dma_start3A_814 = tpu.memref_slice %arg2[%dma_start3A_813, %multiple_of3A_804] : memref<5x1000000xf32, #tpu.memory_space<hbm>> -> memref<5x128xf32, #tpu.memory_space<hbm>>
      tpu.enqueue_dma source(%dma_start3A_814 : memref<5x128xf32, #tpu.memory_space<hbm>>) target(%dma_start3A_812 : memref<5x128xf32, #tpu.memory_space<vmem>>) target_semaphore(%arg10 : memref<!tpu.dma_semaphore, #tpu.memory_space<semaphore_mem>>)
      %slice3A_815 = vector.extract_strided_slice %shift_left3A_684 {offsets = [10], sizes = [1], strides = [1]} : vector<16xi32> to vector<1xi32>
      %squeeze3A_816 = vector.extract %slice3A_815[0] : i32 from vector<1xi32>
      %multiple_of3A_817 = tpu.assume_multiple %squeeze3A_816, 128 : i32
      %dma_start3A_818 = arith.constant 0 : i32
      %dma_start3A_819 = arith.constant 3328 : i32
      %dma_start3A_820 = tpu.memref_slice %arg7[%dma_start3A_818, %dma_start3A_819] : memref<5x4096xf32, #tpu.memory_space<vmem>> -> memref<5x128xf32, #tpu.memory_space<vmem>>
      %dma_start3A_821 = arith.constant 0 : i32
      %dma_start3A_822 = tpu.memref_slice %arg2[%dma_start3A_821, %multiple_of3A_817] : memref<5x1000000xf32, #tpu.memory_space<hbm>> -> memref<5x128xf32, #tpu.memory_space<hbm>>
      %dma_start3A_823 = arith.constant 0 : i32
      %dma_start3A_824 = arith.constant 3328 : i32
      %dma_start3A_825 = tpu.memref_slice %arg7[%dma_start3A_823, %dma_start3A_824] : memref<5x4096xf32, #tpu.memory_space<vmem>> -> memref<5x128xf32, #tpu.memory_space<vmem>>
      %dma_start3A_826 = arith.constant 0 : i32
      %dma_start3A_827 = tpu.memref_slice %arg2[%dma_start3A_826, %multiple_of3A_817] : memref<5x1000000xf32, #tpu.memory_space<hbm>> -> memref<5x128xf32, #tpu.memory_space<hbm>>
      tpu.enqueue_dma source(%dma_start3A_827 : memref<5x128xf32, #tpu.memory_space<hbm>>) target(%dma_start3A_825 : memref<5x128xf32, #tpu.memory_space<vmem>>) target_semaphore(%arg10 : memref<!tpu.dma_semaphore, #tpu.memory_space<semaphore_mem>>)
      %slice3A_828 = vector.extract_strided_slice %shift_left3A_684 {offsets = [11], sizes = [1], strides = [1]} : vector<16xi32> to vector<1xi32>
      %squeeze3A_829 = vector.extract %slice3A_828[0] : i32 from vector<1xi32>
      %multiple_of3A_830 = tpu.assume_multiple %squeeze3A_829, 128 : i32
      %dma_start3A_831 = arith.constant 0 : i32
      %dma_start3A_832 = arith.constant 3456 : i32
      %dma_start3A_833 = tpu.memref_slice %arg7[%dma_start3A_831, %dma_start3A_832] : memref<5x4096xf32, #tpu.memory_space<vmem>> -> memref<5x128xf32, #tpu.memory_space<vmem>>
      %dma_start3A_834 = arith.constant 0 : i32
      %dma_start3A_835 = tpu.memref_slice %arg2[%dma_start3A_834, %multiple_of3A_830] : memref<5x1000000xf32, #tpu.memory_space<hbm>> -> memref<5x128xf32, #tpu.memory_space<hbm>>
      %dma_start3A_836 = arith.constant 0 : i32
      %dma_start3A_837 = arith.constant 3456 : i32
      %dma_start3A_838 = tpu.memref_slice %arg7[%dma_start3A_836, %dma_start3A_837] : memref<5x4096xf32, #tpu.memory_space<vmem>> -> memref<5x128xf32, #tpu.memory_space<vmem>>
      %dma_start3A_839 = arith.constant 0 : i32
      %dma_start3A_840 = tpu.memref_slice %arg2[%dma_start3A_839, %multiple_of3A_830] : memref<5x1000000xf32, #tpu.memory_space<hbm>> -> memref<5x128xf32, #tpu.memory_space<hbm>>
      tpu.enqueue_dma source(%dma_start3A_840 : memref<5x128xf32, #tpu.memory_space<hbm>>) target(%dma_start3A_838 : memref<5x128xf32, #tpu.memory_space<vmem>>) target_semaphore(%arg10 : memref<!tpu.dma_semaphore, #tpu.memory_space<semaphore_mem>>)
      %slice3A_841 = vector.extract_strided_slice %shift_left3A_684 {offsets = [12], sizes = [1], strides = [1]} : vector<16xi32> to vector<1xi32>
      %squeeze3A_842 = vector.extract %slice3A_841[0] : i32 from vector<1xi32>
      %multiple_of3A_843 = tpu.assume_multiple %squeeze3A_842, 128 : i32
      %dma_start3A_844 = arith.constant 0 : i32
      %dma_start3A_845 = arith.constant 3584 : i32
      %dma_start3A_846 = tpu.memref_slice %arg7[%dma_start3A_844, %dma_start3A_845] : memref<5x4096xf32, #tpu.memory_space<vmem>> -> memref<5x128xf32, #tpu.memory_space<vmem>>
      %dma_start3A_847 = arith.constant 0 : i32
      %dma_start3A_848 = tpu.memref_slice %arg2[%dma_start3A_847, %multiple_of3A_843] : memref<5x1000000xf32, #tpu.memory_space<hbm>> -> memref<5x128xf32, #tpu.memory_space<hbm>>
      %dma_start3A_849 = arith.constant 0 : i32
      %dma_start3A_850 = arith.constant 3584 : i32
      %dma_start3A_851 = tpu.memref_slice %arg7[%dma_start3A_849, %dma_start3A_850] : memref<5x4096xf32, #tpu.memory_space<vmem>> -> memref<5x128xf32, #tpu.memory_space<vmem>>
      %dma_start3A_852 = arith.constant 0 : i32
      %dma_start3A_853 = tpu.memref_slice %arg2[%dma_start3A_852, %multiple_of3A_843] : memref<5x1000000xf32, #tpu.memory_space<hbm>> -> memref<5x128xf32, #tpu.memory_space<hbm>>
      tpu.enqueue_dma source(%dma_start3A_853 : memref<5x128xf32, #tpu.memory_space<hbm>>) target(%dma_start3A_851 : memref<5x128xf32, #tpu.memory_space<vmem>>) target_semaphore(%arg10 : memref<!tpu.dma_semaphore, #tpu.memory_space<semaphore_mem>>)
      %slice3A_854 = vector.extract_strided_slice %shift_left3A_684 {offsets = [13], sizes = [1], strides = [1]} : vector<16xi32> to vector<1xi32>
      %squeeze3A_855 = vector.extract %slice3A_854[0] : i32 from vector<1xi32>
      %multiple_of3A_856 = tpu.assume_multiple %squeeze3A_855, 128 : i32
      %dma_start3A_857 = arith.constant 0 : i32
      %dma_start3A_858 = arith.constant 3712 : i32
      %dma_start3A_859 = tpu.memref_slice %arg7[%dma_start3A_857, %dma_start3A_858] : memref<5x4096xf32, #tpu.memory_space<vmem>> -> memref<5x128xf32, #tpu.memory_space<vmem>>
      %dma_start3A_860 = arith.constant 0 : i32
      %dma_start3A_861 = tpu.memref_slice %arg2[%dma_start3A_860, %multiple_of3A_856] : memref<5x1000000xf32, #tpu.memory_space<hbm>> -> memref<5x128xf32, #tpu.memory_space<hbm>>
      %dma_start3A_862 = arith.constant 0 : i32
      %dma_start3A_863 = arith.constant 3712 : i32
      %dma_start3A_864 = tpu.memref_slice %arg7[%dma_start3A_862, %dma_start3A_863] : memref<5x4096xf32, #tpu.memory_space<vmem>> -> memref<5x128xf32, #tpu.memory_space<vmem>>
      %dma_start3A_865 = arith.constant 0 : i32
      %dma_start3A_866 = tpu.memref_slice %arg2[%dma_start3A_865, %multiple_of3A_856] : memref<5x1000000xf32, #tpu.memory_space<hbm>> -> memref<5x128xf32, #tpu.memory_space<hbm>>
      tpu.enqueue_dma source(%dma_start3A_866 : memref<5x128xf32, #tpu.memory_space<hbm>>) target(%dma_start3A_864 : memref<5x128xf32, #tpu.memory_space<vmem>>) target_semaphore(%arg10 : memref<!tpu.dma_semaphore, #tpu.memory_space<semaphore_mem>>)
      %slice3A_867 = vector.extract_strided_slice %shift_left3A_684 {offsets = [14], sizes = [1], strides = [1]} : vector<16xi32> to vector<1xi32>
      %squeeze3A_868 = vector.extract %slice3A_867[0] : i32 from vector<1xi32>
      %multiple_of3A_869 = tpu.assume_multiple %squeeze3A_868, 128 : i32
      %dma_start3A_870 = arith.constant 0 : i32
      %dma_start3A_871 = arith.constant 3840 : i32
      %dma_start3A_872 = tpu.memref_slice %arg7[%dma_start3A_870, %dma_start3A_871] : memref<5x4096xf32, #tpu.memory_space<vmem>> -> memref<5x128xf32, #tpu.memory_space<vmem>>
      %dma_start3A_873 = arith.constant 0 : i32
      %dma_start3A_874 = tpu.memref_slice %arg2[%dma_start3A_873, %multiple_of3A_869] : memref<5x1000000xf32, #tpu.memory_space<hbm>> -> memref<5x128xf32, #tpu.memory_space<hbm>>
      %dma_start3A_875 = arith.constant 0 : i32
      %dma_start3A_876 = arith.constant 3840 : i32
      %dma_start3A_877 = tpu.memref_slice %arg7[%dma_start3A_875, %dma_start3A_876] : memref<5x4096xf32, #tpu.memory_space<vmem>> -> memref<5x128xf32, #tpu.memory_space<vmem>>
      %dma_start3A_878 = arith.constant 0 : i32
      %dma_start3A_879 = tpu.memref_slice %arg2[%dma_start3A_878, %multiple_of3A_869] : memref<5x1000000xf32, #tpu.memory_space<hbm>> -> memref<5x128xf32, #tpu.memory_space<hbm>>
      tpu.enqueue_dma source(%dma_start3A_879 : memref<5x128xf32, #tpu.memory_space<hbm>>) target(%dma_start3A_877 : memref<5x128xf32, #tpu.memory_space<vmem>>) target_semaphore(%arg10 : memref<!tpu.dma_semaphore, #tpu.memory_space<semaphore_mem>>)
      %slice3A_880 = vector.extract_strided_slice %shift_left3A_684 {offsets = [15], sizes = [1], strides = [1]} : vector<16xi32> to vector<1xi32>
      %squeeze3A_881 = vector.extract %slice3A_880[0] : i32 from vector<1xi32>
      %multiple_of3A_882 = tpu.assume_multiple %squeeze3A_881, 128 : i32
      %dma_start3A_883 = arith.constant 0 : i32
      %dma_start3A_884 = arith.constant 3968 : i32
      %dma_start3A_885 = tpu.memref_slice %arg7[%dma_start3A_883, %dma_start3A_884] : memref<5x4096xf32, #tpu.memory_space<vmem>> -> memref<5x128xf32, #tpu.memory_space<vmem>>
      %dma_start3A_886 = arith.constant 0 : i32
      %dma_start3A_887 = tpu.memref_slice %arg2[%dma_start3A_886, %multiple_of3A_882] : memref<5x1000000xf32, #tpu.memory_space<hbm>> -> memref<5x128xf32, #tpu.memory_space<hbm>>
      %dma_start3A_888 = arith.constant 0 : i32
      %dma_start3A_889 = arith.constant 3968 : i32
      %dma_start3A_890 = tpu.memref_slice %arg7[%dma_start3A_888, %dma_start3A_889] : memref<5x4096xf32, #tpu.memory_space<vmem>> -> memref<5x128xf32, #tpu.memory_space<vmem>>
      %dma_start3A_891 = arith.constant 0 : i32
      %dma_start3A_892 = tpu.memref_slice %arg2[%dma_start3A_891, %multiple_of3A_882] : memref<5x1000000xf32, #tpu.memory_space<hbm>> -> memref<5x128xf32, #tpu.memory_space<hbm>>
      tpu.enqueue_dma source(%dma_start3A_892 : memref<5x128xf32, #tpu.memory_space<hbm>>) target(%dma_start3A_890 : memref<5x128xf32, #tpu.memory_space<vmem>>) target_semaphore(%arg10 : memref<!tpu.dma_semaphore, #tpu.memory_space<semaphore_mem>>)
      %mul3A_893 = arith.constant 2 : i32
      %mul3A_894 = arith.muli %mul3A_893, %add3A_442 : i32
      %scan3A_895 = arith.constant 0 : i32
      %scan3A_896 = arith.constant 32 : i32
      %scan3A_897 = arith.addi %scan3A_895, %scan3A_896 : i32
      %scan3A_898 = arith.constant 1 : i32
      scf.for %scan3A_1204 = %scan3A_895 to %scan3A_897 step %scan3A_898  : i32 {
        %mul3A_1205 = arith.constant 1 : i32
        %mul3A_1206 = arith.muli %scan3A_1204, %mul3A_1205 : i32
        %add3A_1207 = arith.constant 0 : i32
        %add3A_1208 = arith.addi %add3A_1207, %mul3A_1206 : i32
        %dma_wait3A = arith.constant 0 : i32
        %dma_wait3A_1209 = arith.constant 0 : i32
        %dma_wait3A_1210 = tpu.memref_slice %arg6[%dma_wait3A, %dma_wait3A_1209] : memref<5x4096xf32, #tpu.memory_space<vmem>> -> memref<5x128xf32, #tpu.memory_space<vmem>>
        %dma_wait3A_1211 = arith.constant 0 : i32
        %dma_wait3A_1212 = arith.constant 0 : i32
        %dma_wait3A_1213 = tpu.memref_slice %arg2[%dma_wait3A_1211, %dma_wait3A_1212] : memref<5x1000000xf32, #tpu.memory_space<hbm>> -> memref<5x128xf32, #tpu.memory_space<hbm>>
        %dma_wait3A_1214 = arith.constant 0 : i32
        %dma_wait3A_1215 = arith.constant 0 : i32
        %dma_wait3A_1216 = tpu.memref_slice %arg6[%dma_wait3A_1214, %dma_wait3A_1215] : memref<5x4096xf32, #tpu.memory_space<vmem>> -> memref<5x128xf32, #tpu.memory_space<vmem>>
        %dma_wait3A_1217 = arith.constant 0 : i32
        %dma_wait3A_1218 = arith.constant 0 : i32
        %dma_wait3A_1219 = tpu.memref_slice %arg2[%dma_wait3A_1217, %dma_wait3A_1218] : memref<5x1000000xf32, #tpu.memory_space<hbm>> -> memref<5x128xf32, #tpu.memory_space<hbm>>
        tpu.wait_dma2 semaphore(%arg9 : memref<!tpu.dma_semaphore, #tpu.memory_space<semaphore_mem>>) src(%dma_wait3A_1219 : memref<5x128xf32, #tpu.memory_space<hbm>>) dst(%dma_wait3A_1216 : memref<5x128xf32, #tpu.memory_space<vmem>>)
      }
      %scan3A_899 = arith.constant 32 : i32
      %mul3A_900 = arith.constant 32 : i32
      %mul3A_901 = arith.muli %mul3A_894, %mul3A_900 : i32
      %add3A_902 = arith.constant 0 : i32
      %add3A_903 = arith.addi %mul3A_901, %add3A_902 : i32
      %get3A_904 = arith.constant 0 : i32
      %get3A_905 = arith.index_cast %get3A_904 : i32 to index
      %get3A_906 = arith.index_cast %add3A_903 : i32 to index
      %get3A_907 = tpu.vector_load %arg5[%get3A_905, %get3A_906] {strides = array<i32>} : memref<1x512xf32, #tpu.memory_space<vmem>>, vector<16xf32>,
      %convert_element_type3A_908 = arith.fptosi %get3A_907 : vector<16xf32> to vector<16xi32>
      %mul3A_909 = arith.constant 128 : i32
      %mul3A_910 = vector.broadcast %mul3A_909 : i32 to vector<16xi32>
      %mul3A_911 = arith.muli %iota3A, %mul3A_910 : vector<16xi32>
      %add3A_912 = arith.constant 0 : i32
      %add3A_913 = vector.broadcast %add3A_912 : i32 to vector<16xi32>
      %add3A_914 = arith.addi %add3A_913, %mul3A_911 : vector<16xi32>
      %and3A = arith.constant 127 : i32
      %and3A_915 = vector.broadcast %and3A : i32 to vector<16xi32>
      %and3A_916 = arith.andi %convert_element_type3A_908, %and3A_915 : vector<16xi32>
      %add3A_917 = arith.addi %add3A_914, %and3A_916 : vector<16xi32>
      %broadcast_in_dim3A = arith.constant 0 : i32
      %broadcast_in_dim3A_918 = vector.broadcast %broadcast_in_dim3A : i32 to vector<16xi32>
      %gather3A = tpu.vector_load_idx %arg6[%broadcast_in_dim3A_918, %add3A_917] : memref<5x4096xf32, #tpu.memory_space<vmem>>[vector<16xi32>, vector<16xi32>], vector<16xf32>,
      %mul3A_919 = arith.constant 32 : i32
      %mul3A_920 = arith.muli %mul3A_894, %mul3A_919 : i32
      %add3A_921 = arith.constant 0 : i32
      %add3A_922 = arith.addi %mul3A_920, %add3A_921 : i32
      %swap3A = arith.constant 0 : i32
      %swap3A_923 = arith.index_cast %swap3A : i32 to index
      %swap3A_924 = arith.index_cast %add3A_922 : i32 to index
      %swap3A_925 = tpu.vector_load %arg8[%swap3A_923, %swap3A_924] {strides = array<i32>} : memref<5x512xf32, #tpu.memory_space<vmem>>, vector<16xf32>,
      tpu.vector_store %arg8[%swap3A_923, %swap3A_924], %gather3A {strides = array<i32>} : memref<5x512xf32, #tpu.memory_space<vmem>>, vector<16xf32>,
      %broadcast_in_dim3A_926 = arith.constant 1 : i32
      %broadcast_in_dim3A_927 = vector.broadcast %broadcast_in_dim3A_926 : i32 to vector<16xi32>
      %gather3A_928 = tpu.vector_load_idx %arg6[%broadcast_in_dim3A_927, %add3A_917] : memref<5x4096xf32, #tpu.memory_space<vmem>>[vector<16xi32>, vector<16xi32>], vector<16xf32>,
      %mul3A_929 = arith.constant 32 : i32
      %mul3A_930 = arith.muli %mul3A_894, %mul3A_929 : i32
      %add3A_931 = arith.constant 0 : i32
      %add3A_932 = arith.addi %mul3A_930, %add3A_931 : i32
      %swap3A_933 = arith.constant 1 : i32
      %swap3A_934 = arith.index_cast %swap3A_933 : i32 to index
      %swap3A_935 = arith.index_cast %add3A_932 : i32 to index
      %swap3A_936 = tpu.vector_load %arg8[%swap3A_934, %swap3A_935] {strides = array<i32>} : memref<5x512xf32, #tpu.memory_space<vmem>>, vector<16xf32>,
      tpu.vector_store %arg8[%swap3A_934, %swap3A_935], %gather3A_928 {strides = array<i32>} : memref<5x512xf32, #tpu.memory_space<vmem>>, vector<16xf32>,
      %broadcast_in_dim3A_937 = arith.constant 2 : i32
      %broadcast_in_dim3A_938 = vector.broadcast %broadcast_in_dim3A_937 : i32 to vector<16xi32>
      %gather3A_939 = tpu.vector_load_idx %arg6[%broadcast_in_dim3A_938, %add3A_917] : memref<5x4096xf32, #tpu.memory_space<vmem>>[vector<16xi32>, vector<16xi32>], vector<16xf32>,
      %mul3A_940 = arith.constant 32 : i32
      %mul3A_941 = arith.muli %mul3A_894, %mul3A_940 : i32
      %add3A_942 = arith.constant 0 : i32
      %add3A_943 = arith.addi %mul3A_941, %add3A_942 : i32
      %swap3A_944 = arith.constant 2 : i32
      %swap3A_945 = arith.index_cast %swap3A_944 : i32 to index
      %swap3A_946 = arith.index_cast %add3A_943 : i32 to index
      %swap3A_947 = tpu.vector_load %arg8[%swap3A_945, %swap3A_946] {strides = array<i32>} : memref<5x512xf32, #tpu.memory_space<vmem>>, vector<16xf32>,
      tpu.vector_store %arg8[%swap3A_945, %swap3A_946], %gather3A_939 {strides = array<i32>} : memref<5x512xf32, #tpu.memory_space<vmem>>, vector<16xf32>,
      %broadcast_in_dim3A_948 = arith.constant 3 : i32
      %broadcast_in_dim3A_949 = vector.broadcast %broadcast_in_dim3A_948 : i32 to vector<16xi32>
      %gather3A_950 = tpu.vector_load_idx %arg6[%broadcast_in_dim3A_949, %add3A_917] : memref<5x4096xf32, #tpu.memory_space<vmem>>[vector<16xi32>, vector<16xi32>], vector<16xf32>,
      %mul3A_951 = arith.constant 32 : i32
      %mul3A_952 = arith.muli %mul3A_894, %mul3A_951 : i32
      %add3A_953 = arith.constant 0 : i32
      %add3A_954 = arith.addi %mul3A_952, %add3A_953 : i32
      %swap3A_955 = arith.constant 3 : i32
      %swap3A_956 = arith.index_cast %swap3A_955 : i32 to index
      %swap3A_957 = arith.index_cast %add3A_954 : i32 to index
      %swap3A_958 = tpu.vector_load %arg8[%swap3A_956, %swap3A_957] {strides = array<i32>} : memref<5x512xf32, #tpu.memory_space<vmem>>, vector<16xf32>,
      tpu.vector_store %arg8[%swap3A_956, %swap3A_957], %gather3A_950 {strides = array<i32>} : memref<5x512xf32, #tpu.memory_space<vmem>>, vector<16xf32>,
      %broadcast_in_dim3A_959 = arith.constant 4 : i32
      %broadcast_in_dim3A_960 = vector.broadcast %broadcast_in_dim3A_959 : i32 to vector<16xi32>
      %gather3A_961 = tpu.vector_load_idx %arg6[%broadcast_in_dim3A_960, %add3A_917] : memref<5x4096xf32, #tpu.memory_space<vmem>>[vector<16xi32>, vector<16xi32>], vector<16xf32>,
      %mul3A_962 = arith.constant 32 : i32
      %mul3A_963 = arith.muli %mul3A_894, %mul3A_962 : i32
      %add3A_964 = arith.constant 0 : i32
      %add3A_965 = arith.addi %mul3A_963, %add3A_964 : i32
      %swap3A_966 = arith.constant 4 : i32
      %swap3A_967 = arith.index_cast %swap3A_966 : i32 to index
      %swap3A_968 = arith.index_cast %add3A_965 : i32 to index
      %swap3A_969 = tpu.vector_load %arg8[%swap3A_967, %swap3A_968] {strides = array<i32>} : memref<5x512xf32, #tpu.memory_space<vmem>>, vector<16xf32>,
      tpu.vector_store %arg8[%swap3A_967, %swap3A_968], %gather3A_961 {strides = array<i32>} : memref<5x512xf32, #tpu.memory_space<vmem>>, vector<16xf32>,
      %mul3A_970 = arith.constant 32 : i32
      %mul3A_971 = arith.muli %mul3A_894, %mul3A_970 : i32
      %add3A_972 = arith.constant 16 : i32
      %add3A_973 = arith.addi %mul3A_971, %add3A_972 : i32
      %get3A_974 = arith.constant 0 : i32
      %get3A_975 = arith.index_cast %get3A_974 : i32 to index
      %get3A_976 = arith.index_cast %add3A_973 : i32 to index
      %get3A_977 = tpu.vector_load %arg5[%get3A_975, %get3A_976] {strides = array<i32>} : memref<1x512xf32, #tpu.memory_space<vmem>>, vector<16xf32>,
      %convert_element_type3A_978 = arith.fptosi %get3A_977 : vector<16xf32> to vector<16xi32>
      %mul3A_979 = arith.constant 128 : i32
      %mul3A_980 = vector.broadcast %mul3A_979 : i32 to vector<16xi32>
      %mul3A_981 = arith.muli %iota3A, %mul3A_980 : vector<16xi32>
      %add3A_982 = arith.constant 2048 : i32
      %add3A_983 = vector.broadcast %add3A_982 : i32 to vector<16xi32>
      %add3A_984 = arith.addi %add3A_983, %mul3A_981 : vector<16xi32>
      %and3A_985 = arith.constant 127 : i32
      %and3A_986 = vector.broadcast %and3A_985 : i32 to vector<16xi32>
      %and3A_987 = arith.andi %convert_element_type3A_978, %and3A_986 : vector<16xi32>
      %add3A_988 = arith.addi %add3A_984, %and3A_987 : vector<16xi32>
      %broadcast_in_dim3A_989 = arith.constant 0 : i32
      %broadcast_in_dim3A_990 = vector.broadcast %broadcast_in_dim3A_989 : i32 to vector<16xi32>
      %gather3A_991 = tpu.vector_load_idx %arg6[%broadcast_in_dim3A_990, %add3A_988] : memref<5x4096xf32, #tpu.memory_space<vmem>>[vector<16xi32>, vector<16xi32>], vector<16xf32>,
      %mul3A_992 = arith.constant 32 : i32
      %mul3A_993 = arith.muli %mul3A_894, %mul3A_992 : i32
      %add3A_994 = arith.constant 16 : i32
      %add3A_995 = arith.addi %mul3A_993, %add3A_994 : i32
      %swap3A_996 = arith.constant 0 : i32
      %swap3A_997 = arith.index_cast %swap3A_996 : i32 to index
      %swap3A_998 = arith.index_cast %add3A_995 : i32 to index
      %swap3A_999 = tpu.vector_load %arg8[%swap3A_997, %swap3A_998] {strides = array<i32>} : memref<5x512xf32, #tpu.memory_space<vmem>>, vector<16xf32>,
      tpu.vector_store %arg8[%swap3A_997, %swap3A_998], %gather3A_991 {strides = array<i32>} : memref<5x512xf32, #tpu.memory_space<vmem>>, vector<16xf32>,
      %broadcast_in_dim3A_1000 = arith.constant 1 : i32
      %broadcast_in_dim3A_1001 = vector.broadcast %broadcast_in_dim3A_1000 : i32 to vector<16xi32>
      %gather3A_1002 = tpu.vector_load_idx %arg6[%broadcast_in_dim3A_1001, %add3A_988] : memref<5x4096xf32, #tpu.memory_space<vmem>>[vector<16xi32>, vector<16xi32>], vector<16xf32>,
      %mul3A_1003 = arith.constant 32 : i32
      %mul3A_1004 = arith.muli %mul3A_894, %mul3A_1003 : i32
      %add3A_1005 = arith.constant 16 : i32
      %add3A_1006 = arith.addi %mul3A_1004, %add3A_1005 : i32
      %swap3A_1007 = arith.constant 1 : i32
      %swap3A_1008 = arith.index_cast %swap3A_1007 : i32 to index
      %swap3A_1009 = arith.index_cast %add3A_1006 : i32 to index
      %swap3A_1010 = tpu.vector_load %arg8[%swap3A_1008, %swap3A_1009] {strides = array<i32>} : memref<5x512xf32, #tpu.memory_space<vmem>>, vector<16xf32>,
      tpu.vector_store %arg8[%swap3A_1008, %swap3A_1009], %gather3A_1002 {strides = array<i32>} : memref<5x512xf32, #tpu.memory_space<vmem>>, vector<16xf32>,
      %broadcast_in_dim3A_1011 = arith.constant 2 : i32
      %broadcast_in_dim3A_1012 = vector.broadcast %broadcast_in_dim3A_1011 : i32 to vector<16xi32>
      %gather3A_1013 = tpu.vector_load_idx %arg6[%broadcast_in_dim3A_1012, %add3A_988] : memref<5x4096xf32, #tpu.memory_space<vmem>>[vector<16xi32>, vector<16xi32>], vector<16xf32>,
      %mul3A_1014 = arith.constant 32 : i32
      %mul3A_1015 = arith.muli %mul3A_894, %mul3A_1014 : i32
      %add3A_1016 = arith.constant 16 : i32
      %add3A_1017 = arith.addi %mul3A_1015, %add3A_1016 : i32
      %swap3A_1018 = arith.constant 2 : i32
      %swap3A_1019 = arith.index_cast %swap3A_1018 : i32 to index
      %swap3A_1020 = arith.index_cast %add3A_1017 : i32 to index
      %swap3A_1021 = tpu.vector_load %arg8[%swap3A_1019, %swap3A_1020] {strides = array<i32>} : memref<5x512xf32, #tpu.memory_space<vmem>>, vector<16xf32>,
      tpu.vector_store %arg8[%swap3A_1019, %swap3A_1020], %gather3A_1013 {strides = array<i32>} : memref<5x512xf32, #tpu.memory_space<vmem>>, vector<16xf32>,
      %broadcast_in_dim3A_1022 = arith.constant 3 : i32
      %broadcast_in_dim3A_1023 = vector.broadcast %broadcast_in_dim3A_1022 : i32 to vector<16xi32>
      %gather3A_1024 = tpu.vector_load_idx %arg6[%broadcast_in_dim3A_1023, %add3A_988] : memref<5x4096xf32, #tpu.memory_space<vmem>>[vector<16xi32>, vector<16xi32>], vector<16xf32>,
      %mul3A_1025 = arith.constant 32 : i32
      %mul3A_1026 = arith.muli %mul3A_894, %mul3A_1025 : i32
      %add3A_1027 = arith.constant 16 : i32
      %add3A_1028 = arith.addi %mul3A_1026, %add3A_1027 : i32
      %swap3A_1029 = arith.constant 3 : i32
      %swap3A_1030 = arith.index_cast %swap3A_1029 : i32 to index
      %swap3A_1031 = arith.index_cast %add3A_1028 : i32 to index
      %swap3A_1032 = tpu.vector_load %arg8[%swap3A_1030, %swap3A_1031] {strides = array<i32>} : memref<5x512xf32, #tpu.memory_space<vmem>>, vector<16xf32>,
      tpu.vector_store %arg8[%swap3A_1030, %swap3A_1031], %gather3A_1024 {strides = array<i32>} : memref<5x512xf32, #tpu.memory_space<vmem>>, vector<16xf32>,
      %broadcast_in_dim3A_1033 = arith.constant 4 : i32
      %broadcast_in_dim3A_1034 = vector.broadcast %broadcast_in_dim3A_1033 : i32 to vector<16xi32>
      %gather3A_1035 = tpu.vector_load_idx %arg6[%broadcast_in_dim3A_1034, %add3A_988] : memref<5x4096xf32, #tpu.memory_space<vmem>>[vector<16xi32>, vector<16xi32>], vector<16xf32>,
      %mul3A_1036 = arith.constant 32 : i32
      %mul3A_1037 = arith.muli %mul3A_894, %mul3A_1036 : i32
      %add3A_1038 = arith.constant 16 : i32
      %add3A_1039 = arith.addi %mul3A_1037, %add3A_1038 : i32
      %swap3A_1040 = arith.constant 4 : i32
      %swap3A_1041 = arith.index_cast %swap3A_1040 : i32 to index
      %swap3A_1042 = arith.index_cast %add3A_1039 : i32 to index
      %swap3A_1043 = tpu.vector_load %arg8[%swap3A_1041, %swap3A_1042] {strides = array<i32>} : memref<5x512xf32, #tpu.memory_space<vmem>>, vector<16xf32>,
      tpu.vector_store %arg8[%swap3A_1041, %swap3A_1042], %gather3A_1035 {strides = array<i32>} : memref<5x512xf32, #tpu.memory_space<vmem>>, vector<16xf32>,
      %lt3A = arith.constant 7 : i32
      %lt3A_1044 = arith.cmpi slt, %add3A_442, %lt3A : i32
      %convert_element_type3A_1045 = arith.extui %lt3A_1044 : i1 to i32
      %cond3A = arith.constant 0 : i32
      %cond3A_1046 = arith.cmpi ne, %convert_element_type3A_1045, %cond3A : i32
      scf.if %cond3A_1046 {
        %mul3A_1204 = arith.constant 2 : i32
        %mul3A_1205 = arith.muli %mul3A_1204, %add3A_442 : i32
        %add3A_1206 = arith.constant 2 : i32
        %add3A_1207 = arith.addi %mul3A_1205, %add3A_1206 : i32
        %mul3A_1208 = arith.constant 32 : i32
        %mul3A_1209 = arith.muli %add3A_1207, %mul3A_1208 : i32
        %add3A_1210 = arith.constant 0 : i32
        %add3A_1211 = arith.addi %mul3A_1209, %add3A_1210 : i32
        %get3A_1212 = arith.constant 0 : i32
        %get3A_1213 = arith.index_cast %get3A_1212 : i32 to index
        %get3A_1214 = arith.index_cast %add3A_1211 : i32 to index
        %get3A_1215 = tpu.vector_load %arg5[%get3A_1213, %get3A_1214] {strides = array<i32>} : memref<1x512xf32, #tpu.memory_space<vmem>>, vector<16xf32>,
        %convert_element_type3A_1216 = arith.fptosi %get3A_1215 : vector<16xf32> to vector<16xi32>
        %shift_right_arithmetic3A_1217 = arith.constant 7 : i32
        %shift_right_arithmetic3A_1218 = vector.broadcast %shift_right_arithmetic3A_1217 : i32 to vector<16xi32>
        %shift_right_arithmetic3A_1219 = arith.shrsi %convert_element_type3A_1216, %shift_right_arithmetic3A_1218 : vector<16xi32>
        %shift_left3A_1220 = arith.constant 7 : i32
        %shift_left3A_1221 = vector.broadcast %shift_left3A_1220 : i32 to vector<16xi32>
        %shift_left3A_1222 = arith.shli %shift_right_arithmetic3A_1219, %shift_left3A_1221 : vector<16xi32>
        %slice3A_1223 = vector.extract_strided_slice %shift_left3A_1222 {offsets = [0], sizes = [1], strides = [1]} : vector<16xi32> to vector<1xi32>
        %squeeze3A_1224 = vector.extract %slice3A_1223[0] : i32 from vector<1xi32>
        %multiple_of3A_1225 = tpu.assume_multiple %squeeze3A_1224, 128 : i32
        %dma_start3A_1226 = arith.constant 0 : i32
        %dma_start3A_1227 = arith.constant 0 : i32
        %dma_start3A_1228 = tpu.memref_slice %arg6[%dma_start3A_1226, %dma_start3A_1227] : memref<5x4096xf32, #tpu.memory_space<vmem>> -> memref<5x128xf32, #tpu.memory_space<vmem>>
        %dma_start3A_1229 = arith.constant 0 : i32
        %dma_start3A_1230 = tpu.memref_slice %arg2[%dma_start3A_1229, %multiple_of3A_1225] : memref<5x1000000xf32, #tpu.memory_space<hbm>> -> memref<5x128xf32, #tpu.memory_space<hbm>>
        %dma_start3A_1231 = arith.constant 0 : i32
        %dma_start3A_1232 = arith.constant 0 : i32
        %dma_start3A_1233 = tpu.memref_slice %arg6[%dma_start3A_1231, %dma_start3A_1232] : memref<5x4096xf32, #tpu.memory_space<vmem>> -> memref<5x128xf32, #tpu.memory_space<vmem>>
        %dma_start3A_1234 = arith.constant 0 : i32
        %dma_start3A_1235 = tpu.memref_slice %arg2[%dma_start3A_1234, %multiple_of3A_1225] : memref<5x1000000xf32, #tpu.memory_space<hbm>> -> memref<5x128xf32, #tpu.memory_space<hbm>>
        tpu.enqueue_dma source(%dma_start3A_1235 : memref<5x128xf32, #tpu.memory_space<hbm>>) target(%dma_start3A_1233 : memref<5x128xf32, #tpu.memory_space<vmem>>) target_semaphore(%arg9 : memref<!tpu.dma_semaphore, #tpu.memory_space<semaphore_mem>>)
        %slice3A_1236 = vector.extract_strided_slice %shift_left3A_1222 {offsets = [1], sizes = [1], strides = [1]} : vector<16xi32> to vector<1xi32>
        %squeeze3A_1237 = vector.extract %slice3A_1236[0] : i32 from vector<1xi32>
        %multiple_of3A_1238 = tpu.assume_multiple %squeeze3A_1237, 128 : i32
        %dma_start3A_1239 = arith.constant 0 : i32
        %dma_start3A_1240 = arith.constant 128 : i32
        %dma_start3A_1241 = tpu.memref_slice %arg6[%dma_start3A_1239, %dma_start3A_1240] : memref<5x4096xf32, #tpu.memory_space<vmem>> -> memref<5x128xf32, #tpu.memory_space<vmem>>
        %dma_start3A_1242 = arith.constant 0 : i32
        %dma_start3A_1243 = tpu.memref_slice %arg2[%dma_start3A_1242, %multiple_of3A_1238] : memref<5x1000000xf32, #tpu.memory_space<hbm>> -> memref<5x128xf32, #tpu.memory_space<hbm>>
        %dma_start3A_1244 = arith.constant 0 : i32
        %dma_start3A_1245 = arith.constant 128 : i32
        %dma_start3A_1246 = tpu.memref_slice %arg6[%dma_start3A_1244, %dma_start3A_1245] : memref<5x4096xf32, #tpu.memory_space<vmem>> -> memref<5x128xf32, #tpu.memory_space<vmem>>
        %dma_start3A_1247 = arith.constant 0 : i32
        %dma_start3A_1248 = tpu.memref_slice %arg2[%dma_start3A_1247, %multiple_of3A_1238] : memref<5x1000000xf32, #tpu.memory_space<hbm>> -> memref<5x128xf32, #tpu.memory_space<hbm>>
        tpu.enqueue_dma source(%dma_start3A_1248 : memref<5x128xf32, #tpu.memory_space<hbm>>) target(%dma_start3A_1246 : memref<5x128xf32, #tpu.memory_space<vmem>>) target_semaphore(%arg9 : memref<!tpu.dma_semaphore, #tpu.memory_space<semaphore_mem>>)
        %slice3A_1249 = vector.extract_strided_slice %shift_left3A_1222 {offsets = [2], sizes = [1], strides = [1]} : vector<16xi32> to vector<1xi32>
        %squeeze3A_1250 = vector.extract %slice3A_1249[0] : i32 from vector<1xi32>
        %multiple_of3A_1251 = tpu.assume_multiple %squeeze3A_1250, 128 : i32
        %dma_start3A_1252 = arith.constant 0 : i32
        %dma_start3A_1253 = arith.constant 256 : i32
        %dma_start3A_1254 = tpu.memref_slice %arg6[%dma_start3A_1252, %dma_start3A_1253] : memref<5x4096xf32, #tpu.memory_space<vmem>> -> memref<5x128xf32, #tpu.memory_space<vmem>>
        %dma_start3A_1255 = arith.constant 0 : i32
        %dma_start3A_1256 = tpu.memref_slice %arg2[%dma_start3A_1255, %multiple_of3A_1251] : memref<5x1000000xf32, #tpu.memory_space<hbm>> -> memref<5x128xf32, #tpu.memory_space<hbm>>
        %dma_start3A_1257 = arith.constant 0 : i32
        %dma_start3A_1258 = arith.constant 256 : i32
        %dma_start3A_1259 = tpu.memref_slice %arg6[%dma_start3A_1257, %dma_start3A_1258] : memref<5x4096xf32, #tpu.memory_space<vmem>> -> memref<5x128xf32, #tpu.memory_space<vmem>>
        %dma_start3A_1260 = arith.constant 0 : i32
        %dma_start3A_1261 = tpu.memref_slice %arg2[%dma_start3A_1260, %multiple_of3A_1251] : memref<5x1000000xf32, #tpu.memory_space<hbm>> -> memref<5x128xf32, #tpu.memory_space<hbm>>
        tpu.enqueue_dma source(%dma_start3A_1261 : memref<5x128xf32, #tpu.memory_space<hbm>>) target(%dma_start3A_1259 : memref<5x128xf32, #tpu.memory_space<vmem>>) target_semaphore(%arg9 : memref<!tpu.dma_semaphore, #tpu.memory_space<semaphore_mem>>)
        %slice3A_1262 = vector.extract_strided_slice %shift_left3A_1222 {offsets = [3], sizes = [1], strides = [1]} : vector<16xi32> to vector<1xi32>
        %squeeze3A_1263 = vector.extract %slice3A_1262[0] : i32 from vector<1xi32>
        %multiple_of3A_1264 = tpu.assume_multiple %squeeze3A_1263, 128 : i32
        %dma_start3A_1265 = arith.constant 0 : i32
        %dma_start3A_1266 = arith.constant 384 : i32
        %dma_start3A_1267 = tpu.memref_slice %arg6[%dma_start3A_1265, %dma_start3A_1266] : memref<5x4096xf32, #tpu.memory_space<vmem>> -> memref<5x128xf32, #tpu.memory_space<vmem>>
        %dma_start3A_1268 = arith.constant 0 : i32
        %dma_start3A_1269 = tpu.memref_slice %arg2[%dma_start3A_1268, %multiple_of3A_1264] : memref<5x1000000xf32, #tpu.memory_space<hbm>> -> memref<5x128xf32, #tpu.memory_space<hbm>>
        %dma_start3A_1270 = arith.constant 0 : i32
        %dma_start3A_1271 = arith.constant 384 : i32
        %dma_start3A_1272 = tpu.memref_slice %arg6[%dma_start3A_1270, %dma_start3A_1271] : memref<5x4096xf32, #tpu.memory_space<vmem>> -> memref<5x128xf32, #tpu.memory_space<vmem>>
        %dma_start3A_1273 = arith.constant 0 : i32
        %dma_start3A_1274 = tpu.memref_slice %arg2[%dma_start3A_1273, %multiple_of3A_1264] : memref<5x1000000xf32, #tpu.memory_space<hbm>> -> memref<5x128xf32, #tpu.memory_space<hbm>>
        tpu.enqueue_dma source(%dma_start3A_1274 : memref<5x128xf32, #tpu.memory_space<hbm>>) target(%dma_start3A_1272 : memref<5x128xf32, #tpu.memory_space<vmem>>) target_semaphore(%arg9 : memref<!tpu.dma_semaphore, #tpu.memory_space<semaphore_mem>>)
        %slice3A_1275 = vector.extract_strided_slice %shift_left3A_1222 {offsets = [4], sizes = [1], strides = [1]} : vector<16xi32> to vector<1xi32>
        %squeeze3A_1276 = vector.extract %slice3A_1275[0] : i32 from vector<1xi32>
        %multiple_of3A_1277 = tpu.assume_multiple %squeeze3A_1276, 128 : i32
        %dma_start3A_1278 = arith.constant 0 : i32
        %dma_start3A_1279 = arith.constant 512 : i32
        %dma_start3A_1280 = tpu.memref_slice %arg6[%dma_start3A_1278, %dma_start3A_1279] : memref<5x4096xf32, #tpu.memory_space<vmem>> -> memref<5x128xf32, #tpu.memory_space<vmem>>
        %dma_start3A_1281 = arith.constant 0 : i32
        %dma_start3A_1282 = tpu.memref_slice %arg2[%dma_start3A_1281, %multiple_of3A_1277] : memref<5x1000000xf32, #tpu.memory_space<hbm>> -> memref<5x128xf32, #tpu.memory_space<hbm>>
        %dma_start3A_1283 = arith.constant 0 : i32
        %dma_start3A_1284 = arith.constant 512 : i32
        %dma_start3A_1285 = tpu.memref_slice %arg6[%dma_start3A_1283, %dma_start3A_1284] : memref<5x4096xf32, #tpu.memory_space<vmem>> -> memref<5x128xf32, #tpu.memory_space<vmem>>
        %dma_start3A_1286 = arith.constant 0 : i32
        %dma_start3A_1287 = tpu.memref_slice %arg2[%dma_start3A_1286, %multiple_of3A_1277] : memref<5x1000000xf32, #tpu.memory_space<hbm>> -> memref<5x128xf32, #tpu.memory_space<hbm>>
        tpu.enqueue_dma source(%dma_start3A_1287 : memref<5x128xf32, #tpu.memory_space<hbm>>) target(%dma_start3A_1285 : memref<5x128xf32, #tpu.memory_space<vmem>>) target_semaphore(%arg9 : memref<!tpu.dma_semaphore, #tpu.memory_space<semaphore_mem>>)
        %slice3A_1288 = vector.extract_strided_slice %shift_left3A_1222 {offsets = [5], sizes = [1], strides = [1]} : vector<16xi32> to vector<1xi32>
        %squeeze3A_1289 = vector.extract %slice3A_1288[0] : i32 from vector<1xi32>
        %multiple_of3A_1290 = tpu.assume_multiple %squeeze3A_1289, 128 : i32
        %dma_start3A_1291 = arith.constant 0 : i32
        %dma_start3A_1292 = arith.constant 640 : i32
        %dma_start3A_1293 = tpu.memref_slice %arg6[%dma_start3A_1291, %dma_start3A_1292] : memref<5x4096xf32, #tpu.memory_space<vmem>> -> memref<5x128xf32, #tpu.memory_space<vmem>>
        %dma_start3A_1294 = arith.constant 0 : i32
        %dma_start3A_1295 = tpu.memref_slice %arg2[%dma_start3A_1294, %multiple_of3A_1290] : memref<5x1000000xf32, #tpu.memory_space<hbm>> -> memref<5x128xf32, #tpu.memory_space<hbm>>
        %dma_start3A_1296 = arith.constant 0 : i32
        %dma_start3A_1297 = arith.constant 640 : i32
        %dma_start3A_1298 = tpu.memref_slice %arg6[%dma_start3A_1296, %dma_start3A_1297] : memref<5x4096xf32, #tpu.memory_space<vmem>> -> memref<5x128xf32, #tpu.memory_space<vmem>>
        %dma_start3A_1299 = arith.constant 0 : i32
        %dma_start3A_1300 = tpu.memref_slice %arg2[%dma_start3A_1299, %multiple_of3A_1290] : memref<5x1000000xf32, #tpu.memory_space<hbm>> -> memref<5x128xf32, #tpu.memory_space<hbm>>
        tpu.enqueue_dma source(%dma_start3A_1300 : memref<5x128xf32, #tpu.memory_space<hbm>>) target(%dma_start3A_1298 : memref<5x128xf32, #tpu.memory_space<vmem>>) target_semaphore(%arg9 : memref<!tpu.dma_semaphore, #tpu.memory_space<semaphore_mem>>)
        %slice3A_1301 = vector.extract_strided_slice %shift_left3A_1222 {offsets = [6], sizes = [1], strides = [1]} : vector<16xi32> to vector<1xi32>
        %squeeze3A_1302 = vector.extract %slice3A_1301[0] : i32 from vector<1xi32>
        %multiple_of3A_1303 = tpu.assume_multiple %squeeze3A_1302, 128 : i32
        %dma_start3A_1304 = arith.constant 0 : i32
        %dma_start3A_1305 = arith.constant 768 : i32
        %dma_start3A_1306 = tpu.memref_slice %arg6[%dma_start3A_1304, %dma_start3A_1305] : memref<5x4096xf32, #tpu.memory_space<vmem>> -> memref<5x128xf32, #tpu.memory_space<vmem>>
        %dma_start3A_1307 = arith.constant 0 : i32
        %dma_start3A_1308 = tpu.memref_slice %arg2[%dma_start3A_1307, %multiple_of3A_1303] : memref<5x1000000xf32, #tpu.memory_space<hbm>> -> memref<5x128xf32, #tpu.memory_space<hbm>>
        %dma_start3A_1309 = arith.constant 0 : i32
        %dma_start3A_1310 = arith.constant 768 : i32
        %dma_start3A_1311 = tpu.memref_slice %arg6[%dma_start3A_1309, %dma_start3A_1310] : memref<5x4096xf32, #tpu.memory_space<vmem>> -> memref<5x128xf32, #tpu.memory_space<vmem>>
        %dma_start3A_1312 = arith.constant 0 : i32
        %dma_start3A_1313 = tpu.memref_slice %arg2[%dma_start3A_1312, %multiple_of3A_1303] : memref<5x1000000xf32, #tpu.memory_space<hbm>> -> memref<5x128xf32, #tpu.memory_space<hbm>>
        tpu.enqueue_dma source(%dma_start3A_1313 : memref<5x128xf32, #tpu.memory_space<hbm>>) target(%dma_start3A_1311 : memref<5x128xf32, #tpu.memory_space<vmem>>) target_semaphore(%arg9 : memref<!tpu.dma_semaphore, #tpu.memory_space<semaphore_mem>>)
        %slice3A_1314 = vector.extract_strided_slice %shift_left3A_1222 {offsets = [7], sizes = [1], strides = [1]} : vector<16xi32> to vector<1xi32>
        %squeeze3A_1315 = vector.extract %slice3A_1314[0] : i32 from vector<1xi32>
        %multiple_of3A_1316 = tpu.assume_multiple %squeeze3A_1315, 128 : i32
        %dma_start3A_1317 = arith.constant 0 : i32
        %dma_start3A_1318 = arith.constant 896 : i32
        %dma_start3A_1319 = tpu.memref_slice %arg6[%dma_start3A_1317, %dma_start3A_1318] : memref<5x4096xf32, #tpu.memory_space<vmem>> -> memref<5x128xf32, #tpu.memory_space<vmem>>
        %dma_start3A_1320 = arith.constant 0 : i32
        %dma_start3A_1321 = tpu.memref_slice %arg2[%dma_start3A_1320, %multiple_of3A_1316] : memref<5x1000000xf32, #tpu.memory_space<hbm>> -> memref<5x128xf32, #tpu.memory_space<hbm>>
        %dma_start3A_1322 = arith.constant 0 : i32
        %dma_start3A_1323 = arith.constant 896 : i32
        %dma_start3A_1324 = tpu.memref_slice %arg6[%dma_start3A_1322, %dma_start3A_1323] : memref<5x4096xf32, #tpu.memory_space<vmem>> -> memref<5x128xf32, #tpu.memory_space<vmem>>
        %dma_start3A_1325 = arith.constant 0 : i32
        %dma_start3A_1326 = tpu.memref_slice %arg2[%dma_start3A_1325, %multiple_of3A_1316] : memref<5x1000000xf32, #tpu.memory_space<hbm>> -> memref<5x128xf32, #tpu.memory_space<hbm>>
        tpu.enqueue_dma source(%dma_start3A_1326 : memref<5x128xf32, #tpu.memory_space<hbm>>) target(%dma_start3A_1324 : memref<5x128xf32, #tpu.memory_space<vmem>>) target_semaphore(%arg9 : memref<!tpu.dma_semaphore, #tpu.memory_space<semaphore_mem>>)
        %slice3A_1327 = vector.extract_strided_slice %shift_left3A_1222 {offsets = [8], sizes = [1], strides = [1]} : vector<16xi32> to vector<1xi32>
        %squeeze3A_1328 = vector.extract %slice3A_1327[0] : i32 from vector<1xi32>
        %multiple_of3A_1329 = tpu.assume_multiple %squeeze3A_1328, 128 : i32
        %dma_start3A_1330 = arith.constant 0 : i32
        %dma_start3A_1331 = arith.constant 1024 : i32
        %dma_start3A_1332 = tpu.memref_slice %arg6[%dma_start3A_1330, %dma_start3A_1331] : memref<5x4096xf32, #tpu.memory_space<vmem>> -> memref<5x128xf32, #tpu.memory_space<vmem>>
        %dma_start3A_1333 = arith.constant 0 : i32
        %dma_start3A_1334 = tpu.memref_slice %arg2[%dma_start3A_1333, %multiple_of3A_1329] : memref<5x1000000xf32, #tpu.memory_space<hbm>> -> memref<5x128xf32, #tpu.memory_space<hbm>>
        %dma_start3A_1335 = arith.constant 0 : i32
        %dma_start3A_1336 = arith.constant 1024 : i32
        %dma_start3A_1337 = tpu.memref_slice %arg6[%dma_start3A_1335, %dma_start3A_1336] : memref<5x4096xf32, #tpu.memory_space<vmem>> -> memref<5x128xf32, #tpu.memory_space<vmem>>
        %dma_start3A_1338 = arith.constant 0 : i32
        %dma_start3A_1339 = tpu.memref_slice %arg2[%dma_start3A_1338, %multiple_of3A_1329] : memref<5x1000000xf32, #tpu.memory_space<hbm>> -> memref<5x128xf32, #tpu.memory_space<hbm>>
        tpu.enqueue_dma source(%dma_start3A_1339 : memref<5x128xf32, #tpu.memory_space<hbm>>) target(%dma_start3A_1337 : memref<5x128xf32, #tpu.memory_space<vmem>>) target_semaphore(%arg9 : memref<!tpu.dma_semaphore, #tpu.memory_space<semaphore_mem>>)
        %slice3A_1340 = vector.extract_strided_slice %shift_left3A_1222 {offsets = [9], sizes = [1], strides = [1]} : vector<16xi32> to vector<1xi32>
        %squeeze3A_1341 = vector.extract %slice3A_1340[0] : i32 from vector<1xi32>
        %multiple_of3A_1342 = tpu.assume_multiple %squeeze3A_1341, 128 : i32
        %dma_start3A_1343 = arith.constant 0 : i32
        %dma_start3A_1344 = arith.constant 1152 : i32
        %dma_start3A_1345 = tpu.memref_slice %arg6[%dma_start3A_1343, %dma_start3A_1344] : memref<5x4096xf32, #tpu.memory_space<vmem>> -> memref<5x128xf32, #tpu.memory_space<vmem>>
        %dma_start3A_1346 = arith.constant 0 : i32
        %dma_start3A_1347 = tpu.memref_slice %arg2[%dma_start3A_1346, %multiple_of3A_1342] : memref<5x1000000xf32, #tpu.memory_space<hbm>> -> memref<5x128xf32, #tpu.memory_space<hbm>>
        %dma_start3A_1348 = arith.constant 0 : i32
        %dma_start3A_1349 = arith.constant 1152 : i32
        %dma_start3A_1350 = tpu.memref_slice %arg6[%dma_start3A_1348, %dma_start3A_1349] : memref<5x4096xf32, #tpu.memory_space<vmem>> -> memref<5x128xf32, #tpu.memory_space<vmem>>
        %dma_start3A_1351 = arith.constant 0 : i32
        %dma_start3A_1352 = tpu.memref_slice %arg2[%dma_start3A_1351, %multiple_of3A_1342] : memref<5x1000000xf32, #tpu.memory_space<hbm>> -> memref<5x128xf32, #tpu.memory_space<hbm>>
        tpu.enqueue_dma source(%dma_start3A_1352 : memref<5x128xf32, #tpu.memory_space<hbm>>) target(%dma_start3A_1350 : memref<5x128xf32, #tpu.memory_space<vmem>>) target_semaphore(%arg9 : memref<!tpu.dma_semaphore, #tpu.memory_space<semaphore_mem>>)
        %slice3A_1353 = vector.extract_strided_slice %shift_left3A_1222 {offsets = [10], sizes = [1], strides = [1]} : vector<16xi32> to vector<1xi32>
        %squeeze3A_1354 = vector.extract %slice3A_1353[0] : i32 from vector<1xi32>
        %multiple_of3A_1355 = tpu.assume_multiple %squeeze3A_1354, 128 : i32
        %dma_start3A_1356 = arith.constant 0 : i32
        %dma_start3A_1357 = arith.constant 1280 : i32
        %dma_start3A_1358 = tpu.memref_slice %arg6[%dma_start3A_1356, %dma_start3A_1357] : memref<5x4096xf32, #tpu.memory_space<vmem>> -> memref<5x128xf32, #tpu.memory_space<vmem>>
        %dma_start3A_1359 = arith.constant 0 : i32
        %dma_start3A_1360 = tpu.memref_slice %arg2[%dma_start3A_1359, %multiple_of3A_1355] : memref<5x1000000xf32, #tpu.memory_space<hbm>> -> memref<5x128xf32, #tpu.memory_space<hbm>>
        %dma_start3A_1361 = arith.constant 0 : i32
        %dma_start3A_1362 = arith.constant 1280 : i32
        %dma_start3A_1363 = tpu.memref_slice %arg6[%dma_start3A_1361, %dma_start3A_1362] : memref<5x4096xf32, #tpu.memory_space<vmem>> -> memref<5x128xf32, #tpu.memory_space<vmem>>
        %dma_start3A_1364 = arith.constant 0 : i32
        %dma_start3A_1365 = tpu.memref_slice %arg2[%dma_start3A_1364, %multiple_of3A_1355] : memref<5x1000000xf32, #tpu.memory_space<hbm>> -> memref<5x128xf32, #tpu.memory_space<hbm>>
        tpu.enqueue_dma source(%dma_start3A_1365 : memref<5x128xf32, #tpu.memory_space<hbm>>) target(%dma_start3A_1363 : memref<5x128xf32, #tpu.memory_space<vmem>>) target_semaphore(%arg9 : memref<!tpu.dma_semaphore, #tpu.memory_space<semaphore_mem>>)
        %slice3A_1366 = vector.extract_strided_slice %shift_left3A_1222 {offsets = [11], sizes = [1], strides = [1]} : vector<16xi32> to vector<1xi32>
        %squeeze3A_1367 = vector.extract %slice3A_1366[0] : i32 from vector<1xi32>
        %multiple_of3A_1368 = tpu.assume_multiple %squeeze3A_1367, 128 : i32
        %dma_start3A_1369 = arith.constant 0 : i32
        %dma_start3A_1370 = arith.constant 1408 : i32
        %dma_start3A_1371 = tpu.memref_slice %arg6[%dma_start3A_1369, %dma_start3A_1370] : memref<5x4096xf32, #tpu.memory_space<vmem>> -> memref<5x128xf32, #tpu.memory_space<vmem>>
        %dma_start3A_1372 = arith.constant 0 : i32
        %dma_start3A_1373 = tpu.memref_slice %arg2[%dma_start3A_1372, %multiple_of3A_1368] : memref<5x1000000xf32, #tpu.memory_space<hbm>> -> memref<5x128xf32, #tpu.memory_space<hbm>>
        %dma_start3A_1374 = arith.constant 0 : i32
        %dma_start3A_1375 = arith.constant 1408 : i32
        %dma_start3A_1376 = tpu.memref_slice %arg6[%dma_start3A_1374, %dma_start3A_1375] : memref<5x4096xf32, #tpu.memory_space<vmem>> -> memref<5x128xf32, #tpu.memory_space<vmem>>
        %dma_start3A_1377 = arith.constant 0 : i32
        %dma_start3A_1378 = tpu.memref_slice %arg2[%dma_start3A_1377, %multiple_of3A_1368] : memref<5x1000000xf32, #tpu.memory_space<hbm>> -> memref<5x128xf32, #tpu.memory_space<hbm>>
        tpu.enqueue_dma source(%dma_start3A_1378 : memref<5x128xf32, #tpu.memory_space<hbm>>) target(%dma_start3A_1376 : memref<5x128xf32, #tpu.memory_space<vmem>>) target_semaphore(%arg9 : memref<!tpu.dma_semaphore, #tpu.memory_space<semaphore_mem>>)
        %slice3A_1379 = vector.extract_strided_slice %shift_left3A_1222 {offsets = [12], sizes = [1], strides = [1]} : vector<16xi32> to vector<1xi32>
        %squeeze3A_1380 = vector.extract %slice3A_1379[0] : i32 from vector<1xi32>
        %multiple_of3A_1381 = tpu.assume_multiple %squeeze3A_1380, 128 : i32
        %dma_start3A_1382 = arith.constant 0 : i32
        %dma_start3A_1383 = arith.constant 1536 : i32
        %dma_start3A_1384 = tpu.memref_slice %arg6[%dma_start3A_1382, %dma_start3A_1383] : memref<5x4096xf32, #tpu.memory_space<vmem>> -> memref<5x128xf32, #tpu.memory_space<vmem>>
        %dma_start3A_1385 = arith.constant 0 : i32
        %dma_start3A_1386 = tpu.memref_slice %arg2[%dma_start3A_1385, %multiple_of3A_1381] : memref<5x1000000xf32, #tpu.memory_space<hbm>> -> memref<5x128xf32, #tpu.memory_space<hbm>>
        %dma_start3A_1387 = arith.constant 0 : i32
        %dma_start3A_1388 = arith.constant 1536 : i32
        %dma_start3A_1389 = tpu.memref_slice %arg6[%dma_start3A_1387, %dma_start3A_1388] : memref<5x4096xf32, #tpu.memory_space<vmem>> -> memref<5x128xf32, #tpu.memory_space<vmem>>
        %dma_start3A_1390 = arith.constant 0 : i32
        %dma_start3A_1391 = tpu.memref_slice %arg2[%dma_start3A_1390, %multiple_of3A_1381] : memref<5x1000000xf32, #tpu.memory_space<hbm>> -> memref<5x128xf32, #tpu.memory_space<hbm>>
        tpu.enqueue_dma source(%dma_start3A_1391 : memref<5x128xf32, #tpu.memory_space<hbm>>) target(%dma_start3A_1389 : memref<5x128xf32, #tpu.memory_space<vmem>>) target_semaphore(%arg9 : memref<!tpu.dma_semaphore, #tpu.memory_space<semaphore_mem>>)
        %slice3A_1392 = vector.extract_strided_slice %shift_left3A_1222 {offsets = [13], sizes = [1], strides = [1]} : vector<16xi32> to vector<1xi32>
        %squeeze3A_1393 = vector.extract %slice3A_1392[0] : i32 from vector<1xi32>
        %multiple_of3A_1394 = tpu.assume_multiple %squeeze3A_1393, 128 : i32
        %dma_start3A_1395 = arith.constant 0 : i32
        %dma_start3A_1396 = arith.constant 1664 : i32
        %dma_start3A_1397 = tpu.memref_slice %arg6[%dma_start3A_1395, %dma_start3A_1396] : memref<5x4096xf32, #tpu.memory_space<vmem>> -> memref<5x128xf32, #tpu.memory_space<vmem>>
        %dma_start3A_1398 = arith.constant 0 : i32
        %dma_start3A_1399 = tpu.memref_slice %arg2[%dma_start3A_1398, %multiple_of3A_1394] : memref<5x1000000xf32, #tpu.memory_space<hbm>> -> memref<5x128xf32, #tpu.memory_space<hbm>>
        %dma_start3A_1400 = arith.constant 0 : i32
        %dma_start3A_1401 = arith.constant 1664 : i32
        %dma_start3A_1402 = tpu.memref_slice %arg6[%dma_start3A_1400, %dma_start3A_1401] : memref<5x4096xf32, #tpu.memory_space<vmem>> -> memref<5x128xf32, #tpu.memory_space<vmem>>
        %dma_start3A_1403 = arith.constant 0 : i32
        %dma_start3A_1404 = tpu.memref_slice %arg2[%dma_start3A_1403, %multiple_of3A_1394] : memref<5x1000000xf32, #tpu.memory_space<hbm>> -> memref<5x128xf32, #tpu.memory_space<hbm>>
        tpu.enqueue_dma source(%dma_start3A_1404 : memref<5x128xf32, #tpu.memory_space<hbm>>) target(%dma_start3A_1402 : memref<5x128xf32, #tpu.memory_space<vmem>>) target_semaphore(%arg9 : memref<!tpu.dma_semaphore, #tpu.memory_space<semaphore_mem>>)
        %slice3A_1405 = vector.extract_strided_slice %shift_left3A_1222 {offsets = [14], sizes = [1], strides = [1]} : vector<16xi32> to vector<1xi32>
        %squeeze3A_1406 = vector.extract %slice3A_1405[0] : i32 from vector<1xi32>
        %multiple_of3A_1407 = tpu.assume_multiple %squeeze3A_1406, 128 : i32
        %dma_start3A_1408 = arith.constant 0 : i32
        %dma_start3A_1409 = arith.constant 1792 : i32
        %dma_start3A_1410 = tpu.memref_slice %arg6[%dma_start3A_1408, %dma_start3A_1409] : memref<5x4096xf32, #tpu.memory_space<vmem>> -> memref<5x128xf32, #tpu.memory_space<vmem>>
        %dma_start3A_1411 = arith.constant 0 : i32
        %dma_start3A_1412 = tpu.memref_slice %arg2[%dma_start3A_1411, %multiple_of3A_1407] : memref<5x1000000xf32, #tpu.memory_space<hbm>> -> memref<5x128xf32, #tpu.memory_space<hbm>>
        %dma_start3A_1413 = arith.constant 0 : i32
        %dma_start3A_1414 = arith.constant 1792 : i32
        %dma_start3A_1415 = tpu.memref_slice %arg6[%dma_start3A_1413, %dma_start3A_1414] : memref<5x4096xf32, #tpu.memory_space<vmem>> -> memref<5x128xf32, #tpu.memory_space<vmem>>
        %dma_start3A_1416 = arith.constant 0 : i32
        %dma_start3A_1417 = tpu.memref_slice %arg2[%dma_start3A_1416, %multiple_of3A_1407] : memref<5x1000000xf32, #tpu.memory_space<hbm>> -> memref<5x128xf32, #tpu.memory_space<hbm>>
        tpu.enqueue_dma source(%dma_start3A_1417 : memref<5x128xf32, #tpu.memory_space<hbm>>) target(%dma_start3A_1415 : memref<5x128xf32, #tpu.memory_space<vmem>>) target_semaphore(%arg9 : memref<!tpu.dma_semaphore, #tpu.memory_space<semaphore_mem>>)
        %slice3A_1418 = vector.extract_strided_slice %shift_left3A_1222 {offsets = [15], sizes = [1], strides = [1]} : vector<16xi32> to vector<1xi32>
        %squeeze3A_1419 = vector.extract %slice3A_1418[0] : i32 from vector<1xi32>
        %multiple_of3A_1420 = tpu.assume_multiple %squeeze3A_1419, 128 : i32
        %dma_start3A_1421 = arith.constant 0 : i32
        %dma_start3A_1422 = arith.constant 1920 : i32
        %dma_start3A_1423 = tpu.memref_slice %arg6[%dma_start3A_1421, %dma_start3A_1422] : memref<5x4096xf32, #tpu.memory_space<vmem>> -> memref<5x128xf32, #tpu.memory_space<vmem>>
        %dma_start3A_1424 = arith.constant 0 : i32
        %dma_start3A_1425 = tpu.memref_slice %arg2[%dma_start3A_1424, %multiple_of3A_1420] : memref<5x1000000xf32, #tpu.memory_space<hbm>> -> memref<5x128xf32, #tpu.memory_space<hbm>>
        %dma_start3A_1426 = arith.constant 0 : i32
        %dma_start3A_1427 = arith.constant 1920 : i32
        %dma_start3A_1428 = tpu.memref_slice %arg6[%dma_start3A_1426, %dma_start3A_1427] : memref<5x4096xf32, #tpu.memory_space<vmem>> -> memref<5x128xf32, #tpu.memory_space<vmem>>
        %dma_start3A_1429 = arith.constant 0 : i32
        %dma_start3A_1430 = tpu.memref_slice %arg2[%dma_start3A_1429, %multiple_of3A_1420] : memref<5x1000000xf32, #tpu.memory_space<hbm>> -> memref<5x128xf32, #tpu.memory_space<hbm>>
        tpu.enqueue_dma source(%dma_start3A_1430 : memref<5x128xf32, #tpu.memory_space<hbm>>) target(%dma_start3A_1428 : memref<5x128xf32, #tpu.memory_space<vmem>>) target_semaphore(%arg9 : memref<!tpu.dma_semaphore, #tpu.memory_space<semaphore_mem>>)
        %mul3A_1431 = arith.constant 32 : i32
        %mul3A_1432 = arith.muli %add3A_1207, %mul3A_1431 : i32
        %add3A_1433 = arith.constant 16 : i32
        %add3A_1434 = arith.addi %mul3A_1432, %add3A_1433 : i32
        %get3A_1435 = arith.constant 0 : i32
        %get3A_1436 = arith.index_cast %get3A_1435 : i32 to index
        %get3A_1437 = arith.index_cast %add3A_1434 : i32 to index
        %get3A_1438 = tpu.vector_load %arg5[%get3A_1436, %get3A_1437] {strides = array<i32>} : memref<1x512xf32, #tpu.memory_space<vmem>>, vector<16xf32>,
        %convert_element_type3A_1439 = arith.fptosi %get3A_1438 : vector<16xf32> to vector<16xi32>
        %shift_right_arithmetic3A_1440 = arith.constant 7 : i32
        %shift_right_arithmetic3A_1441 = vector.broadcast %shift_right_arithmetic3A_1440 : i32 to vector<16xi32>
        %shift_right_arithmetic3A_1442 = arith.shrsi %convert_element_type3A_1439, %shift_right_arithmetic3A_1441 : vector<16xi32>
        %shift_left3A_1443 = arith.constant 7 : i32
        %shift_left3A_1444 = vector.broadcast %shift_left3A_1443 : i32 to vector<16xi32>
        %shift_left3A_1445 = arith.shli %shift_right_arithmetic3A_1442, %shift_left3A_1444 : vector<16xi32>
        %slice3A_1446 = vector.extract_strided_slice %shift_left3A_1445 {offsets = [0], sizes = [1], strides = [1]} : vector<16xi32> to vector<1xi32>
        %squeeze3A_1447 = vector.extract %slice3A_1446[0] : i32 from vector<1xi32>
        %multiple_of3A_1448 = tpu.assume_multiple %squeeze3A_1447, 128 : i32
        %dma_start3A_1449 = arith.constant 0 : i32
        %dma_start3A_1450 = arith.constant 2048 : i32
        %dma_start3A_1451 = tpu.memref_slice %arg6[%dma_start3A_1449, %dma_start3A_1450] : memref<5x4096xf32, #tpu.memory_space<vmem>> -> memref<5x128xf32, #tpu.memory_space<vmem>>
        %dma_start3A_1452 = arith.constant 0 : i32
        %dma_start3A_1453 = tpu.memref_slice %arg2[%dma_start3A_1452, %multiple_of3A_1448] : memref<5x1000000xf32, #tpu.memory_space<hbm>> -> memref<5x128xf32, #tpu.memory_space<hbm>>
        %dma_start3A_1454 = arith.constant 0 : i32
        %dma_start3A_1455 = arith.constant 2048 : i32
        %dma_start3A_1456 = tpu.memref_slice %arg6[%dma_start3A_1454, %dma_start3A_1455] : memref<5x4096xf32, #tpu.memory_space<vmem>> -> memref<5x128xf32, #tpu.memory_space<vmem>>
        %dma_start3A_1457 = arith.constant 0 : i32
        %dma_start3A_1458 = tpu.memref_slice %arg2[%dma_start3A_1457, %multiple_of3A_1448] : memref<5x1000000xf32, #tpu.memory_space<hbm>> -> memref<5x128xf32, #tpu.memory_space<hbm>>
        tpu.enqueue_dma source(%dma_start3A_1458 : memref<5x128xf32, #tpu.memory_space<hbm>>) target(%dma_start3A_1456 : memref<5x128xf32, #tpu.memory_space<vmem>>) target_semaphore(%arg9 : memref<!tpu.dma_semaphore, #tpu.memory_space<semaphore_mem>>)
        %slice3A_1459 = vector.extract_strided_slice %shift_left3A_1445 {offsets = [1], sizes = [1], strides = [1]} : vector<16xi32> to vector<1xi32>
        %squeeze3A_1460 = vector.extract %slice3A_1459[0] : i32 from vector<1xi32>
        %multiple_of3A_1461 = tpu.assume_multiple %squeeze3A_1460, 128 : i32
        %dma_start3A_1462 = arith.constant 0 : i32
        %dma_start3A_1463 = arith.constant 2176 : i32
        %dma_start3A_1464 = tpu.memref_slice %arg6[%dma_start3A_1462, %dma_start3A_1463] : memref<5x4096xf32, #tpu.memory_space<vmem>> -> memref<5x128xf32, #tpu.memory_space<vmem>>
        %dma_start3A_1465 = arith.constant 0 : i32
        %dma_start3A_1466 = tpu.memref_slice %arg2[%dma_start3A_1465, %multiple_of3A_1461] : memref<5x1000000xf32, #tpu.memory_space<hbm>> -> memref<5x128xf32, #tpu.memory_space<hbm>>
        %dma_start3A_1467 = arith.constant 0 : i32
        %dma_start3A_1468 = arith.constant 2176 : i32
        %dma_start3A_1469 = tpu.memref_slice %arg6[%dma_start3A_1467, %dma_start3A_1468] : memref<5x4096xf32, #tpu.memory_space<vmem>> -> memref<5x128xf32, #tpu.memory_space<vmem>>
        %dma_start3A_1470 = arith.constant 0 : i32
        %dma_start3A_1471 = tpu.memref_slice %arg2[%dma_start3A_1470, %multiple_of3A_1461] : memref<5x1000000xf32, #tpu.memory_space<hbm>> -> memref<5x128xf32, #tpu.memory_space<hbm>>
        tpu.enqueue_dma source(%dma_start3A_1471 : memref<5x128xf32, #tpu.memory_space<hbm>>) target(%dma_start3A_1469 : memref<5x128xf32, #tpu.memory_space<vmem>>) target_semaphore(%arg9 : memref<!tpu.dma_semaphore, #tpu.memory_space<semaphore_mem>>)
        %slice3A_1472 = vector.extract_strided_slice %shift_left3A_1445 {offsets = [2], sizes = [1], strides = [1]} : vector<16xi32> to vector<1xi32>
        %squeeze3A_1473 = vector.extract %slice3A_1472[0] : i32 from vector<1xi32>
        %multiple_of3A_1474 = tpu.assume_multiple %squeeze3A_1473, 128 : i32
        %dma_start3A_1475 = arith.constant 0 : i32
        %dma_start3A_1476 = arith.constant 2304 : i32
        %dma_start3A_1477 = tpu.memref_slice %arg6[%dma_start3A_1475, %dma_start3A_1476] : memref<5x4096xf32, #tpu.memory_space<vmem>> -> memref<5x128xf32, #tpu.memory_space<vmem>>
        %dma_start3A_1478 = arith.constant 0 : i32
        %dma_start3A_1479 = tpu.memref_slice %arg2[%dma_start3A_1478, %multiple_of3A_1474] : memref<5x1000000xf32, #tpu.memory_space<hbm>> -> memref<5x128xf32, #tpu.memory_space<hbm>>
        %dma_start3A_1480 = arith.constant 0 : i32
        %dma_start3A_1481 = arith.constant 2304 : i32
        %dma_start3A_1482 = tpu.memref_slice %arg6[%dma_start3A_1480, %dma_start3A_1481] : memref<5x4096xf32, #tpu.memory_space<vmem>> -> memref<5x128xf32, #tpu.memory_space<vmem>>
        %dma_start3A_1483 = arith.constant 0 : i32
        %dma_start3A_1484 = tpu.memref_slice %arg2[%dma_start3A_1483, %multiple_of3A_1474] : memref<5x1000000xf32, #tpu.memory_space<hbm>> -> memref<5x128xf32, #tpu.memory_space<hbm>>
        tpu.enqueue_dma source(%dma_start3A_1484 : memref<5x128xf32, #tpu.memory_space<hbm>>) target(%dma_start3A_1482 : memref<5x128xf32, #tpu.memory_space<vmem>>) target_semaphore(%arg9 : memref<!tpu.dma_semaphore, #tpu.memory_space<semaphore_mem>>)
        %slice3A_1485 = vector.extract_strided_slice %shift_left3A_1445 {offsets = [3], sizes = [1], strides = [1]} : vector<16xi32> to vector<1xi32>
        %squeeze3A_1486 = vector.extract %slice3A_1485[0] : i32 from vector<1xi32>
        %multiple_of3A_1487 = tpu.assume_multiple %squeeze3A_1486, 128 : i32
        %dma_start3A_1488 = arith.constant 0 : i32
        %dma_start3A_1489 = arith.constant 2432 : i32
        %dma_start3A_1490 = tpu.memref_slice %arg6[%dma_start3A_1488, %dma_start3A_1489] : memref<5x4096xf32, #tpu.memory_space<vmem>> -> memref<5x128xf32, #tpu.memory_space<vmem>>
        %dma_start3A_1491 = arith.constant 0 : i32
        %dma_start3A_1492 = tpu.memref_slice %arg2[%dma_start3A_1491, %multiple_of3A_1487] : memref<5x1000000xf32, #tpu.memory_space<hbm>> -> memref<5x128xf32, #tpu.memory_space<hbm>>
        %dma_start3A_1493 = arith.constant 0 : i32
        %dma_start3A_1494 = arith.constant 2432 : i32
        %dma_start3A_1495 = tpu.memref_slice %arg6[%dma_start3A_1493, %dma_start3A_1494] : memref<5x4096xf32, #tpu.memory_space<vmem>> -> memref<5x128xf32, #tpu.memory_space<vmem>>
        %dma_start3A_1496 = arith.constant 0 : i32
        %dma_start3A_1497 = tpu.memref_slice %arg2[%dma_start3A_1496, %multiple_of3A_1487] : memref<5x1000000xf32, #tpu.memory_space<hbm>> -> memref<5x128xf32, #tpu.memory_space<hbm>>
        tpu.enqueue_dma source(%dma_start3A_1497 : memref<5x128xf32, #tpu.memory_space<hbm>>) target(%dma_start3A_1495 : memref<5x128xf32, #tpu.memory_space<vmem>>) target_semaphore(%arg9 : memref<!tpu.dma_semaphore, #tpu.memory_space<semaphore_mem>>)
        %slice3A_1498 = vector.extract_strided_slice %shift_left3A_1445 {offsets = [4], sizes = [1], strides = [1]} : vector<16xi32> to vector<1xi32>
        %squeeze3A_1499 = vector.extract %slice3A_1498[0] : i32 from vector<1xi32>
        %multiple_of3A_1500 = tpu.assume_multiple %squeeze3A_1499, 128 : i32
        %dma_start3A_1501 = arith.constant 0 : i32
        %dma_start3A_1502 = arith.constant 2560 : i32
        %dma_start3A_1503 = tpu.memref_slice %arg6[%dma_start3A_1501, %dma_start3A_1502] : memref<5x4096xf32, #tpu.memory_space<vmem>> -> memref<5x128xf32, #tpu.memory_space<vmem>>
        %dma_start3A_1504 = arith.constant 0 : i32
        %dma_start3A_1505 = tpu.memref_slice %arg2[%dma_start3A_1504, %multiple_of3A_1500] : memref<5x1000000xf32, #tpu.memory_space<hbm>> -> memref<5x128xf32, #tpu.memory_space<hbm>>
        %dma_start3A_1506 = arith.constant 0 : i32
        %dma_start3A_1507 = arith.constant 2560 : i32
        %dma_start3A_1508 = tpu.memref_slice %arg6[%dma_start3A_1506, %dma_start3A_1507] : memref<5x4096xf32, #tpu.memory_space<vmem>> -> memref<5x128xf32, #tpu.memory_space<vmem>>
        %dma_start3A_1509 = arith.constant 0 : i32
        %dma_start3A_1510 = tpu.memref_slice %arg2[%dma_start3A_1509, %multiple_of3A_1500] : memref<5x1000000xf32, #tpu.memory_space<hbm>> -> memref<5x128xf32, #tpu.memory_space<hbm>>
        tpu.enqueue_dma source(%dma_start3A_1510 : memref<5x128xf32, #tpu.memory_space<hbm>>) target(%dma_start3A_1508 : memref<5x128xf32, #tpu.memory_space<vmem>>) target_semaphore(%arg9 : memref<!tpu.dma_semaphore, #tpu.memory_space<semaphore_mem>>)
        %slice3A_1511 = vector.extract_strided_slice %shift_left3A_1445 {offsets = [5], sizes = [1], strides = [1]} : vector<16xi32> to vector<1xi32>
        %squeeze3A_1512 = vector.extract %slice3A_1511[0] : i32 from vector<1xi32>
        %multiple_of3A_1513 = tpu.assume_multiple %squeeze3A_1512, 128 : i32
        %dma_start3A_1514 = arith.constant 0 : i32
        %dma_start3A_1515 = arith.constant 2688 : i32
        %dma_start3A_1516 = tpu.memref_slice %arg6[%dma_start3A_1514, %dma_start3A_1515] : memref<5x4096xf32, #tpu.memory_space<vmem>> -> memref<5x128xf32, #tpu.memory_space<vmem>>
        %dma_start3A_1517 = arith.constant 0 : i32
        %dma_start3A_1518 = tpu.memref_slice %arg2[%dma_start3A_1517, %multiple_of3A_1513] : memref<5x1000000xf32, #tpu.memory_space<hbm>> -> memref<5x128xf32, #tpu.memory_space<hbm>>
        %dma_start3A_1519 = arith.constant 0 : i32
        %dma_start3A_1520 = arith.constant 2688 : i32
        %dma_start3A_1521 = tpu.memref_slice %arg6[%dma_start3A_1519, %dma_start3A_1520] : memref<5x4096xf32, #tpu.memory_space<vmem>> -> memref<5x128xf32, #tpu.memory_space<vmem>>
        %dma_start3A_1522 = arith.constant 0 : i32
        %dma_start3A_1523 = tpu.memref_slice %arg2[%dma_start3A_1522, %multiple_of3A_1513] : memref<5x1000000xf32, #tpu.memory_space<hbm>> -> memref<5x128xf32, #tpu.memory_space<hbm>>
        tpu.enqueue_dma source(%dma_start3A_1523 : memref<5x128xf32, #tpu.memory_space<hbm>>) target(%dma_start3A_1521 : memref<5x128xf32, #tpu.memory_space<vmem>>) target_semaphore(%arg9 : memref<!tpu.dma_semaphore, #tpu.memory_space<semaphore_mem>>)
        %slice3A_1524 = vector.extract_strided_slice %shift_left3A_1445 {offsets = [6], sizes = [1], strides = [1]} : vector<16xi32> to vector<1xi32>
        %squeeze3A_1525 = vector.extract %slice3A_1524[0] : i32 from vector<1xi32>
        %multiple_of3A_1526 = tpu.assume_multiple %squeeze3A_1525, 128 : i32
        %dma_start3A_1527 = arith.constant 0 : i32
        %dma_start3A_1528 = arith.constant 2816 : i32
        %dma_start3A_1529 = tpu.memref_slice %arg6[%dma_start3A_1527, %dma_start3A_1528] : memref<5x4096xf32, #tpu.memory_space<vmem>> -> memref<5x128xf32, #tpu.memory_space<vmem>>
        %dma_start3A_1530 = arith.constant 0 : i32
        %dma_start3A_1531 = tpu.memref_slice %arg2[%dma_start3A_1530, %multiple_of3A_1526] : memref<5x1000000xf32, #tpu.memory_space<hbm>> -> memref<5x128xf32, #tpu.memory_space<hbm>>
        %dma_start3A_1532 = arith.constant 0 : i32
        %dma_start3A_1533 = arith.constant 2816 : i32
        %dma_start3A_1534 = tpu.memref_slice %arg6[%dma_start3A_1532, %dma_start3A_1533] : memref<5x4096xf32, #tpu.memory_space<vmem>> -> memref<5x128xf32, #tpu.memory_space<vmem>>
        %dma_start3A_1535 = arith.constant 0 : i32
        %dma_start3A_1536 = tpu.memref_slice %arg2[%dma_start3A_1535, %multiple_of3A_1526] : memref<5x1000000xf32, #tpu.memory_space<hbm>> -> memref<5x128xf32, #tpu.memory_space<hbm>>
        tpu.enqueue_dma source(%dma_start3A_1536 : memref<5x128xf32, #tpu.memory_space<hbm>>) target(%dma_start3A_1534 : memref<5x128xf32, #tpu.memory_space<vmem>>) target_semaphore(%arg9 : memref<!tpu.dma_semaphore, #tpu.memory_space<semaphore_mem>>)
        %slice3A_1537 = vector.extract_strided_slice %shift_left3A_1445 {offsets = [7], sizes = [1], strides = [1]} : vector<16xi32> to vector<1xi32>
        %squeeze3A_1538 = vector.extract %slice3A_1537[0] : i32 from vector<1xi32>
        %multiple_of3A_1539 = tpu.assume_multiple %squeeze3A_1538, 128 : i32
        %dma_start3A_1540 = arith.constant 0 : i32
        %dma_start3A_1541 = arith.constant 2944 : i32
        %dma_start3A_1542 = tpu.memref_slice %arg6[%dma_start3A_1540, %dma_start3A_1541] : memref<5x4096xf32, #tpu.memory_space<vmem>> -> memref<5x128xf32, #tpu.memory_space<vmem>>
        %dma_start3A_1543 = arith.constant 0 : i32
        %dma_start3A_1544 = tpu.memref_slice %arg2[%dma_start3A_1543, %multiple_of3A_1539] : memref<5x1000000xf32, #tpu.memory_space<hbm>> -> memref<5x128xf32, #tpu.memory_space<hbm>>
        %dma_start3A_1545 = arith.constant 0 : i32
        %dma_start3A_1546 = arith.constant 2944 : i32
        %dma_start3A_1547 = tpu.memref_slice %arg6[%dma_start3A_1545, %dma_start3A_1546] : memref<5x4096xf32, #tpu.memory_space<vmem>> -> memref<5x128xf32, #tpu.memory_space<vmem>>
        %dma_start3A_1548 = arith.constant 0 : i32
        %dma_start3A_1549 = tpu.memref_slice %arg2[%dma_start3A_1548, %multiple_of3A_1539] : memref<5x1000000xf32, #tpu.memory_space<hbm>> -> memref<5x128xf32, #tpu.memory_space<hbm>>
        tpu.enqueue_dma source(%dma_start3A_1549 : memref<5x128xf32, #tpu.memory_space<hbm>>) target(%dma_start3A_1547 : memref<5x128xf32, #tpu.memory_space<vmem>>) target_semaphore(%arg9 : memref<!tpu.dma_semaphore, #tpu.memory_space<semaphore_mem>>)
        %slice3A_1550 = vector.extract_strided_slice %shift_left3A_1445 {offsets = [8], sizes = [1], strides = [1]} : vector<16xi32> to vector<1xi32>
        %squeeze3A_1551 = vector.extract %slice3A_1550[0] : i32 from vector<1xi32>
        %multiple_of3A_1552 = tpu.assume_multiple %squeeze3A_1551, 128 : i32
        %dma_start3A_1553 = arith.constant 0 : i32
        %dma_start3A_1554 = arith.constant 3072 : i32
        %dma_start3A_1555 = tpu.memref_slice %arg6[%dma_start3A_1553, %dma_start3A_1554] : memref<5x4096xf32, #tpu.memory_space<vmem>> -> memref<5x128xf32, #tpu.memory_space<vmem>>
        %dma_start3A_1556 = arith.constant 0 : i32
        %dma_start3A_1557 = tpu.memref_slice %arg2[%dma_start3A_1556, %multiple_of3A_1552] : memref<5x1000000xf32, #tpu.memory_space<hbm>> -> memref<5x128xf32, #tpu.memory_space<hbm>>
        %dma_start3A_1558 = arith.constant 0 : i32
        %dma_start3A_1559 = arith.constant 3072 : i32
        %dma_start3A_1560 = tpu.memref_slice %arg6[%dma_start3A_1558, %dma_start3A_1559] : memref<5x4096xf32, #tpu.memory_space<vmem>> -> memref<5x128xf32, #tpu.memory_space<vmem>>
        %dma_start3A_1561 = arith.constant 0 : i32
        %dma_start3A_1562 = tpu.memref_slice %arg2[%dma_start3A_1561, %multiple_of3A_1552] : memref<5x1000000xf32, #tpu.memory_space<hbm>> -> memref<5x128xf32, #tpu.memory_space<hbm>>
        tpu.enqueue_dma source(%dma_start3A_1562 : memref<5x128xf32, #tpu.memory_space<hbm>>) target(%dma_start3A_1560 : memref<5x128xf32, #tpu.memory_space<vmem>>) target_semaphore(%arg9 : memref<!tpu.dma_semaphore, #tpu.memory_space<semaphore_mem>>)
        %slice3A_1563 = vector.extract_strided_slice %shift_left3A_1445 {offsets = [9], sizes = [1], strides = [1]} : vector<16xi32> to vector<1xi32>
        %squeeze3A_1564 = vector.extract %slice3A_1563[0] : i32 from vector<1xi32>
        %multiple_of3A_1565 = tpu.assume_multiple %squeeze3A_1564, 128 : i32
        %dma_start3A_1566 = arith.constant 0 : i32
        %dma_start3A_1567 = arith.constant 3200 : i32
        %dma_start3A_1568 = tpu.memref_slice %arg6[%dma_start3A_1566, %dma_start3A_1567] : memref<5x4096xf32, #tpu.memory_space<vmem>> -> memref<5x128xf32, #tpu.memory_space<vmem>>
        %dma_start3A_1569 = arith.constant 0 : i32
        %dma_start3A_1570 = tpu.memref_slice %arg2[%dma_start3A_1569, %multiple_of3A_1565] : memref<5x1000000xf32, #tpu.memory_space<hbm>> -> memref<5x128xf32, #tpu.memory_space<hbm>>
        %dma_start3A_1571 = arith.constant 0 : i32
        %dma_start3A_1572 = arith.constant 3200 : i32
        %dma_start3A_1573 = tpu.memref_slice %arg6[%dma_start3A_1571, %dma_start3A_1572] : memref<5x4096xf32, #tpu.memory_space<vmem>> -> memref<5x128xf32, #tpu.memory_space<vmem>>
        %dma_start3A_1574 = arith.constant 0 : i32
        %dma_start3A_1575 = tpu.memref_slice %arg2[%dma_start3A_1574, %multiple_of3A_1565] : memref<5x1000000xf32, #tpu.memory_space<hbm>> -> memref<5x128xf32, #tpu.memory_space<hbm>>
        tpu.enqueue_dma source(%dma_start3A_1575 : memref<5x128xf32, #tpu.memory_space<hbm>>) target(%dma_start3A_1573 : memref<5x128xf32, #tpu.memory_space<vmem>>) target_semaphore(%arg9 : memref<!tpu.dma_semaphore, #tpu.memory_space<semaphore_mem>>)
        %slice3A_1576 = vector.extract_strided_slice %shift_left3A_1445 {offsets = [10], sizes = [1], strides = [1]} : vector<16xi32> to vector<1xi32>
        %squeeze3A_1577 = vector.extract %slice3A_1576[0] : i32 from vector<1xi32>
        %multiple_of3A_1578 = tpu.assume_multiple %squeeze3A_1577, 128 : i32
        %dma_start3A_1579 = arith.constant 0 : i32
        %dma_start3A_1580 = arith.constant 3328 : i32
        %dma_start3A_1581 = tpu.memref_slice %arg6[%dma_start3A_1579, %dma_start3A_1580] : memref<5x4096xf32, #tpu.memory_space<vmem>> -> memref<5x128xf32, #tpu.memory_space<vmem>>
        %dma_start3A_1582 = arith.constant 0 : i32
        %dma_start3A_1583 = tpu.memref_slice %arg2[%dma_start3A_1582, %multiple_of3A_1578] : memref<5x1000000xf32, #tpu.memory_space<hbm>> -> memref<5x128xf32, #tpu.memory_space<hbm>>
        %dma_start3A_1584 = arith.constant 0 : i32
        %dma_start3A_1585 = arith.constant 3328 : i32
        %dma_start3A_1586 = tpu.memref_slice %arg6[%dma_start3A_1584, %dma_start3A_1585] : memref<5x4096xf32, #tpu.memory_space<vmem>> -> memref<5x128xf32, #tpu.memory_space<vmem>>
        %dma_start3A_1587 = arith.constant 0 : i32
        %dma_start3A_1588 = tpu.memref_slice %arg2[%dma_start3A_1587, %multiple_of3A_1578] : memref<5x1000000xf32, #tpu.memory_space<hbm>> -> memref<5x128xf32, #tpu.memory_space<hbm>>
        tpu.enqueue_dma source(%dma_start3A_1588 : memref<5x128xf32, #tpu.memory_space<hbm>>) target(%dma_start3A_1586 : memref<5x128xf32, #tpu.memory_space<vmem>>) target_semaphore(%arg9 : memref<!tpu.dma_semaphore, #tpu.memory_space<semaphore_mem>>)
        %slice3A_1589 = vector.extract_strided_slice %shift_left3A_1445 {offsets = [11], sizes = [1], strides = [1]} : vector<16xi32> to vector<1xi32>
        %squeeze3A_1590 = vector.extract %slice3A_1589[0] : i32 from vector<1xi32>
        %multiple_of3A_1591 = tpu.assume_multiple %squeeze3A_1590, 128 : i32
        %dma_start3A_1592 = arith.constant 0 : i32
        %dma_start3A_1593 = arith.constant 3456 : i32
        %dma_start3A_1594 = tpu.memref_slice %arg6[%dma_start3A_1592, %dma_start3A_1593] : memref<5x4096xf32, #tpu.memory_space<vmem>> -> memref<5x128xf32, #tpu.memory_space<vmem>>
        %dma_start3A_1595 = arith.constant 0 : i32
        %dma_start3A_1596 = tpu.memref_slice %arg2[%dma_start3A_1595, %multiple_of3A_1591] : memref<5x1000000xf32, #tpu.memory_space<hbm>> -> memref<5x128xf32, #tpu.memory_space<hbm>>
        %dma_start3A_1597 = arith.constant 0 : i32
        %dma_start3A_1598 = arith.constant 3456 : i32
        %dma_start3A_1599 = tpu.memref_slice %arg6[%dma_start3A_1597, %dma_start3A_1598] : memref<5x4096xf32, #tpu.memory_space<vmem>> -> memref<5x128xf32, #tpu.memory_space<vmem>>
        %dma_start3A_1600 = arith.constant 0 : i32
        %dma_start3A_1601 = tpu.memref_slice %arg2[%dma_start3A_1600, %multiple_of3A_1591] : memref<5x1000000xf32, #tpu.memory_space<hbm>> -> memref<5x128xf32, #tpu.memory_space<hbm>>
        tpu.enqueue_dma source(%dma_start3A_1601 : memref<5x128xf32, #tpu.memory_space<hbm>>) target(%dma_start3A_1599 : memref<5x128xf32, #tpu.memory_space<vmem>>) target_semaphore(%arg9 : memref<!tpu.dma_semaphore, #tpu.memory_space<semaphore_mem>>)
        %slice3A_1602 = vector.extract_strided_slice %shift_left3A_1445 {offsets = [12], sizes = [1], strides = [1]} : vector<16xi32> to vector<1xi32>
        %squeeze3A_1603 = vector.extract %slice3A_1602[0] : i32 from vector<1xi32>
        %multiple_of3A_1604 = tpu.assume_multiple %squeeze3A_1603, 128 : i32
        %dma_start3A_1605 = arith.constant 0 : i32
        %dma_start3A_1606 = arith.constant 3584 : i32
        %dma_start3A_1607 = tpu.memref_slice %arg6[%dma_start3A_1605, %dma_start3A_1606] : memref<5x4096xf32, #tpu.memory_space<vmem>> -> memref<5x128xf32, #tpu.memory_space<vmem>>
        %dma_start3A_1608 = arith.constant 0 : i32
        %dma_start3A_1609 = tpu.memref_slice %arg2[%dma_start3A_1608, %multiple_of3A_1604] : memref<5x1000000xf32, #tpu.memory_space<hbm>> -> memref<5x128xf32, #tpu.memory_space<hbm>>
        %dma_start3A_1610 = arith.constant 0 : i32
        %dma_start3A_1611 = arith.constant 3584 : i32
        %dma_start3A_1612 = tpu.memref_slice %arg6[%dma_start3A_1610, %dma_start3A_1611] : memref<5x4096xf32, #tpu.memory_space<vmem>> -> memref<5x128xf32, #tpu.memory_space<vmem>>
        %dma_start3A_1613 = arith.constant 0 : i32
        %dma_start3A_1614 = tpu.memref_slice %arg2[%dma_start3A_1613, %multiple_of3A_1604] : memref<5x1000000xf32, #tpu.memory_space<hbm>> -> memref<5x128xf32, #tpu.memory_space<hbm>>
        tpu.enqueue_dma source(%dma_start3A_1614 : memref<5x128xf32, #tpu.memory_space<hbm>>) target(%dma_start3A_1612 : memref<5x128xf32, #tpu.memory_space<vmem>>) target_semaphore(%arg9 : memref<!tpu.dma_semaphore, #tpu.memory_space<semaphore_mem>>)
        %slice3A_1615 = vector.extract_strided_slice %shift_left3A_1445 {offsets = [13], sizes = [1], strides = [1]} : vector<16xi32> to vector<1xi32>
        %squeeze3A_1616 = vector.extract %slice3A_1615[0] : i32 from vector<1xi32>
        %multiple_of3A_1617 = tpu.assume_multiple %squeeze3A_1616, 128 : i32
        %dma_start3A_1618 = arith.constant 0 : i32
        %dma_start3A_1619 = arith.constant 3712 : i32
        %dma_start3A_1620 = tpu.memref_slice %arg6[%dma_start3A_1618, %dma_start3A_1619] : memref<5x4096xf32, #tpu.memory_space<vmem>> -> memref<5x128xf32, #tpu.memory_space<vmem>>
        %dma_start3A_1621 = arith.constant 0 : i32
        %dma_start3A_1622 = tpu.memref_slice %arg2[%dma_start3A_1621, %multiple_of3A_1617] : memref<5x1000000xf32, #tpu.memory_space<hbm>> -> memref<5x128xf32, #tpu.memory_space<hbm>>
        %dma_start3A_1623 = arith.constant 0 : i32
        %dma_start3A_1624 = arith.constant 3712 : i32
        %dma_start3A_1625 = tpu.memref_slice %arg6[%dma_start3A_1623, %dma_start3A_1624] : memref<5x4096xf32, #tpu.memory_space<vmem>> -> memref<5x128xf32, #tpu.memory_space<vmem>>
        %dma_start3A_1626 = arith.constant 0 : i32
        %dma_start3A_1627 = tpu.memref_slice %arg2[%dma_start3A_1626, %multiple_of3A_1617] : memref<5x1000000xf32, #tpu.memory_space<hbm>> -> memref<5x128xf32, #tpu.memory_space<hbm>>
        tpu.enqueue_dma source(%dma_start3A_1627 : memref<5x128xf32, #tpu.memory_space<hbm>>) target(%dma_start3A_1625 : memref<5x128xf32, #tpu.memory_space<vmem>>) target_semaphore(%arg9 : memref<!tpu.dma_semaphore, #tpu.memory_space<semaphore_mem>>)
        %slice3A_1628 = vector.extract_strided_slice %shift_left3A_1445 {offsets = [14], sizes = [1], strides = [1]} : vector<16xi32> to vector<1xi32>
        %squeeze3A_1629 = vector.extract %slice3A_1628[0] : i32 from vector<1xi32>
        %multiple_of3A_1630 = tpu.assume_multiple %squeeze3A_1629, 128 : i32
        %dma_start3A_1631 = arith.constant 0 : i32
        %dma_start3A_1632 = arith.constant 3840 : i32
        %dma_start3A_1633 = tpu.memref_slice %arg6[%dma_start3A_1631, %dma_start3A_1632] : memref<5x4096xf32, #tpu.memory_space<vmem>> -> memref<5x128xf32, #tpu.memory_space<vmem>>
        %dma_start3A_1634 = arith.constant 0 : i32
        %dma_start3A_1635 = tpu.memref_slice %arg2[%dma_start3A_1634, %multiple_of3A_1630] : memref<5x1000000xf32, #tpu.memory_space<hbm>> -> memref<5x128xf32, #tpu.memory_space<hbm>>
        %dma_start3A_1636 = arith.constant 0 : i32
        %dma_start3A_1637 = arith.constant 3840 : i32
        %dma_start3A_1638 = tpu.memref_slice %arg6[%dma_start3A_1636, %dma_start3A_1637] : memref<5x4096xf32, #tpu.memory_space<vmem>> -> memref<5x128xf32, #tpu.memory_space<vmem>>
        %dma_start3A_1639 = arith.constant 0 : i32
        %dma_start3A_1640 = tpu.memref_slice %arg2[%dma_start3A_1639, %multiple_of3A_1630] : memref<5x1000000xf32, #tpu.memory_space<hbm>> -> memref<5x128xf32, #tpu.memory_space<hbm>>
        tpu.enqueue_dma source(%dma_start3A_1640 : memref<5x128xf32, #tpu.memory_space<hbm>>) target(%dma_start3A_1638 : memref<5x128xf32, #tpu.memory_space<vmem>>) target_semaphore(%arg9 : memref<!tpu.dma_semaphore, #tpu.memory_space<semaphore_mem>>)
        %slice3A_1641 = vector.extract_strided_slice %shift_left3A_1445 {offsets = [15], sizes = [1], strides = [1]} : vector<16xi32> to vector<1xi32>
        %squeeze3A_1642 = vector.extract %slice3A_1641[0] : i32 from vector<1xi32>
        %multiple_of3A_1643 = tpu.assume_multiple %squeeze3A_1642, 128 : i32
        %dma_start3A_1644 = arith.constant 0 : i32
        %dma_start3A_1645 = arith.constant 3968 : i32
        %dma_start3A_1646 = tpu.memref_slice %arg6[%dma_start3A_1644, %dma_start3A_1645] : memref<5x4096xf32, #tpu.memory_space<vmem>> -> memref<5x128xf32, #tpu.memory_space<vmem>>
        %dma_start3A_1647 = arith.constant 0 : i32
        %dma_start3A_1648 = tpu.memref_slice %arg2[%dma_start3A_1647, %multiple_of3A_1643] : memref<5x1000000xf32, #tpu.memory_space<hbm>> -> memref<5x128xf32, #tpu.memory_space<hbm>>
        %dma_start3A_1649 = arith.constant 0 : i32
        %dma_start3A_1650 = arith.constant 3968 : i32
        %dma_start3A_1651 = tpu.memref_slice %arg6[%dma_start3A_1649, %dma_start3A_1650] : memref<5x4096xf32, #tpu.memory_space<vmem>> -> memref<5x128xf32, #tpu.memory_space<vmem>>
        %dma_start3A_1652 = arith.constant 0 : i32
        %dma_start3A_1653 = tpu.memref_slice %arg2[%dma_start3A_1652, %multiple_of3A_1643] : memref<5x1000000xf32, #tpu.memory_space<hbm>> -> memref<5x128xf32, #tpu.memory_space<hbm>>
        tpu.enqueue_dma source(%dma_start3A_1653 : memref<5x128xf32, #tpu.memory_space<hbm>>) target(%dma_start3A_1651 : memref<5x128xf32, #tpu.memory_space<vmem>>) target_semaphore(%arg9 : memref<!tpu.dma_semaphore, #tpu.memory_space<semaphore_mem>>)
      } else {
      }
      %mul3A_1047 = arith.constant 2 : i32
      %mul3A_1048 = arith.muli %mul3A_1047, %add3A_442 : i32
      %add3A_1049 = arith.constant 1 : i32
      %add3A_1050 = arith.addi %mul3A_1048, %add3A_1049 : i32
      %scan3A_1051 = arith.constant 0 : i32
      %scan3A_1052 = arith.constant 32 : i32
      %scan3A_1053 = arith.addi %scan3A_1051, %scan3A_1052 : i32
      %scan3A_1054 = arith.constant 1 : i32
      scf.for %scan3A_1204 = %scan3A_1051 to %scan3A_1053 step %scan3A_1054  : i32 {
        %mul3A_1205 = arith.constant 1 : i32
        %mul3A_1206 = arith.muli %scan3A_1204, %mul3A_1205 : i32
        %add3A_1207 = arith.constant 0 : i32
        %add3A_1208 = arith.addi %add3A_1207, %mul3A_1206 : i32
        %dma_wait3A = arith.constant 0 : i32
        %dma_wait3A_1209 = arith.constant 0 : i32
        %dma_wait3A_1210 = tpu.memref_slice %arg7[%dma_wait3A, %dma_wait3A_1209] : memref<5x4096xf32, #tpu.memory_space<vmem>> -> memref<5x128xf32, #tpu.memory_space<vmem>>
        %dma_wait3A_1211 = arith.constant 0 : i32
        %dma_wait3A_1212 = arith.constant 0 : i32
        %dma_wait3A_1213 = tpu.memref_slice %arg2[%dma_wait3A_1211, %dma_wait3A_1212] : memref<5x1000000xf32, #tpu.memory_space<hbm>> -> memref<5x128xf32, #tpu.memory_space<hbm>>
        %dma_wait3A_1214 = arith.constant 0 : i32
        %dma_wait3A_1215 = arith.constant 0 : i32
        %dma_wait3A_1216 = tpu.memref_slice %arg7[%dma_wait3A_1214, %dma_wait3A_1215] : memref<5x4096xf32, #tpu.memory_space<vmem>> -> memref<5x128xf32, #tpu.memory_space<vmem>>
        %dma_wait3A_1217 = arith.constant 0 : i32
        %dma_wait3A_1218 = arith.constant 0 : i32
        %dma_wait3A_1219 = tpu.memref_slice %arg2[%dma_wait3A_1217, %dma_wait3A_1218] : memref<5x1000000xf32, #tpu.memory_space<hbm>> -> memref<5x128xf32, #tpu.memory_space<hbm>>
        tpu.wait_dma2 semaphore(%arg10 : memref<!tpu.dma_semaphore, #tpu.memory_space<semaphore_mem>>) src(%dma_wait3A_1219 : memref<5x128xf32, #tpu.memory_space<hbm>>) dst(%dma_wait3A_1216 : memref<5x128xf32, #tpu.memory_space<vmem>>)
      }
      %scan3A_1055 = arith.constant 32 : i32
      %mul3A_1056 = arith.constant 32 : i32
      %mul3A_1057 = arith.muli %add3A_1050, %mul3A_1056 : i32
      %add3A_1058 = arith.constant 0 : i32
      %add3A_1059 = arith.addi %mul3A_1057, %add3A_1058 : i32
      %get3A_1060 = arith.constant 0 : i32
      %get3A_1061 = arith.index_cast %get3A_1060 : i32 to index
      %get3A_1062 = arith.index_cast %add3A_1059 : i32 to index
      %get3A_1063 = tpu.vector_load %arg5[%get3A_1061, %get3A_1062] {strides = array<i32>} : memref<1x512xf32, #tpu.memory_space<vmem>>, vector<16xf32>,
      %convert_element_type3A_1064 = arith.fptosi %get3A_1063 : vector<16xf32> to vector<16xi32>
      %mul3A_1065 = arith.constant 128 : i32
      %mul3A_1066 = vector.broadcast %mul3A_1065 : i32 to vector<16xi32>
      %mul3A_1067 = arith.muli %iota3A, %mul3A_1066 : vector<16xi32>
      %add3A_1068 = arith.constant 0 : i32
      %add3A_1069 = vector.broadcast %add3A_1068 : i32 to vector<16xi32>
      %add3A_1070 = arith.addi %add3A_1069, %mul3A_1067 : vector<16xi32>
      %and3A_1071 = arith.constant 127 : i32
      %and3A_1072 = vector.broadcast %and3A_1071 : i32 to vector<16xi32>
      %and3A_1073 = arith.andi %convert_element_type3A_1064, %and3A_1072 : vector<16xi32>
      %add3A_1074 = arith.addi %add3A_1070, %and3A_1073 : vector<16xi32>
      %broadcast_in_dim3A_1075 = arith.constant 0 : i32
      %broadcast_in_dim3A_1076 = vector.broadcast %broadcast_in_dim3A_1075 : i32 to vector<16xi32>
      %gather3A_1077 = tpu.vector_load_idx %arg7[%broadcast_in_dim3A_1076, %add3A_1074] : memref<5x4096xf32, #tpu.memory_space<vmem>>[vector<16xi32>, vector<16xi32>], vector<16xf32>,
      %mul3A_1078 = arith.constant 32 : i32
      %mul3A_1079 = arith.muli %add3A_1050, %mul3A_1078 : i32
      %add3A_1080 = arith.constant 0 : i32
      %add3A_1081 = arith.addi %mul3A_1079, %add3A_1080 : i32
      %swap3A_1082 = arith.constant 0 : i32
      %swap3A_1083 = arith.index_cast %swap3A_1082 : i32 to index
      %swap3A_1084 = arith.index_cast %add3A_1081 : i32 to index
      %swap3A_1085 = tpu.vector_load %arg8[%swap3A_1083, %swap3A_1084] {strides = array<i32>} : memref<5x512xf32, #tpu.memory_space<vmem>>, vector<16xf32>,
      tpu.vector_store %arg8[%swap3A_1083, %swap3A_1084], %gather3A_1077 {strides = array<i32>} : memref<5x512xf32, #tpu.memory_space<vmem>>, vector<16xf32>,
      %broadcast_in_dim3A_1086 = arith.constant 1 : i32
      %broadcast_in_dim3A_1087 = vector.broadcast %broadcast_in_dim3A_1086 : i32 to vector<16xi32>
      %gather3A_1088 = tpu.vector_load_idx %arg7[%broadcast_in_dim3A_1087, %add3A_1074] : memref<5x4096xf32, #tpu.memory_space<vmem>>[vector<16xi32>, vector<16xi32>], vector<16xf32>,
      %mul3A_1089 = arith.constant 32 : i32
      %mul3A_1090 = arith.muli %add3A_1050, %mul3A_1089 : i32
      %add3A_1091 = arith.constant 0 : i32
      %add3A_1092 = arith.addi %mul3A_1090, %add3A_1091 : i32
      %swap3A_1093 = arith.constant 1 : i32
      %swap3A_1094 = arith.index_cast %swap3A_1093 : i32 to index
      %swap3A_1095 = arith.index_cast %add3A_1092 : i32 to index
      %swap3A_1096 = tpu.vector_load %arg8[%swap3A_1094, %swap3A_1095] {strides = array<i32>} : memref<5x512xf32, #tpu.memory_space<vmem>>, vector<16xf32>,
      tpu.vector_store %arg8[%swap3A_1094, %swap3A_1095], %gather3A_1088 {strides = array<i32>} : memref<5x512xf32, #tpu.memory_space<vmem>>, vector<16xf32>,
      %broadcast_in_dim3A_1097 = arith.constant 2 : i32
      %broadcast_in_dim3A_1098 = vector.broadcast %broadcast_in_dim3A_1097 : i32 to vector<16xi32>
      %gather3A_1099 = tpu.vector_load_idx %arg7[%broadcast_in_dim3A_1098, %add3A_1074] : memref<5x4096xf32, #tpu.memory_space<vmem>>[vector<16xi32>, vector<16xi32>], vector<16xf32>,
      %mul3A_1100 = arith.constant 32 : i32
      %mul3A_1101 = arith.muli %add3A_1050, %mul3A_1100 : i32
      %add3A_1102 = arith.constant 0 : i32
      %add3A_1103 = arith.addi %mul3A_1101, %add3A_1102 : i32
      %swap3A_1104 = arith.constant 2 : i32
      %swap3A_1105 = arith.index_cast %swap3A_1104 : i32 to index
      %swap3A_1106 = arith.index_cast %add3A_1103 : i32 to index
      %swap3A_1107 = tpu.vector_load %arg8[%swap3A_1105, %swap3A_1106] {strides = array<i32>} : memref<5x512xf32, #tpu.memory_space<vmem>>, vector<16xf32>,
      tpu.vector_store %arg8[%swap3A_1105, %swap3A_1106], %gather3A_1099 {strides = array<i32>} : memref<5x512xf32, #tpu.memory_space<vmem>>, vector<16xf32>,
      %broadcast_in_dim3A_1108 = arith.constant 3 : i32
      %broadcast_in_dim3A_1109 = vector.broadcast %broadcast_in_dim3A_1108 : i32 to vector<16xi32>
      %gather3A_1110 = tpu.vector_load_idx %arg7[%broadcast_in_dim3A_1109, %add3A_1074] : memref<5x4096xf32, #tpu.memory_space<vmem>>[vector<16xi32>, vector<16xi32>], vector<16xf32>,
      %mul3A_1111 = arith.constant 32 : i32
      %mul3A_1112 = arith.muli %add3A_1050, %mul3A_1111 : i32
      %add3A_1113 = arith.constant 0 : i32
      %add3A_1114 = arith.addi %mul3A_1112, %add3A_1113 : i32
      %swap3A_1115 = arith.constant 3 : i32
      %swap3A_1116 = arith.index_cast %swap3A_1115 : i32 to index
      %swap3A_1117 = arith.index_cast %add3A_1114 : i32 to index
      %swap3A_1118 = tpu.vector_load %arg8[%swap3A_1116, %swap3A_1117] {strides = array<i32>} : memref<5x512xf32, #tpu.memory_space<vmem>>, vector<16xf32>,
      tpu.vector_store %arg8[%swap3A_1116, %swap3A_1117], %gather3A_1110 {strides = array<i32>} : memref<5x512xf32, #tpu.memory_space<vmem>>, vector<16xf32>,
      %broadcast_in_dim3A_1119 = arith.constant 4 : i32
      %broadcast_in_dim3A_1120 = vector.broadcast %broadcast_in_dim3A_1119 : i32 to vector<16xi32>
      %gather3A_1121 = tpu.vector_load_idx %arg7[%broadcast_in_dim3A_1120, %add3A_1074] : memref<5x4096xf32, #tpu.memory_space<vmem>>[vector<16xi32>, vector<16xi32>], vector<16xf32>,
      %mul3A_1122 = arith.constant 32 : i32
      %mul3A_1123 = arith.muli %add3A_1050, %mul3A_1122 : i32
      %add3A_1124 = arith.constant 0 : i32
      %add3A_1125 = arith.addi %mul3A_1123, %add3A_1124 : i32
      %swap3A_1126 = arith.constant 4 : i32
      %swap3A_1127 = arith.index_cast %swap3A_1126 : i32 to index
      %swap3A_1128 = arith.index_cast %add3A_1125 : i32 to index
      %swap3A_1129 = tpu.vector_load %arg8[%swap3A_1127, %swap3A_1128] {strides = array<i32>} : memref<5x512xf32, #tpu.memory_space<vmem>>, vector<16xf32>,
      tpu.vector_store %arg8[%swap3A_1127, %swap3A_1128], %gather3A_1121 {strides = array<i32>} : memref<5x512xf32, #tpu.memory_space<vmem>>, vector<16xf32>,
      %mul3A_1130 = arith.constant 32 : i32
      %mul3A_1131 = arith.muli %add3A_1050, %mul3A_1130 : i32
      %add3A_1132 = arith.constant 16 : i32
      %add3A_1133 = arith.addi %mul3A_1131, %add3A_1132 : i32
      %get3A_1134 = arith.constant 0 : i32
      %get3A_1135 = arith.index_cast %get3A_1134 : i32 to index
      %get3A_1136 = arith.index_cast %add3A_1133 : i32 to index
      %get3A_1137 = tpu.vector_load %arg5[%get3A_1135, %get3A_1136] {strides = array<i32>} : memref<1x512xf32, #tpu.memory_space<vmem>>, vector<16xf32>,
      %convert_element_type3A_1138 = arith.fptosi %get3A_1137 : vector<16xf32> to vector<16xi32>
      %mul3A_1139 = arith.constant 128 : i32
      %mul3A_1140 = vector.broadcast %mul3A_1139 : i32 to vector<16xi32>
      %mul3A_1141 = arith.muli %iota3A, %mul3A_1140 : vector<16xi32>
      %add3A_1142 = arith.constant 2048 : i32
      %add3A_1143 = vector.broadcast %add3A_1142 : i32 to vector<16xi32>
      %add3A_1144 = arith.addi %add3A_1143, %mul3A_1141 : vector<16xi32>
      %and3A_1145 = arith.constant 127 : i32
      %and3A_1146 = vector.broadcast %and3A_1145 : i32 to vector<16xi32>
      %and3A_1147 = arith.andi %convert_element_type3A_1138, %and3A_1146 : vector<16xi32>
      %add3A_1148 = arith.addi %add3A_1144, %and3A_1147 : vector<16xi32>
      %broadcast_in_dim3A_1149 = arith.constant 0 : i32
      %broadcast_in_dim3A_1150 = vector.broadcast %broadcast_in_dim3A_1149 : i32 to vector<16xi32>
      %gather3A_1151 = tpu.vector_load_idx %arg7[%broadcast_in_dim3A_1150, %add3A_1148] : memref<5x4096xf32, #tpu.memory_space<vmem>>[vector<16xi32>, vector<16xi32>], vector<16xf32>,
      %mul3A_1152 = arith.constant 32 : i32
      %mul3A_1153 = arith.muli %add3A_1050, %mul3A_1152 : i32
      %add3A_1154 = arith.constant 16 : i32
      %add3A_1155 = arith.addi %mul3A_1153, %add3A_1154 : i32
      %swap3A_1156 = arith.constant 0 : i32
      %swap3A_1157 = arith.index_cast %swap3A_1156 : i32 to index
      %swap3A_1158 = arith.index_cast %add3A_1155 : i32 to index
      %swap3A_1159 = tpu.vector_load %arg8[%swap3A_1157, %swap3A_1158] {strides = array<i32>} : memref<5x512xf32, #tpu.memory_space<vmem>>, vector<16xf32>,
      tpu.vector_store %arg8[%swap3A_1157, %swap3A_1158], %gather3A_1151 {strides = array<i32>} : memref<5x512xf32, #tpu.memory_space<vmem>>, vector<16xf32>,
      %broadcast_in_dim3A_1160 = arith.constant 1 : i32
      %broadcast_in_dim3A_1161 = vector.broadcast %broadcast_in_dim3A_1160 : i32 to vector<16xi32>
      %gather3A_1162 = tpu.vector_load_idx %arg7[%broadcast_in_dim3A_1161, %add3A_1148] : memref<5x4096xf32, #tpu.memory_space<vmem>>[vector<16xi32>, vector<16xi32>], vector<16xf32>,
      %mul3A_1163 = arith.constant 32 : i32
      %mul3A_1164 = arith.muli %add3A_1050, %mul3A_1163 : i32
      %add3A_1165 = arith.constant 16 : i32
      %add3A_1166 = arith.addi %mul3A_1164, %add3A_1165 : i32
      %swap3A_1167 = arith.constant 1 : i32
      %swap3A_1168 = arith.index_cast %swap3A_1167 : i32 to index
      %swap3A_1169 = arith.index_cast %add3A_1166 : i32 to index
      %swap3A_1170 = tpu.vector_load %arg8[%swap3A_1168, %swap3A_1169] {strides = array<i32>} : memref<5x512xf32, #tpu.memory_space<vmem>>, vector<16xf32>,
      tpu.vector_store %arg8[%swap3A_1168, %swap3A_1169], %gather3A_1162 {strides = array<i32>} : memref<5x512xf32, #tpu.memory_space<vmem>>, vector<16xf32>,
      %broadcast_in_dim3A_1171 = arith.constant 2 : i32
      %broadcast_in_dim3A_1172 = vector.broadcast %broadcast_in_dim3A_1171 : i32 to vector<16xi32>
      %gather3A_1173 = tpu.vector_load_idx %arg7[%broadcast_in_dim3A_1172, %add3A_1148] : memref<5x4096xf32, #tpu.memory_space<vmem>>[vector<16xi32>, vector<16xi32>], vector<16xf32>,
      %mul3A_1174 = arith.constant 32 : i32
      %mul3A_1175 = arith.muli %add3A_1050, %mul3A_1174 : i32
      %add3A_1176 = arith.constant 16 : i32
      %add3A_1177 = arith.addi %mul3A_1175, %add3A_1176 : i32
      %swap3A_1178 = arith.constant 2 : i32
      %swap3A_1179 = arith.index_cast %swap3A_1178 : i32 to index
      %swap3A_1180 = arith.index_cast %add3A_1177 : i32 to index
      %swap3A_1181 = tpu.vector_load %arg8[%swap3A_1179, %swap3A_1180] {strides = array<i32>} : memref<5x512xf32, #tpu.memory_space<vmem>>, vector<16xf32>,
      tpu.vector_store %arg8[%swap3A_1179, %swap3A_1180], %gather3A_1173 {strides = array<i32>} : memref<5x512xf32, #tpu.memory_space<vmem>>, vector<16xf32>,
      %broadcast_in_dim3A_1182 = arith.constant 3 : i32
      %broadcast_in_dim3A_1183 = vector.broadcast %broadcast_in_dim3A_1182 : i32 to vector<16xi32>
      %gather3A_1184 = tpu.vector_load_idx %arg7[%broadcast_in_dim3A_1183, %add3A_1148] : memref<5x4096xf32, #tpu.memory_space<vmem>>[vector<16xi32>, vector<16xi32>], vector<16xf32>,
      %mul3A_1185 = arith.constant 32 : i32
      %mul3A_1186 = arith.muli %add3A_1050, %mul3A_1185 : i32
      %add3A_1187 = arith.constant 16 : i32
      %add3A_1188 = arith.addi %mul3A_1186, %add3A_1187 : i32
      %swap3A_1189 = arith.constant 3 : i32
      %swap3A_1190 = arith.index_cast %swap3A_1189 : i32 to index
      %swap3A_1191 = arith.index_cast %add3A_1188 : i32 to index
      %swap3A_1192 = tpu.vector_load %arg8[%swap3A_1190, %swap3A_1191] {strides = array<i32>} : memref<5x512xf32, #tpu.memory_space<vmem>>, vector<16xf32>,
      tpu.vector_store %arg8[%swap3A_1190, %swap3A_1191], %gather3A_1184 {strides = array<i32>} : memref<5x512xf32, #tpu.memory_space<vmem>>, vector<16xf32>,
      %broadcast_in_dim3A_1193 = arith.constant 4 : i32
      %broadcast_in_dim3A_1194 = vector.broadcast %broadcast_in_dim3A_1193 : i32 to vector<16xi32>
      %gather3A_1195 = tpu.vector_load_idx %arg7[%broadcast_in_dim3A_1194, %add3A_1148] : memref<5x4096xf32, #tpu.memory_space<vmem>>[vector<16xi32>, vector<16xi32>], vector<16xf32>,
      %mul3A_1196 = arith.constant 32 : i32
      %mul3A_1197 = arith.muli %add3A_1050, %mul3A_1196 : i32
      %add3A_1198 = arith.constant 16 : i32
      %add3A_1199 = arith.addi %mul3A_1197, %add3A_1198 : i32
      %swap3A_1200 = arith.constant 4 : i32
      %swap3A_1201 = arith.index_cast %swap3A_1200 : i32 to index
      %swap3A_1202 = arith.index_cast %add3A_1199 : i32 to index
      %swap3A_1203 = tpu.vector_load %arg8[%swap3A_1201, %swap3A_1202] {strides = array<i32>} : memref<5x512xf32, #tpu.memory_space<vmem>>, vector<16xf32>,
      tpu.vector_store %arg8[%swap3A_1201, %swap3A_1202], %gather3A_1195 {strides = array<i32>} : memref<5x512xf32, #tpu.memory_space<vmem>>, vector<16xf32>,
    }
    %scan3A_437 = arith.constant 8 : i32
    "tpu.region"() ({
      %run_scoped3A = tpu.sem_alloc : memref<!tpu.dma_semaphore, #tpu.memory_space<semaphore_mem>>
      %dma_start3A_438 = arith.constant 0 : i32
      %dma_start3A_439 = tpu.memref_slice %arg4[%dma_start3A_438, %multiple_of3A] : memref<5x16384xf32, #tpu.memory_space<hbm>> -> memref<5x512xf32, #tpu.memory_space<hbm>>
      %dma_start3A_440 = arith.constant 0 : i32
      %dma_start3A_441 = tpu.memref_slice %arg4[%dma_start3A_440, %multiple_of3A] : memref<5x16384xf32, #tpu.memory_space<hbm>> -> memref<5x512xf32, #tpu.memory_space<hbm>>
      tpu.enqueue_dma source(%arg8 : memref<5x512xf32, #tpu.memory_space<vmem>>) target(%dma_start3A_441 : memref<5x512xf32, #tpu.memory_space<hbm>>) target_semaphore(%run_scoped3A : memref<!tpu.dma_semaphore, #tpu.memory_space<semaphore_mem>>)
      %dma_wait3A = arith.constant 0 : i32
      %dma_wait3A_442 = tpu.memref_slice %arg4[%dma_wait3A, %multiple_of3A] : memref<5x16384xf32, #tpu.memory_space<hbm>> -> memref<5x512xf32, #tpu.memory_space<hbm>>
      %dma_wait3A_443 = arith.constant 0 : i32
      %dma_wait3A_444 = tpu.memref_slice %arg4[%dma_wait3A_443, %multiple_of3A] : memref<5x16384xf32, #tpu.memory_space<hbm>> -> memref<5x512xf32, #tpu.memory_space<hbm>>
      tpu.wait_dma2 semaphore(%run_scoped3A : memref<!tpu.dma_semaphore, #tpu.memory_space<semaphore_mem>>) src(%arg8 : memref<5x512xf32, #tpu.memory_space<vmem>>) dst(%dma_wait3A_444 : memref<5x512xf32, #tpu.memory_space<hbm>>)
      tpu.yield
    }) : () -> ()
    return
  }
}

module attributes {stable_mosaic.version = 14 : i64} {
  func.func @_mlp_kernel(%arg0: i32, %arg1: memref<5x16384xf32, #tpu.memory_space<vmem>>, %arg2: memref<128x5xf32, #tpu.memory_space<vmem>>, %arg3: memref<128x1xf32, #tpu.memory_space<vmem>>, %arg4: memref<128x128xf32, #tpu.memory_space<vmem>>, %arg5: memref<128x1xf32, #tpu.memory_space<vmem>>, %arg6: memref<128x128xf32, #tpu.memory_space<vmem>>, %arg7: memref<128x1xf32, #tpu.memory_space<vmem>>, %arg8: memref<13x128xf32, #tpu.memory_space<vmem>>, %arg9: memref<13x1xf32, #tpu.memory_space<vmem>>, %arg10: memref<13x16384xf32, #tpu.memory_space<vmem>>) attributes {dimension_semantics = [#tpu.dimension_semantics<arbitrary>], iteration_bounds = array<i64: 1>, scalar_prefetch = 0 : i64, scratch_operands = 0 : i64, tpu.core_type = #tpu.core_type<tc>, window_params = [{transform_indices = @transform_0, window_bounds = array<i64: 5, 16384>}, {pipeline_mode = #tpu.pipeline_mode<synchronous>, transform_indices = @transform_1, window_bounds = array<i64: 128, 5>}, {pipeline_mode = #tpu.pipeline_mode<synchronous>, transform_indices = @transform_2, window_bounds = array<i64: 128, 1>}, {pipeline_mode = #tpu.pipeline_mode<synchronous>, transform_indices = @transform_3, window_bounds = array<i64: 128, 128>}, {pipeline_mode = #tpu.pipeline_mode<synchronous>, transform_indices = @transform_4, window_bounds = array<i64: 128, 1>}, {pipeline_mode = #tpu.pipeline_mode<synchronous>, transform_indices = @transform_5, window_bounds = array<i64: 128, 128>}, {pipeline_mode = #tpu.pipeline_mode<synchronous>, transform_indices = @transform_6, window_bounds = array<i64: 128, 1>}, {pipeline_mode = #tpu.pipeline_mode<synchronous>, transform_indices = @transform_7, window_bounds = array<i64: 13, 128>}, {pipeline_mode = #tpu.pipeline_mode<synchronous>, transform_indices = @transform_8, window_bounds = array<i64: 13, 1>}, {transform_indices = @transform_9, window_bounds = array<i64: 13, 16384>}]} {
    %get3A = arith.constant 0 : index
    %get3A_0 = arith.constant 0 : index
    %get3A_1 = vector.load %arg2[%get3A, %get3A_0] : memref<128x5xf32, #tpu.memory_space<vmem>>, vector<128x5xf32>
    %get3A_2 = arith.constant 0 : index
    %get3A_3 = arith.constant 0 : index
    %get3A_4 = vector.load %arg1[%get3A_2, %get3A_3] : memref<5x16384xf32, #tpu.memory_space<vmem>>, vector<5x16384xf32>
    %dot_general3A = arith.constant dense<0.000000e+00> : vector<128x16384xf32>
    %dot_general3A_5 = tpu.matmul %get3A_1, %get3A_4, %dot_general3A {dimension_numbers = #tpu.dot_dimension_numbers<[1], [0], [0], [1], [0, 0, 1, 1], [], []>, transpose_lhs_hint = false} : vector<128x5xf32>, vector<5x16384xf32>, vector<128x16384xf32> -> vector<128x16384xf32>
    %get3A_6 = arith.constant 0 : index
    %get3A_7 = arith.constant 0 : index
    %get3A_8 = vector.load %arg3[%get3A_6, %get3A_7] : memref<128x1xf32, #tpu.memory_space<vmem>>, vector<128x1xf32>
    %add3A = vector.broadcast %get3A_8 : vector<128x1xf32> to vector<128x16384xf32>
    %add3A_9 = arith.addf %dot_general3A_5, %add3A : vector<128x16384xf32>
    %max3A = arith.constant 0.000000e+00 : f32
    %max3A_10 = vector.broadcast %max3A : f32 to vector<128x16384xf32>
    %max3A_11 = arith.maximumf %add3A_9, %max3A_10 : vector<128x16384xf32>
    %get3A_12 = arith.constant 0 : index
    %get3A_13 = arith.constant 0 : index
    %get3A_14 = vector.load %arg4[%get3A_12, %get3A_13] : memref<128x128xf32, #tpu.memory_space<vmem>>, vector<128x128xf32>
    %dot_general3A_15 = arith.constant dense<0.000000e+00> : vector<128x16384xf32>
    %dot_general3A_16 = tpu.matmul %get3A_14, %max3A_11, %dot_general3A_15 {dimension_numbers = #tpu.dot_dimension_numbers<[1], [0], [0], [1], [0, 0, 1, 1], [], []>, transpose_lhs_hint = false} : vector<128x128xf32>, vector<128x16384xf32>, vector<128x16384xf32> -> vector<128x16384xf32>
    %get3A_17 = arith.constant 0 : index
    %get3A_18 = arith.constant 0 : index
    %get3A_19 = vector.load %arg5[%get3A_17, %get3A_18] : memref<128x1xf32, #tpu.memory_space<vmem>>, vector<128x1xf32>
    %add3A_20 = vector.broadcast %get3A_19 : vector<128x1xf32> to vector<128x16384xf32>
    %add3A_21 = arith.addf %dot_general3A_16, %add3A_20 : vector<128x16384xf32>
    %max3A_22 = arith.constant 0.000000e+00 : f32
    %max3A_23 = vector.broadcast %max3A_22 : f32 to vector<128x16384xf32>
    %max3A_24 = arith.maximumf %add3A_21, %max3A_23 : vector<128x16384xf32>
    %get3A_25 = arith.constant 0 : index
    %get3A_26 = arith.constant 0 : index
    %get3A_27 = vector.load %arg6[%get3A_25, %get3A_26] : memref<128x128xf32, #tpu.memory_space<vmem>>, vector<128x128xf32>
    %dot_general3A_28 = arith.constant dense<0.000000e+00> : vector<128x16384xf32>
    %dot_general3A_29 = tpu.matmul %get3A_27, %max3A_24, %dot_general3A_28 {dimension_numbers = #tpu.dot_dimension_numbers<[1], [0], [0], [1], [0, 0, 1, 1], [], []>, transpose_lhs_hint = false} : vector<128x128xf32>, vector<128x16384xf32>, vector<128x16384xf32> -> vector<128x16384xf32>
    %get3A_30 = arith.constant 0 : index
    %get3A_31 = arith.constant 0 : index
    %get3A_32 = vector.load %arg7[%get3A_30, %get3A_31] : memref<128x1xf32, #tpu.memory_space<vmem>>, vector<128x1xf32>
    %add3A_33 = vector.broadcast %get3A_32 : vector<128x1xf32> to vector<128x16384xf32>
    %add3A_34 = arith.addf %dot_general3A_29, %add3A_33 : vector<128x16384xf32>
    %max3A_35 = arith.constant 0.000000e+00 : f32
    %max3A_36 = vector.broadcast %max3A_35 : f32 to vector<128x16384xf32>
    %max3A_37 = arith.maximumf %add3A_34, %max3A_36 : vector<128x16384xf32>
    %get3A_38 = arith.constant 0 : index
    %get3A_39 = arith.constant 0 : index
    %get3A_40 = vector.load %arg8[%get3A_38, %get3A_39] : memref<13x128xf32, #tpu.memory_space<vmem>>, vector<13x128xf32>
    %dot_general3A_41 = arith.constant dense<0.000000e+00> : vector<13x16384xf32>
    %dot_general3A_42 = tpu.matmul %get3A_40, %max3A_37, %dot_general3A_41 {dimension_numbers = #tpu.dot_dimension_numbers<[1], [0], [0], [1], [0, 0, 1, 1], [], []>, transpose_lhs_hint = false} : vector<13x128xf32>, vector<128x16384xf32>, vector<13x16384xf32> -> vector<13x16384xf32>
    %get3A_43 = arith.constant 0 : index
    %get3A_44 = arith.constant 0 : index
    %get3A_45 = vector.load %arg9[%get3A_43, %get3A_44] : memref<13x1xf32, #tpu.memory_space<vmem>>, vector<13x1xf32>
    %add3A_46 = vector.broadcast %get3A_45 : vector<13x1xf32> to vector<13x16384xf32>
    %add3A_47 = arith.addf %dot_general3A_42, %add3A_46 : vector<13x16384xf32>
    %swap3A = arith.constant 0 : index
    %swap3A_48 = arith.constant 0 : index
    %swap3A_49 = vector.load %arg10[%swap3A, %swap3A_48] : memref<13x16384xf32, #tpu.memory_space<vmem>>, vector<13x16384xf32>
    tpu.vector_store %arg10[%swap3A, %swap3A_48], %add3A_47 {strides = array<i32>} : memref<13x16384xf32, #tpu.memory_space<vmem>>, vector<13x16384xf32>,
    return
  }
  func.func @transform_0(%arg0: i32) -> (i32, i32) {
    %c0_i32 = arith.constant 0 : i32
    %c0_i32_0 = arith.constant 0 : i32
    return %c0_i32, %arg0 : i32, i32
  }
  func.func @transform_1(%arg0: i32) -> (i32, i32) {
    %c0_i32 = arith.constant 0 : i32
    %c0_i32_0 = arith.constant 0 : i32
    %c0_i32_1 = arith.constant 0 : i32
    return %c0_i32, %c0_i32_0 : i32, i32
  }
  func.func @transform_2(%arg0: i32) -> (i32, i32) {
    %c0_i32 = arith.constant 0 : i32
    %c0_i32_0 = arith.constant 0 : i32
    %c0_i32_1 = arith.constant 0 : i32
    return %c0_i32, %c0_i32_0 : i32, i32
  }
  func.func @transform_3(%arg0: i32) -> (i32, i32) {
    %c0_i32 = arith.constant 0 : i32
    %c0_i32_0 = arith.constant 0 : i32
    %c0_i32_1 = arith.constant 0 : i32
    return %c0_i32, %c0_i32_0 : i32, i32
  }
  func.func @transform_4(%arg0: i32) -> (i32, i32) {
    %c0_i32 = arith.constant 0 : i32
    %c0_i32_0 = arith.constant 0 : i32
    %c0_i32_1 = arith.constant 0 : i32
    return %c0_i32, %c0_i32_0 : i32, i32
  }
  func.func @transform_5(%arg0: i32) -> (i32, i32) {
    %c0_i32 = arith.constant 0 : i32
    %c0_i32_0 = arith.constant 0 : i32
    %c0_i32_1 = arith.constant 0 : i32
    return %c0_i32, %c0_i32_0 : i32, i32
  }
  func.func @transform_6(%arg0: i32) -> (i32, i32) {
    %c0_i32 = arith.constant 0 : i32
    %c0_i32_0 = arith.constant 0 : i32
    %c0_i32_1 = arith.constant 0 : i32
    return %c0_i32, %c0_i32_0 : i32, i32
  }
  func.func @transform_7(%arg0: i32) -> (i32, i32) {
    %c0_i32 = arith.constant 0 : i32
    %c0_i32_0 = arith.constant 0 : i32
    %c0_i32_1 = arith.constant 0 : i32
    return %c0_i32, %c0_i32_0 : i32, i32
  }
  func.func @transform_8(%arg0: i32) -> (i32, i32) {
    %c0_i32 = arith.constant 0 : i32
    %c0_i32_0 = arith.constant 0 : i32
    %c0_i32_1 = arith.constant 0 : i32
    return %c0_i32, %c0_i32_0 : i32, i32
  }
  func.func @transform_9(%arg0: i32) -> (i32, i32) {
    %c0_i32 = arith.constant 0 : i32
    %c0_i32_0 = arith.constant 0 : i32
    return %c0_i32, %arg0 : i32, i32
  }
}

</mosaic_0001>

<sc_bundles>
// kernel: kernel.4.cloned.1.call-start
scs
__scs_entry_jumppad:
0x0: {  	(pc) =	sbr.rel $0x88, $3  }
0x1: {  	(tag) =	ssettag $0x0;
	lr =	simm.s32 $0x1  }
0x2: {  	[smem:$0x3F93] =	sst lr;
	_ =	strace $0xD0000000  }
0x3: {  	_ = 	snop  }
0x4: {  	_ = 	snop  }
0x5: {  	_ = 	snop  }
0x6: {  	_ = 	snop  }
0x7: {  	_ = 	snop  }
__scs_overlays_trampoline_lowered:
0x8: {  	[smem:$0x3FA2] =	sst s0  }
0x9: {  	[smem:$0x3FA3] =	sst s1  }
0xa: {  	[smem:$0x3FA4] =	sst s2  }
0xb: {  	[smem:$0x3FA5] =	sst s3  }
0xc: {  	[smem:$0x3FA6] =	sst s4  }
0xd: {  	[smem:$0x3FA7] =	sst s5  }
0xe: {  	[smem:$0x3FA8] =	sst s6  }
0xf: {  	[smem:$0x3FA9] =	sst s7  }
0x10: {  	[smem:$0x3FAA] =	sst s8  }
0x11: {  	[smem:$0x3FAB] =	sst s9;
	s0 =	simm.s32 @!p0 $0x0  }
0x12: {  	s1 =	sld [smem:$0x3F91];
	s0 =	simm.s32 @p0 $0x1  }
0x13: {  	[smem:$0x3FAC] =	sst s0;
	s0 =	simm.s32 @!p1 $0x0  }
0x14: {  	s2 =	sld [smem:$0x3F90];
	s0 =	simm.s32 @p1 $0x1  }
0x15: {  	[smem:$0x3FAD] =	sst s0;
	s0 =	simm.s32 @!p2 $0x0  }
0x16: {  	s3 =	sld [smem:$0x3FDB];
	s0 =	simm.s32 @p2 $0x1  }
0x17: {  	s4 =	simm.s32 $0x1BF5;
	[smem:$0x3FAF] =	sst s0  }
0x18: {  	s0 =	sld [smem:$0x3F92];
	_ =	swait.ge [sflag:s4], $0x0  }
0x19: {  	s7 =	sld [smem:$0x3F93]  }
0x1a: {  	s8 =	sadd.s32 $0xFFFFE003, lr  }
0x1b: {  	s9 =	sadd.s32 $0xFFFFFEF7, lr;
	s5 =	simm.s32 $0xFFFFFFFF;
	p2 =	slt.u32 s8, $0xFFFFF086  }
0x1c: {  	p1 =	slt.u32 s9, $0xF7A;
	s5 =	simm.s32 @!p2 $0x0  }
0x1d: {  	s5 =	simm.s32 @p1 $0x1;
	p0 =	seq.s32 s7, s2  }
0x1e: {  	s7 =	smul.u32 @!p0 $0xF7A, s2;
	p2 =	seq.s32 @!p0 s5, $0x0  }
0x1f: {  	s9 =	smul.u32 $0xF7A, s1;
	s8 =	simm.s32 @!p0 $0x1BF5;
	p2 =	por !p2, p0  }
0x20: {  	[sflag:s8] =	ssyncset.s32 @!p0 $0xFFFFF086;
	s6 =	sadd.s32 @!p0 s3, s7;
	s7 =	simm.s32 @!p0 $0x108  }
0x21: {  	s3 =	sadd.s32 s3, s9;
	s6 =	sadd.s32 @!p0 $0x88, s6;
	s7 =	simm.s32 @p2 $0x1082  }
0x22: {  	[simem:s7], [sflag:s8] =	dma.local @!p0 [hbm:s6], $0xF7A  }
0x23: {  	s9 =	sor.u32 $0xD0000000, s2;
	s6 =	simm.s32 $0x108;
	_ =	swait.ge @!p0 [sflag:s8], $0x0  }
0x24: {  	s3 =	sadd.s32 $0x88, s3;
	s6 =	simm.s32 @!p1 $0x1082;
	[sflag:s4] =	ssyncset.s32 $0xFFFFF086  }
0x25: {  	[simem:s6], [sflag:s4] =	dma.local [hbm:s3], $0xF7A  }
0x26: {  	[smem:$0x3F93] =	sst s1;
	(tag) =	ssettag s2;
	_ =	strace s9  }
0x27: {  	s1 =	sld [smem:$0x3FA3]  }
0x28: {  	s2 =	sld [smem:$0x3FA4]  }
0x29: {  	s4 =	sld [smem:$0x3FA6]  }
0x2a: {  	p0 =	seq.s32 s5, $0x0;
	s5 =	sld [smem:$0x3FA7]  }
0x2b: {  	s6 =	sld [smem:$0x3FA8]  }
0x2c: {  	s7 =	sld [smem:$0x3FA9]  }
0x2d: {  	s3 =	simm.s32 $0x108;
	s8 =	sld [smem:$0x3FAA]  }
0x2e: {  	s3 =	simm.s32 @!p0 $0x1082;
	s9 =	sld [smem:$0x3FAB]  }
0x2f: {  	lr =	sadd.s32 s0, s3;
	s0 =	sld [smem:$0x3FA2]  }
0x30: {  	s3 =	sld [smem:$0x3FA5]  }
0x31: {  	[smem:$0x3FAE] =	sst s10  }
0x32: {  	s10 =	sld [smem:$0x3FAC];
	_ =	sdelay $0x3  }
0x33: {  	p0 =	seq.s32 s10, $0x1;
	s10 =	sld [smem:$0x3FAE];
	_ =	sdelay $0x3  }
0x34: {  	[smem:$0x3FAE] =	sst s10  }
0x35: {  	s10 =	sld [smem:$0x3FAD];
	_ =	sdelay $0x3  }
0x36: {  	p1 =	seq.s32 s10, $0x1;
	s10 =	sld [smem:$0x3FAE];
	_ =	sdelay $0x3  }
0x37: {  	[smem:$0x3FAE] =	sst s10  }
0x38: {  	s10 =	sld [smem:$0x3FAF]  }
0x39: {  	_ = 	snop;
	(pc) =	sbr.ind lr, $3  }
0x3a: {  	_ = 	snop  }
0x3b: {  	_ = 	snop  }
0x3c: {  	p2 =	seq.s32 s10, $0x1;
	s10 =	sld [smem:$0x3FAE]  }
0x3d: {  	_ =	shalt  }
0x3e: {  	_ =	shalt  }
0x3f: {  	_ =	shalt  }
0x40: {  	_ =	shalt  }
0x41: {  	_ =	shalt  }
0x42: {  	_ =	shalt  }
0x43: {  	_ =	shalt  }
0x44: {  	_ =	shalt  }
0x45: {  	_ =	shalt  }
0x46: {  	_ =	shalt  }
0x47: {  	_ =	shalt  }
0x48: {  	_ =	shalt  }
0x49: {  	_ =	shalt  }
0x4a: {  	_ =	shalt  }
0x4b: {  	_ =	shalt  }
0x4c: {  	_ =	shalt  }
0x4d: {  	_ =	shalt  }
0x4e: {  	_ =	shalt  }
0x4f: {  	_ =	shalt  }
0x50: {  	_ =	shalt  }
0x51: {  	_ =	shalt  }
0x52: {  	_ =	shalt  }
0x53: {  	_ =	shalt  }
0x54: {  	_ =	shalt  }
0x55: {  	_ =	shalt  }
0x56: {  	_ =	shalt  }
0x57: {  	_ =	shalt  }
0x58: {  	_ =	shalt  }
0x59: {  	_ =	shalt  }
0x5a: {  	_ =	shalt  }
0x5b: {  	_ =	shalt  }
0x5c: {  	_ =	shalt  }
0x5d: {  	_ =	shalt  }
0x5e: {  	_ =	shalt  }
0x5f: {  	_ =	shalt  }
0x60: {  	_ =	shalt  }
0x61: {  	_ =	shalt  }
0x62: {  	_ =	shalt  }
0x63: {  	_ =	shalt  }
0x64: {  	_ =	shalt  }
0x65: {  	_ =	shalt  }
0x66: {  	_ =	shalt  }
0x67: {  	_ =	shalt  }
0x68: {  	_ =	shalt  }
0x69: {  	_ =	shalt  }
0x6a: {  	_ =	shalt  }
0x6b: {  	_ =	shalt  }
0x6c: {  	_ =	shalt  }
0x6d: {  	_ =	shalt  }
0x6e: {  	_ =	shalt  }
0x6f: {  	_ =	shalt  }
0x70: {  	_ =	shalt  }
0x71: {  	_ =	shalt  }
0x72: {  	_ =	shalt  }
0x73: {  	_ =	shalt  }
0x74: {  	_ =	shalt  }
0x75: {  	_ =	shalt  }
0x76: {  	_ =	shalt  }
0x77: {  	_ =	shalt  }
0x78: {  	_ =	shalt  }
0x79: {  	_ =	shalt  }
0x7a: {  	_ =	shalt  }
0x7b: {  	_ =	shalt  }
0x7c: {  	_ =	shalt  }
0x7d: {  	_ =	shalt  }
0x7e: {  	_ =	shalt  }
0x7f: {  	_ =	shalt  }
0x80: {  	_ =	shalt  }
0x81: {  	_ =	shalt  }
0x82: {  	_ =	shalt  }
0x83: {  	_ =	shalt  }
0x84: {  	_ =	shalt  }
0x85: {  	_ =	shalt  }
0x86: {  	_ =	shalt  }
0x87: {  	_ =	shalt  }
.Lfunc_end0:
.L_simem_size_0:
called_computation_lowered:
.L_overlay_start_0:
0x88: {  	s2 =	sld [smem:$0x3FD9]  }
0x89: {  	s3 =	sld [smem:$0x3FFE];
	_ =	sdelay $0x1  }
0x8a: {  	s1 =	srdreg.scid  }
0x8b: {  	s0 =	sand.u32 $0x1, s1  }
0x8c: {  	s18 =	sshll.u32 s0, $0xA;
	s2 =	sadd.s32 s3, s2  }
0x8d: {  	s2 =	sadd.s32 s2, s18  }
0x8e: {  	[smem:$0x3FBA] =	sst s2  }
0x8f: {  	_ = 	snop  }
0x90: {  	s2 =	sld [smem:$0x3FC9]  }
0x91: {  	s19 =	sld [smem:$0x3FC8]  }
0x92: {  	s4 =	sld [smem:$0x3FD0];
	(tm) =	ssettm $0x1  }
0x93: {  	s5 =	sld [smem:$0x3FFB];
	_ =	sdelay $0x3  }
0x94: {  	_ =	strace s5  }
0x95: {  	s5 =	sld [smem:$0x3FFC];
	_ =	sdelay $0x3  }
0x96: {  	_ =	strace s5  }
0x97: {  	s5 =	sld [smem:$0x3FFD];
	_ =	sdelay $0x3  }
0x98: {  	_ =	strace s5  }
0x99: {  	_ =	strace $0x8FFFFFFF  }
0x9a: {  	s20 =	sld [smem:$0x3FDB];
	_ =	sdelay $0x1  }
0x9b: {  	s6 =	simm.s32 $_scs_section_size  }
0x9c: {  	s7 =	simm.s32 $_size__tile_overlayer_lowered;
	s8 =	simm.s32 $_tile_overlayer_lowered  }
0x9d: {  	s23 =	simm.s32 $0x1BFF;
	s22 =	sshll.u32 s8, $0x1;
	s5 =	sadd.s32 s6, s20  }
0x9e: {  	s9 =	simm.s32 $0x0;
	s21 =	sshll.u32 s7, $0x1;
	s7 =	sadd.s32 s22, s5  }
0x9f: {  	[timem:s9], [sflag:s23] =	dma.local [hbm:s7], s21  }
0xa0: {  	_ =	swait.ge [sflag:s23], s21  }
0xa1: {  	s6 =	ssub.s32 $0x0, s21;
	[sflag:s23] =	ssyncset.done $0x0  }
0xa2: {  	[sflag:s23] =	ssyncadd.s32 s6;
	_ =	sdelay $0x1  }
0xa3: {  	s24 =	simm.s32 $0x1B8B  }
0xa4: {  	_ =	swait.ge [sflag:s24], $0x1  }
0xa5: {  	[sflag:s24] =	ssyncset.done $0x0  }
0xa6: {  	s25 =	simm.s32 $0x1B8E;
	[sflag:s24] =	ssyncadd.s32 $0xFFFFFFFF  }
0xa7: {  	s26 =	simm.s32 $execute0_lowered;
	[smem:$0x3FD2] =	sst s25  }
0xa8: {  	s6 =	sshll.u32 s26, $0x1;
	_ =	strace $0x80000046;
	[dreg:$0x1] =	wrdreg $0xFFFFFFFF  }
0xa9: {  	s28 =	simm.s32 $_size_execute0_lowered;
	s5 =	sadd.s32 s5, s6;
	[dreg:$0x0] =	wrdreg $0x0  }
0xaa: {  	s6 =	sshll.u32 s28, $0x1;
	[dreg:$0x2] =	wrdreg s5  }
0xab: {  	[dreg:$0x3] =	wrdreg s6  }
0xac: {  	[dreg:$0x4] =	wrdreg $0xC0  }
0xad: {  	_ =	task [dreg:s9], $0x5FFFF  }
0xae: {  	[dreg:$0x1] =	wrdreg $0xFFFFFFFF  }
0xaf: {  	[dreg:$0x0] =	wrdreg $0x60  }
0xb0: {  	[dreg:$0x2] =	wrdreg s19  }
0xb1: {  	[dreg:$0x3] =	wrdreg s2  }
0xb2: {  	[dreg:$0x4] =	wrdreg s4  }
0xb3: {  	[dreg:$0x5] =	wrdreg $0x9  }
0xb4: {  	_ =	task.clear_ibuf [dreg:s9], $0x6FFFF;
	_ =	strace $0x90000046  }
0xb5: {  	s29 =	simm.s32 $0x9;
	_ =	strace $0x80000048  }
0xb6: {  	_ =	swait.ge [sflag:s29], $0x1  }
0xb7: {  	[sflag:s29] =	ssyncadd.s32 $0xFFFFFFFF  }
0xb8: {  	_ =	strace $0x90000048  }
0xb9: {  	_ =	sfence  }
0xba: {  	s30 =	sld [smem:$0x0];
	_ =	sdelay $0x2  }
0xbb: {  	s31 =	sshll.u32 s1, $0xD;
	s1 =	sshrl.u32 s1, $0x2  }
0xbc: {  	s3 =	sand.u32 $0x4000, s31;
	s1 =	sadd.s32 s1, s30  }
0xbd: {  	s0 =	sor.u32 s3, s0;
	s1 =	sshll.u32 s1, $0x11  }
0xbe: {  	s0 =	sor.u32 s1, s0  }
0xbf: {  	s0 =	sadd.s32 $0x8F2B, s0  }
0xc0: {  	[sflag:s0] =	ssyncadd.remote.s32 $0x1  }
0xc1: {  	_ =	sfence.sel $0xFFFF  }
0xc2: {  	[dreg:$0x0] =	wrdreg $0xFFFFFFFF;
	(pc) =	sbr.abs _section_cstart, $3  }
0xc3: {  	[dreg:$0x1] =	wrdreg $0xFFFFFFFF  }
0xc4: {  	_ =	task.clear_ibuf [dreg:s9], $0x2FFFF;
	_ =	strace $0x9FFFFFFF  }
0xc5: {  	(tm) =	ssettm $0x7FFFFFFF  }
tec
execute0_lowered:
.L_overlay_start_1:
0x0: {  	(tag) =	ssettag $0x1  }
0x1: {  	s1 =	rddreg [dreg:$0x0]  }
0x2: {  	s0 =	rddreg [dreg:$0x1]  }
0x3: {  	s2 =	rddreg [dreg:$0x2]  }
0x4: {  	s4 =	srdreg.scid;
	s3 =	simm.s32 $0x0;
	s6 =	stileid.u32  }
0x5: {  	s20 =	simm.s32 $0x3;
	s8 =	simm.s32 $0x200;
	s12 =	simm.s32 $0x1  }
0x6: {  	s13 =	simm.s32 $0x8200;
	s9 =	simm.s32 $0xE200;
	s10 =	simm.s32 $0xE600  }
0x7: {  	s11 =	simm.s32 $0xEA00;
	s14 =	simm.s32 $0xEE00;
	s15 =	simm.s32 $0xF200  }
0x8: {  	s16 =	simm.s32 $0xF600;
	s17 =	simm.s32 $0xFA00;
	s18 =	simm.s32 $0xFE00  }
0x9: {  	s19 =	simm.s32 $0x2;
	s21 =	simm.s32 $0x0;
	s4 =	sand.u32 $0x1, s4  }
0xa: {  	s6 =	sshll.u32 s6, $0xA;
	[smem:$0x7FF] =	sst s3;
	s5 =	ssub.s32 $0x2, s4  }
0xb: {  	v0 =	vlaneseq.u32;
	s4 =	sshll.u32 s4, $0x9;
	_ =	strace $0x80000047;
	s7 =	sshrl.u32 s5, $0x1  }
.Ltmp0:
0xc: {  	v0 =	vmul.u32 $0x400, v0;
	s4 =	sor.u32 s4, s6;
	s5 =	ssub.s32 s5, s7;
	(pc) =	sbr.rel .LBB2_1-.Ltmp0, $4  }
0xd: {  	s6 =	sshrl.u32 s4, $0x3;
	s30 =	sadd.s32 s2, s4;
	s2 =	simm.s32 $0xCE00  }
0xe: {  	v1 =	vor.u32 $0x80, v0;
	v2 =	vor.u32 $0x100, v0;
	v3 =	vor.u32 $0x180, v0;
	s4 =	simm.s32 $0xD200;
	s0 =	sadd.s32 s0, s6;
	[dreg:$0x5] =	wrdreg s30  }
0xf: {  	v4 =	vor.u32 $0x200, v0;
	v5 =	vor.u32 $0x4000, v0;
	v6 =	vor.u32 $0x4080, v0;
	s7 =	simm.s32 $0xDE00;
	s31 =	smax.u32 s5, $0x1;
	[dreg:$0x4] =	wrdreg s0  }
0x10: {  	v7 =	vor.u32 $0x4100, v0;
	v8 =	vor.u32 $0x4180, v0;
	v9 =	vor.u32 $0x4200, v0;
	s5 =	simm.s32 $0xD600;
	s6 =	simm.s32 $0xDA00;
	[dreg:$0x6] =	wrdreg s31  }
.LBB2_5:
0x11: {  	s0 =	rddreg [dreg:$0x5];
	s20 =	simm.s32 $0x10200  }
0x12: {  	[hbm4b:s0+s3] =	stream.linear.scatter [tilespmem:s20], [sflag:$0x3], $0x1000, $0x38;
	[tilespmem:$0x11200] =	vst v63  }
0x13: {  	s20 =	simm.s32 $0x3  }
0x14: {  	_ =	swait.ge [sflag:s20], $0x1000  }
0x15: {  	s21 =	rddreg [dreg:$0x7]  }
0x16: {  	s31 =	rddreg [dreg:$0x6];
	s21 =	sadd.s32 $0x1, s21  }
0x17: {  	p0 =	sne.s32 s21, s31  }
.Ltmp1:
0x18: {  	_ = 	snop;
	(pc) =	sbr.rel @!p0 .LBB2_6-.Ltmp1, $3  }
0x19: {  	_ =	sdelay $0x1  }
0x1a: {  	[sflag:s20] =	ssyncset.done $0x0  }
0x1b: {  	[sflag:s20] =	ssyncadd.s32 $0xFFFFF000  }
.LBB2_1:
0x1c: {  	[dreg:$0x7] =	wrdreg s21  }
0x1d: {  	s0 =	rddreg [dreg:$0x4]  }
0x1e: {  	[tilespmem:s3], [sflag:$0x3] =	stream.linear.gather [hbm4b:s0+s3], $0x200, $0x38;
	[tilespmem:$0x11200] =	vst v63  }
0x1f: {  	_ =	swait.ge [sflag:s20], $0x200  }
0x20: {  	[sflag:s20] =	ssyncset.done $0x0  }
0x21: {  	[sflag:s20] =	ssyncadd.s32 $0xFFFFFE00  }
0x22: {  	v10 =	vld [tilespmem:$0x0];
	_ =	sdelay $0x4  }
0x23: {  	v10 =	vtrunc.f32 v10  }
0x24: {  	v10 =	vcvt.f32.s32 v10;
	_ =	sdelay $0x1  }
0x25: {  	v10 =	vand.u32 $0xFFFFFF80, v10  }
0x26: {  	v10 =	vadd.s32 s1, v10  }
0x27: {  	(v2sf) =	vpush v10, $0x0;
	_ =	sdelay $0x1  }
0x28: {  	(v2sf) =	vpush v10, $0x1;
	_ =	sdelay $0x1  }
0x29: {  	(v2sf) =	vpush v10, $0x2;
	_ =	sdelay $0x1  }
0x2a: {  	(v2sf) =	vpush v10, $0x3;
	_ =	sdelay $0x1  }
0x2b: {  	(v2sf) =	vpush v10, $0x4;
	_ =	sdelay $0x1  }
0x2c: {  	(v2sf) =	vpush v10, $0x5;
	_ =	sdelay $0x1  }
0x2d: {  	(v2sf) =	vpush v10, $0x6;
	_ =	sdelay $0x1  }
0x2e: {  	(v2sf) =	vpush v10, $0x7  }
0x2f: {  	s29 =	spop (v2sf)  }
0x30: {  	(v2sf) =	vpush v10, $0x8;
	[tilespmem:s8], [sflag:$0x1] =	stream.linear.gather [hbm4b:s29+s3], $0x400, $0x38;
	[tilespmem:$0x11200] =	vst v63  }
0x31: {  	s31 =	simm.s32 $0x600;
	s30 =	spop (v2sf)  }
0x32: {  	(v2sf) =	vpush v10, $0x9;
	[tilespmem:s31], [sflag:$0x1] =	stream.linear.gather [hbm4b:s30+s3], $0x400, $0x38;
	[tilespmem:$0x11200] =	vst v63  }
0x33: {  	s22 =	simm.s32 $0xA00;
	s21 =	spop (v2sf)  }
0x34: {  	(v2sf) =	vpush v10, $0xA;
	[tilespmem:s22], [sflag:$0x1] =	stream.linear.gather [hbm4b:s21+s3], $0x400, $0x38;
	[tilespmem:$0x11200] =	vst v63  }
0x35: {  	s24 =	simm.s32 $0xE00;
	s23 =	spop (v2sf)  }
0x36: {  	(v2sf) =	vpush v10, $0xB;
	[tilespmem:s24], [sflag:$0x1] =	stream.linear.gather [hbm4b:s23+s3], $0x400, $0x38;
	[tilespmem:$0x11200] =	vst v63  }
0x37: {  	s26 =	simm.s32 $0x1200;
	s25 =	spop (v2sf)  }
0x38: {  	(v2sf) =	vpush v10, $0xC;
	[tilespmem:s26], [sflag:$0x1] =	stream.linear.gather [hbm4b:s25+s3], $0x400, $0x38;
	[tilespmem:$0x11200] =	vst v63  }
0x39: {  	s29 =	simm.s32 $0x1600;
	s28 =	spop (v2sf)  }
0x3a: {  	(v2sf) =	vpush v10, $0xD;
	[tilespmem:s29], [sflag:$0x1] =	stream.linear.gather [hbm4b:s28+s3], $0x400, $0x38;
	[tilespmem:$0x11200] =	vst v63  }
0x3b: {  	s31 =	simm.s32 $0x1A00;
	s30 =	spop (v2sf)  }
0x3c: {  	(v2sf) =	vpush v10, $0xE;
	[tilespmem:s31], [sflag:$0x1] =	stream.linear.gather [hbm4b:s30+s3], $0x400, $0x38;
	[tilespmem:$0x11200] =	vst v63  }
0x3d: {  	s22 =	simm.s32 $0x1E00;
	s21 =	spop (v2sf)  }
0x3e: {  	(v2sf) =	vpush v10, $0xF;
	[tilespmem:s22], [sflag:$0x1] =	stream.linear.gather [hbm4b:s21+s3], $0x400, $0x38;
	[tilespmem:$0x11200] =	vst v63  }
0x3f: {  	s24 =	simm.s32 $0x2200;
	s23 =	spop (v2sf)  }
0x40: {  	[tilespmem:s24], [sflag:$0x1] =	stream.linear.gather [hbm4b:s23+s3], $0x400, $0x38;
	[tilespmem:$0x11200] =	vst v63  }
0x41: {  	s26 =	simm.s32 $0x2600;
	s25 =	spop (v2sf)  }
0x42: {  	[tilespmem:s26], [sflag:$0x1] =	stream.linear.gather [hbm4b:s25+s3], $0x400, $0x38;
	[tilespmem:$0x11200] =	vst v63  }
0x43: {  	s29 =	simm.s32 $0x2A00;
	s28 =	spop (v2sf)  }
0x44: {  	[tilespmem:s29], [sflag:$0x1] =	stream.linear.gather [hbm4b:s28+s3], $0x400, $0x38;
	[tilespmem:$0x11200] =	vst v63  }
0x45: {  	s31 =	simm.s32 $0x2E00;
	s30 =	spop (v2sf)  }
0x46: {  	[tilespmem:s31], [sflag:$0x1] =	stream.linear.gather [hbm4b:s30+s3], $0x400, $0x38;
	[tilespmem:$0x11200] =	vst v63  }
0x47: {  	s22 =	simm.s32 $0x3200;
	s21 =	spop (v2sf)  }
0x48: {  	[tilespmem:s22], [sflag:$0x1] =	stream.linear.gather [hbm4b:s21+s3], $0x400, $0x38;
	[tilespmem:$0x11200] =	vst v63  }
0x49: {  	s24 =	simm.s32 $0x3600;
	s23 =	spop (v2sf)  }
0x4a: {  	[tilespmem:s24], [sflag:$0x1] =	stream.linear.gather [hbm4b:s23+s3], $0x400, $0x38;
	[tilespmem:$0x11200] =	vst v63  }
0x4b: {  	s26 =	simm.s32 $0x3A00;
	s25 =	spop (v2sf)  }
0x4c: {  	[tilespmem:s26], [sflag:$0x1] =	stream.linear.gather [hbm4b:s25+s3], $0x400, $0x38;
	[tilespmem:$0x11200] =	vst v63  }
0x4d: {  	s29 =	simm.s32 $0x3E00;
	s28 =	spop (v2sf)  }
0x4e: {  	[tilespmem:s29], [sflag:$0x1] =	stream.linear.gather [hbm4b:s28+s3], $0x400, $0x38;
	[tilespmem:$0x11200] =	vst v63  }
0x4f: {  	v10 =	vld [tilespmem:$0x10];
	_ =	sdelay $0x4  }
0x50: {  	v10 =	vtrunc.f32 v10  }
0x51: {  	v10 =	vcvt.f32.s32 v10;
	_ =	sdelay $0x1  }
0x52: {  	v10 =	vand.u32 $0xFFFFFF80, v10  }
0x53: {  	v10 =	vadd.s32 s1, v10  }
0x54: {  	(v2sf) =	vpush v10, $0x0;
	_ =	sdelay $0x1  }
0x55: {  	(v2sf) =	vpush v10, $0x1;
	_ =	sdelay $0x1  }
0x56: {  	(v2sf) =	vpush v10, $0x2;
	_ =	sdelay $0x1  }
0x57: {  	(v2sf) =	vpush v10, $0x3;
	_ =	sdelay $0x1  }
0x58: {  	(v2sf) =	vpush v10, $0x4;
	_ =	sdelay $0x1  }
0x59: {  	(v2sf) =	vpush v10, $0x5;
	_ =	sdelay $0x1  }
0x5a: {  	(v2sf) =	vpush v10, $0x6;
	_ =	sdelay $0x1  }
0x5b: {  	(v2sf) =	vpush v10, $0x7  }
0x5c: {  	s31 =	simm.s32 $0x4200;
	s30 =	spop (v2sf)  }
0x5d: {  	(v2sf) =	vpush v10, $0x8;
	[tilespmem:s31], [sflag:$0x1] =	stream.linear.gather [hbm4b:s30+s3], $0x400, $0x38;
	[tilespmem:$0x11200] =	vst v63  }
0x5e: {  	s22 =	simm.s32 $0x4600;
	s21 =	spop (v2sf)  }
0x5f: {  	(v2sf) =	vpush v10, $0x9;
	[tilespmem:s22], [sflag:$0x1] =	stream.linear.gather [hbm4b:s21+s3], $0x400, $0x38;
	[tilespmem:$0x11200] =	vst v63  }
0x60: {  	s24 =	simm.s32 $0x4A00;
	s23 =	spop (v2sf)  }
0x61: {  	(v2sf) =	vpush v10, $0xA;
	[tilespmem:s24], [sflag:$0x1] =	stream.linear.gather [hbm4b:s23+s3], $0x400, $0x38;
	[tilespmem:$0x11200] =	vst v63  }
0x62: {  	s26 =	simm.s32 $0x4E00;
	s25 =	spop (v2sf)  }
0x63: {  	(v2sf) =	vpush v10, $0xB;
	[tilespmem:s26], [sflag:$0x1] =	stream.linear.gather [hbm4b:s25+s3], $0x400, $0x38;
	[tilespmem:$0x11200] =	vst v63  }
0x64: {  	s29 =	simm.s32 $0x5200;
	s28 =	spop (v2sf)  }
0x65: {  	(v2sf) =	vpush v10, $0xC;
	[tilespmem:s29], [sflag:$0x1] =	stream.linear.gather [hbm4b:s28+s3], $0x400, $0x38;
	[tilespmem:$0x11200] =	vst v63  }
0x66: {  	s31 =	simm.s32 $0x5600;
	s30 =	spop (v2sf)  }
0x67: {  	(v2sf) =	vpush v10, $0xD;
	[tilespmem:s31], [sflag:$0x1] =	stream.linear.gather [hbm4b:s30+s3], $0x400, $0x38;
	[tilespmem:$0x11200] =	vst v63  }
0x68: {  	s22 =	simm.s32 $0x5A00;
	s21 =	spop (v2sf)  }
0x69: {  	(v2sf) =	vpush v10, $0xE;
	[tilespmem:s22], [sflag:$0x1] =	stream.linear.gather [hbm4b:s21+s3], $0x400, $0x38;
	[tilespmem:$0x11200] =	vst v63  }
0x6a: {  	s24 =	simm.s32 $0x5E00;
	s23 =	spop (v2sf);
	(v2sf) =	vpush v10, $0xF  }
0x6b: {  	[tilespmem:s24], [sflag:$0x1] =	stream.linear.gather [hbm4b:s23+s3], $0x400, $0x38;
	[tilespmem:$0x11200] =	vst v63  }
0x6c: {  	s26 =	simm.s32 $0x6200;
	s25 =	spop (v2sf)  }
0x6d: {  	[tilespmem:s26], [sflag:$0x1] =	stream.linear.gather [hbm4b:s25+s3], $0x400, $0x38;
	[tilespmem:$0x11200] =	vst v63  }
0x6e: {  	s29 =	simm.s32 $0x6600;
	s28 =	spop (v2sf)  }
0x6f: {  	[tilespmem:s29], [sflag:$0x1] =	stream.linear.gather [hbm4b:s28+s3], $0x400, $0x38;
	[tilespmem:$0x11200] =	vst v63  }
0x70: {  	s31 =	simm.s32 $0x6A00;
	s30 =	spop (v2sf)  }
0x71: {  	[tilespmem:s31], [sflag:$0x1] =	stream.linear.gather [hbm4b:s30+s3], $0x400, $0x38;
	[tilespmem:$0x11200] =	vst v63  }
0x72: {  	s22 =	simm.s32 $0x6E00;
	s21 =	spop (v2sf)  }
0x73: {  	[tilespmem:s22], [sflag:$0x1] =	stream.linear.gather [hbm4b:s21+s3], $0x400, $0x38;
	[tilespmem:$0x11200] =	vst v63  }
0x74: {  	s24 =	simm.s32 $0x7200;
	s23 =	spop (v2sf)  }
0x75: {  	[tilespmem:s24], [sflag:$0x1] =	stream.linear.gather [hbm4b:s23+s3], $0x400, $0x38;
	[tilespmem:$0x11200] =	vst v63  }
0x76: {  	p0 =	por $0x0, $0x0;
	s26 =	simm.s32 $0x7600;
	s25 =	spop (v2sf)  }
0x77: {  	[tilespmem:s26], [sflag:$0x1] =	stream.linear.gather [hbm4b:s25+s3], $0x400, $0x38;
	[tilespmem:$0x11200] =	vst v63  }
.Ltmp2:
0x78: {  	s20 =	simm.s32 $0x40;
	s28 =	spop (v2sf);
	(pc) =	sbr.rel .LBB2_2-.Ltmp2, $4  }
0x79: {  	s29 =	simm.s32 $0x7A00;
	s31 =	simm.s32 $0x7E00;
	s30 =	spop (v2sf)  }
0x7a: {  	[tilespmem:s29], [sflag:$0x1] =	stream.linear.gather [hbm4b:s28+s3], $0x400, $0x38;
	[tilespmem:$0x11200] =	vst v63  }
0x7b: {  	s21 =	simm.s32 $0x0;
	s22 =	simm.s32 $0x0;
	s23 =	simm.s32 $0x0  }
0x7c: {  	[tilespmem:s31], [sflag:$0x1] =	stream.linear.gather [hbm4b:s30+s3], $0x400, $0x38;
	[tilespmem:$0x11200] =	vst v63  }
.LBB2_4:
0x7d: {  	_ =	swait.ge [sflag:s19], $0x400  }
0x7e: {  	[sflag:s19] =	ssyncset.done $0x0  }
0x7f: {  	[sflag:s19] =	ssyncadd.s32 $0xFFFFFC00  }
0x80: {  	_ =	swait.ge [sflag:s19], $0x400  }
0x81: {  	[sflag:s19] =	ssyncset.done $0x0  }
0x82: {  	[sflag:s19] =	ssyncadd.s32 $0xFFFFFC00  }
0x83: {  	_ =	swait.ge [sflag:s19], $0x400  }
0x84: {  	[sflag:s19] =	ssyncset.done $0x0  }
0x85: {  	[sflag:s19] =	ssyncadd.s32 $0xFFFFFC00  }
0x86: {  	_ =	swait.ge [sflag:s19], $0x400  }
0x87: {  	[sflag:s19] =	ssyncset.done $0x0  }
0x88: {  	[sflag:s19] =	ssyncadd.s32 $0xFFFFFC00  }
0x89: {  	_ =	swait.ge [sflag:s19], $0x400  }
0x8a: {  	[sflag:s19] =	ssyncset.done $0x0  }
0x8b: {  	[sflag:s19] =	ssyncadd.s32 $0xFFFFFC00  }
0x8c: {  	_ =	swait.ge [sflag:s19], $0x400  }
0x8d: {  	[sflag:s19] =	ssyncset.done $0x0  }
0x8e: {  	[sflag:s19] =	ssyncadd.s32 $0xFFFFFC00  }
0x8f: {  	_ =	swait.ge [sflag:s19], $0x400  }
0x90: {  	[sflag:s19] =	ssyncset.done $0x0  }
0x91: {  	[sflag:s19] =	ssyncadd.s32 $0xFFFFFC00  }
0x92: {  	_ =	swait.ge [sflag:s19], $0x400  }
0x93: {  	[sflag:s19] =	ssyncset.done $0x0  }
0x94: {  	[sflag:s19] =	ssyncadd.s32 $0xFFFFFC00  }
0x95: {  	_ =	swait.ge [sflag:s19], $0x400  }
0x96: {  	[sflag:s19] =	ssyncset.done $0x0  }
0x97: {  	[sflag:s19] =	ssyncadd.s32 $0xFFFFFC00  }
0x98: {  	_ =	swait.ge [sflag:s19], $0x400  }
0x99: {  	[sflag:s19] =	ssyncset.done $0x0  }
0x9a: {  	[sflag:s19] =	ssyncadd.s32 $0xFFFFFC00  }
0x9b: {  	_ =	swait.ge [sflag:s19], $0x400  }
0x9c: {  	[sflag:s19] =	ssyncset.done $0x0  }
0x9d: {  	[sflag:s19] =	ssyncadd.s32 $0xFFFFFC00  }
0x9e: {  	_ =	swait.ge [sflag:s19], $0x400  }
0x9f: {  	[sflag:s19] =	ssyncset.done $0x0  }
0xa0: {  	[sflag:s19] =	ssyncadd.s32 $0xFFFFFC00  }
0xa1: {  	_ =	swait.ge [sflag:s19], $0x400  }
0xa2: {  	[sflag:s19] =	ssyncset.done $0x0  }
0xa3: {  	[sflag:s19] =	ssyncadd.s32 $0xFFFFFC00  }
0xa4: {  	_ =	swait.ge [sflag:s19], $0x400  }
0xa5: {  	[sflag:s19] =	ssyncset.done $0x0  }
0xa6: {  	[sflag:s19] =	ssyncadd.s32 $0xFFFFFC00  }
0xa7: {  	_ =	swait.ge [sflag:s19], $0x400  }
0xa8: {  	[sflag:s19] =	ssyncset.done $0x0  }
0xa9: {  	[sflag:s19] =	ssyncadd.s32 $0xFFFFFC00  }
0xaa: {  	_ =	swait.ge [sflag:s19], $0x400  }
0xab: {  	[sflag:s19] =	ssyncset.done $0x0  }
0xac: {  	[sflag:s19] =	ssyncadd.s32 $0xFFFFFC00  }
0xad: {  	_ =	swait.ge [sflag:s19], $0x400  }
0xae: {  	[sflag:s19] =	ssyncset.done $0x0  }
0xaf: {  	[sflag:s19] =	ssyncadd.s32 $0xFFFFFC00  }
0xb0: {  	_ =	swait.ge [sflag:s19], $0x400  }
0xb1: {  	[sflag:s19] =	ssyncset.done $0x0  }
0xb2: {  	[sflag:s19] =	ssyncadd.s32 $0xFFFFFC00  }
0xb3: {  	_ =	swait.ge [sflag:s19], $0x400  }
0xb4: {  	[sflag:s19] =	ssyncset.done $0x0  }
0xb5: {  	[sflag:s19] =	ssyncadd.s32 $0xFFFFFC00  }
0xb6: {  	_ =	swait.ge [sflag:s19], $0x400  }
0xb7: {  	[sflag:s19] =	ssyncset.done $0x0  }
0xb8: {  	[sflag:s19] =	ssyncadd.s32 $0xFFFFFC00  }
0xb9: {  	_ =	swait.ge [sflag:s19], $0x400  }
0xba: {  	[sflag:s19] =	ssyncset.done $0x0  }
0xbb: {  	[sflag:s19] =	ssyncadd.s32 $0xFFFFFC00  }
0xbc: {  	_ =	swait.ge [sflag:s19], $0x400  }
0xbd: {  	[sflag:s19] =	ssyncset.done $0x0  }
0xbe: {  	[sflag:s19] =	ssyncadd.s32 $0xFFFFFC00  }
0xbf: {  	_ =	swait.ge [sflag:s19], $0x400  }
0xc0: {  	[sflag:s19] =	ssyncset.done $0x0  }
0xc1: {  	[sflag:s19] =	ssyncadd.s32 $0xFFFFFC00  }
0xc2: {  	_ =	swait.ge [sflag:s19], $0x400  }
0xc3: {  	[sflag:s19] =	ssyncset.done $0x0  }
0xc4: {  	[sflag:s19] =	ssyncadd.s32 $0xFFFFFC00  }
0xc5: {  	_ =	swait.ge [sflag:s19], $0x400  }
0xc6: {  	[sflag:s19] =	ssyncset.done $0x0  }
0xc7: {  	[sflag:s19] =	ssyncadd.s32 $0xFFFFFC00  }
0xc8: {  	_ =	swait.ge [sflag:s19], $0x400  }
0xc9: {  	[sflag:s19] =	ssyncset.done $0x0  }
0xca: {  	[sflag:s19] =	ssyncadd.s32 $0xFFFFFC00  }
0xcb: {  	_ =	swait.ge [sflag:s19], $0x400  }
0xcc: {  	[sflag:s19] =	ssyncset.done $0x0  }
0xcd: {  	[sflag:s19] =	ssyncadd.s32 $0xFFFFFC00  }
0xce: {  	_ =	swait.ge [sflag:s19], $0x400  }
0xcf: {  	[sflag:s19] =	ssyncset.done $0x0  }
0xd0: {  	[sflag:s19] =	ssyncadd.s32 $0xFFFFFC00  }
0xd1: {  	_ =	swait.ge [sflag:s19], $0x400  }
0xd2: {  	[sflag:s19] =	ssyncset.done $0x0  }
0xd3: {  	[sflag:s19] =	ssyncadd.s32 $0xFFFFFC00  }
0xd4: {  	_ =	swait.ge [sflag:s19], $0x400  }
0xd5: {  	[sflag:s19] =	ssyncset.done $0x0  }
0xd6: {  	[sflag:s19] =	ssyncadd.s32 $0xFFFFFC00  }
0xd7: {  	_ =	swait.ge [sflag:s19], $0x400  }
0xd8: {  	[sflag:s19] =	ssyncset.done $0x0  }
0xd9: {  	[sflag:s19] =	ssyncadd.s32 $0xFFFFFC00  }
0xda: {  	_ =	swait.ge [sflag:s19], $0x400  }
0xdb: {  	[sflag:s19] =	ssyncset.done $0x0  }
0xdc: {  	[sflag:s19] =	ssyncadd.s32 $0xFFFFFC00  }
0xdd: {  	v10 =	vld [tilespmem:s20+$0xFFFFFFE0];
	_ =	sdelay $0x4  }
0xde: {  	v10 =	vtrunc.f32 v10  }
0xdf: {  	v10 =	vcvt.f32.s32 v10;
	_ =	sdelay $0x1  }
0xe0: {  	v10 =	vand.u32 $0x7F, v10  }
0xe1: {  	v11 =	vor.u32 v0, v10;
	_ =	sdelay $0x4  }
0xe2: {  	v11 =	vld.idx.msk [tilespmem:v11+s13+$0x0], $0xffff  }
0xe3: {  	v12 =	vor.u32 v1, v10  }
0xe4: {  	s0 =	sadd.s32 $0x20, s21  }
0xe5: {  	s0 =	sand.u32 $0x60, s0  }
0xe6: {  	s0 =	sadd.s32 s0, s26  }
0xe7: {  	[tilespmem:s0+$0x0] =	vst v11  }
0xe8: {  	v11 =	vld.idx.msk [tilespmem:v12+s13+$0x0], $0xffff  }
0xe9: {  	v59 =	vor.u32 v2, v10;
	_ =	sdelay $0x3  }
0xea: {  	[tilespmem:s0+$0x80] =	vst v11  }
0xeb: {  	v11 =	vld.idx.msk [tilespmem:v59+s13+$0x0], $0xffff  }
0xec: {  	v60 =	vor.u32 v3, v10;
	_ =	sdelay $0x3  }
0xed: {  	[tilespmem:s0+$0x100] =	vst v11  }
0xee: {  	v11 =	vld.idx.msk [tilespmem:v60+s13+$0x0], $0xffff  }
0xef: {  	v10 =	vor.u32 v4, v10;
	_ =	sdelay $0x3  }
0xf0: {  	[tilespmem:s0+$0x180] =	vst v11  }
0xf1: {  	s29 =	sand.u32 $0x3, s22;
	v10 =	vld.idx.msk [tilespmem:v10+s13+$0x0], $0xffff  }
0xf2: {  	s0 =	sshll.u32 s29, $0x5  }
0xf3: {  	s0 =	sadd.s32 $0x20, s0  }
0xf4: {  	s0 =	sadd.s32 s0, s23  }
0xf5: {  	s0 =	sor.u32 $0x200, s0  }
0xf6: {  	[tilespmem:s0+$0x10200] =	vst v10  }
0xf7: {  	v10 =	vld [tilespmem:s25+$0x0];
	_ =	sdelay $0x4  }
0xf8: {  	v10 =	vtrunc.f32 v10  }
0xf9: {  	v10 =	vcvt.f32.s32 v10;
	_ =	sdelay $0x1  }
0xfa: {  	v10 =	vand.u32 $0x7F, v10  }
0xfb: {  	v11 =	vor.u32 v5, v10;
	_ =	sdelay $0x4  }
0xfc: {  	v11 =	vld.idx.msk [tilespmem:v11+s13+$0x0], $0xffff  }
0xfd: {  	v61 =	vor.u32 v6, v10;
	_ =	sdelay $0x2  }
0xfe: {  	s30 =	sadd.s32 s24, s26  }
0xff: {  	[tilespmem:s30+$0x0] =	vst v11  }
0x100: {  	v11 =	vld.idx.msk [tilespmem:v61+s13+$0x0], $0xffff  }
0x101: {  	v62 =	vor.u32 v7, v10;
	_ =	sdelay $0x3  }
0x102: {  	[tilespmem:s30+$0x80] =	vst v11  }
0x103: {  	v11 =	vld.idx.msk [tilespmem:v62+s13+$0x0], $0xffff  }
0x104: {  	v63 =	vor.u32 v8, v10;
	_ =	sdelay $0x3  }
0x105: {  	[tilespmem:s30+$0x100] =	vst v11  }
0x106: {  	v11 =	vld.idx.msk [tilespmem:v63+s13+$0x0], $0xffff  }
0x107: {  	v10 =	vor.u32 v9, v10;
	_ =	sdelay $0x2  }
0x108: {  	s31 =	sor.u32 $0x30, s28  }
0x109: {  	s0 =	sadd.s32 s31, s23;
	s23 =	sadd.s32 $0x200, s23;
	[tilespmem:s30+$0x180] =	vst v11  }
0x10a: {  	p1 =	sne.s32 s23, $0x1000;
	v10 =	vld.idx.msk [tilespmem:v10+s13+$0x0], $0xffff  }
.Ltmp3:
0x10b: {  	_ = 	snop;
	(pc) =	sbr.rel @!p1 .LBB2_5-.Ltmp3, $3  }
0x10c: {  	_ =	sdelay $0x1  }
0x10d: {  	p0 =	por !p0, !p0;
	s0 =	sor.u32 $0x200, s0  }
0x10e: {  	s22 =	sadd.s32 $0x2, s22;
	s21 =	sadd.s32 $0x40, s21;
	s20 =	sadd.s32 $0x40, s20;
	[tilespmem:s0+$0x10200] =	vst v10  }
.LBB2_2:
0x10f: {  	v10 =	vld [tilespmem:s20+$0xFFFFFFE0];
	_ =	sdelay $0x4  }
0x110: {  	v10 =	vtrunc.f32 v10  }
0x111: {  	v10 =	vcvt.f32.s32 v10;
	_ =	sdelay $0x1  }
0x112: {  	v10 =	vand.u32 $0xFFFFFF80, v10  }
0x113: {  	v10 =	vadd.s32 s1, v10  }
0x114: {  	(v2sf) =	vpush v10, $0x0;
	_ =	sdelay $0x1  }
0x115: {  	(v2sf) =	vpush v10, $0x1;
	_ =	sdelay $0x1  }
0x116: {  	(v2sf) =	vpush v10, $0x2;
	_ =	sdelay $0x1  }
0x117: {  	(v2sf) =	vpush v10, $0x3;
	_ =	sdelay $0x1  }
0x118: {  	(v2sf) =	vpush v10, $0x4;
	_ =	sdelay $0x1  }
0x119: {  	(v2sf) =	vpush v10, $0x5;
	_ =	sdelay $0x1  }
0x11a: {  	(v2sf) =	vpush v10, $0x6;
	_ =	sdelay $0x1  }
0x11b: {  	(v2sf) =	vpush v10, $0x7  }
0x11c: {  	s24 =	spop (v2sf)  }
0x11d: {  	(v2sf) =	vpush v10, $0x8;
	[tilespmem:s13], [sflag:$0x2] =	stream.linear.gather [hbm4b:s24+s3], $0x400, $0x38;
	[tilespmem:$0x11200] =	vst v63  }
0x11e: {  	s0 =	simm.s32 $0x8600;
	s31 =	spop (v2sf)  }
0x11f: {  	(v2sf) =	vpush v10, $0x9;
	[tilespmem:s0], [sflag:$0x2] =	stream.linear.gather [hbm4b:s31+s3], $0x400, $0x38;
	[tilespmem:$0x11200] =	vst v63  }
0x120: {  	s25 =	simm.s32 $0x8A00;
	s0 =	spop (v2sf)  }
0x121: {  	(v2sf) =	vpush v10, $0xA;
	[tilespmem:s25], [sflag:$0x2] =	stream.linear.gather [hbm4b:s0+s3], $0x400, $0x38;
	[tilespmem:$0x11200] =	vst v63  }
0x122: {  	s29 =	simm.s32 $0x8E00;
	s26 =	spop (v2sf)  }
0x123: {  	(v2sf) =	vpush v10, $0xB;
	[tilespmem:s29], [sflag:$0x2] =	stream.linear.gather [hbm4b:s26+s3], $0x400, $0x38;
	[tilespmem:$0x11200] =	vst v63  }
0x124: {  	s31 =	simm.s32 $0x9200;
	s30 =	spop (v2sf)  }
0x125: {  	(v2sf) =	vpush v10, $0xC;
	[tilespmem:s31], [sflag:$0x2] =	stream.linear.gather [hbm4b:s30+s3], $0x400, $0x38;
	[tilespmem:$0x11200] =	vst v63  }
0x126: {  	s25 =	simm.s32 $0x9600;
	s0 =	spop (v2sf)  }
0x127: {  	(v2sf) =	vpush v10, $0xD;
	[tilespmem:s25], [sflag:$0x2] =	stream.linear.gather [hbm4b:s0+s3], $0x400, $0x38;
	[tilespmem:$0x11200] =	vst v63  }
0x128: {  	s26 =	spop (v2sf);
	s29 =	simm.s32 $0x9A00  }
0x129: {  	(v2sf) =	vpush v10, $0xE;
	[tilespmem:s29], [sflag:$0x2] =	stream.linear.gather [hbm4b:s26+s3], $0x400, $0x38;
	[tilespmem:$0x11200] =	vst v63  }
0x12a: {  	s30 =	spop (v2sf);
	s31 =	simm.s32 $0x9E00  }
0x12b: {  	(v2sf) =	vpush v10, $0xF;
	[tilespmem:s31], [sflag:$0x2] =	stream.linear.gather [hbm4b:s30+s3], $0x400, $0x38;
	[tilespmem:$0x11200] =	vst v63  }
0x12c: {  	s25 =	simm.s32 $0xA200;
	s0 =	spop (v2sf)  }
0x12d: {  	[tilespmem:s25], [sflag:$0x2] =	stream.linear.gather [hbm4b:s0+s3], $0x400, $0x38;
	[tilespmem:$0x11200] =	vst v63  }
0x12e: {  	s29 =	simm.s32 $0xA600;
	s26 =	spop (v2sf)  }
0x12f: {  	[tilespmem:s29], [sflag:$0x2] =	stream.linear.gather [hbm4b:s26+s3], $0x400, $0x38;
	[tilespmem:$0x11200] =	vst v63  }
0x130: {  	s31 =	simm.s32 $0xAA00;
	s30 =	spop (v2sf)  }
0x131: {  	[tilespmem:s31], [sflag:$0x2] =	stream.linear.gather [hbm4b:s30+s3], $0x400, $0x38;
	[tilespmem:$0x11200] =	vst v63  }
0x132: {  	s25 =	simm.s32 $0xAE00;
	s0 =	spop (v2sf)  }
0x133: {  	[tilespmem:s25], [sflag:$0x2] =	stream.linear.gather [hbm4b:s0+s3], $0x400, $0x38;
	[tilespmem:$0x11200] =	vst v63  }
0x134: {  	s29 =	simm.s32 $0xB200;
	s26 =	spop (v2sf)  }
0x135: {  	[tilespmem:s29], [sflag:$0x2] =	stream.linear.gather [hbm4b:s26+s3], $0x400, $0x38;
	[tilespmem:$0x11200] =	vst v63  }
0x136: {  	s30 =	spop (v2sf);
	s31 =	simm.s32 $0xB600  }
0x137: {  	[tilespmem:s31], [sflag:$0x2] =	stream.linear.gather [hbm4b:s30+s3], $0x400, $0x38;
	[tilespmem:$0x11200] =	vst v63  }
0x138: {  	s25 =	spop (v2sf);
	s26 =	simm.s32 $0xBA00  }
0x139: {  	[tilespmem:s26], [sflag:$0x2] =	stream.linear.gather [hbm4b:s25+s3], $0x400, $0x38;
	[tilespmem:$0x11200] =	vst v63  }
0x13a: {  	s29 =	spop (v2sf);
	s30 =	simm.s32 $0xBE00  }
0x13b: {  	[tilespmem:s30], [sflag:$0x2] =	stream.linear.gather [hbm4b:s29+s3], $0x400, $0x38;
	[tilespmem:$0x11200] =	vst v63  }
0x13c: {  	s29 =	sand.u32 $0x40, s21  }
0x13d: {  	s30 =	sand.u32 $0x180, s21;
	s24 =	sor.u32 $0x30, s29  }
0x13e: {  	s25 =	sor.u32 s24, s30  }
0x13f: {  	v10 =	vld [tilespmem:s25+$0x0];
	_ =	sdelay $0x4  }
0x140: {  	v10 =	vtrunc.f32 v10  }
0x141: {  	v10 =	vcvt.f32.s32 v10;
	_ =	sdelay $0x1  }
0x142: {  	v10 =	vand.u32 $0xFFFFFF80, v10  }
0x143: {  	v10 =	vadd.s32 s1, v10  }
0x144: {  	(v2sf) =	vpush v10, $0x0;
	_ =	sdelay $0x1  }
0x145: {  	(v2sf) =	vpush v10, $0x1;
	_ =	sdelay $0x1  }
0x146: {  	(v2sf) =	vpush v10, $0x2;
	_ =	sdelay $0x1  }
0x147: {  	(v2sf) =	vpush v10, $0x3;
	_ =	sdelay $0x1  }
0x148: {  	(v2sf) =	vpush v10, $0x4;
	_ =	sdelay $0x1  }
0x149: {  	(v2sf) =	vpush v10, $0x5;
	_ =	sdelay $0x1  }
0x14a: {  	(v2sf) =	vpush v10, $0x6;
	_ =	sdelay $0x1  }
0x14b: {  	(v2sf) =	vpush v10, $0x7  }
0x14c: {  	s31 =	simm.s32 $0xC200;
	s26 =	spop (v2sf)  }
0x14d: {  	(v2sf) =	vpush v10, $0x8;
	[tilespmem:s31], [sflag:$0x2] =	stream.linear.gather [hbm4b:s26+s3], $0x400, $0x38;
	[tilespmem:$0x11200] =	vst v63  }
0x14e: {  	s0 =	spop (v2sf);
	s31 =	simm.s32 $0xC600  }
0x14f: {  	(v2sf) =	vpush v10, $0x9;
	[tilespmem:s31], [sflag:$0x2] =	stream.linear.gather [hbm4b:s0+s3], $0x400, $0x38;
	[tilespmem:$0x11200] =	vst v63  }
0x150: {  	s0 =	spop (v2sf);
	s31 =	simm.s32 $0xCA00  }
0x151: {  	(v2sf) =	vpush v10, $0xA;
	[tilespmem:s31], [sflag:$0x2] =	stream.linear.gather [hbm4b:s0+s3], $0x400, $0x38;
	[tilespmem:$0x11200] =	vst v63  }
0x152: {  	s31 =	spop (v2sf)  }
0x153: {  	(v2sf) =	vpush v10, $0xB;
	[tilespmem:s2], [sflag:$0x2] =	stream.linear.gather [hbm4b:s31+s3], $0x400, $0x38;
	[tilespmem:$0x11200] =	vst v63  }
0x154: {  	s0 =	spop (v2sf)  }
0x155: {  	(v2sf) =	vpush v10, $0xC;
	[tilespmem:s4], [sflag:$0x2] =	stream.linear.gather [hbm4b:s0+s3], $0x400, $0x38;
	[tilespmem:$0x11200] =	vst v63  }
0x156: {  	s31 =	spop (v2sf)  }
0x157: {  	(v2sf) =	vpush v10, $0xD;
	[tilespmem:s5], [sflag:$0x2] =	stream.linear.gather [hbm4b:s31+s3], $0x400, $0x38;
	[tilespmem:$0x11200] =	vst v63  }
0x158: {  	s0 =	spop (v2sf)  }
0x159: {  	(v2sf) =	vpush v10, $0xE;
	[tilespmem:s6], [sflag:$0x2] =	stream.linear.gather [hbm4b:s0+s3], $0x400, $0x38;
	[tilespmem:$0x11200] =	vst v63  }
0x15a: {  	s31 =	spop (v2sf)  }
0x15b: {  	(v2sf) =	vpush v10, $0xF;
	[tilespmem:s7], [sflag:$0x2] =	stream.linear.gather [hbm4b:s31+s3], $0x400, $0x38;
	[tilespmem:$0x11200] =	vst v63  }
0x15c: {  	s0 =	spop (v2sf)  }
0x15d: {  	[tilespmem:s9], [sflag:$0x2] =	stream.linear.gather [hbm4b:s0+s3], $0x400, $0x38;
	[tilespmem:$0x11200] =	vst v63  }
0x15e: {  	s31 =	spop (v2sf)  }
0x15f: {  	[tilespmem:s10], [sflag:$0x2] =	stream.linear.gather [hbm4b:s31+s3], $0x400, $0x38;
	[tilespmem:$0x11200] =	vst v63  }
0x160: {  	s0 =	spop (v2sf)  }
0x161: {  	[tilespmem:s11], [sflag:$0x2] =	stream.linear.gather [hbm4b:s0+s3], $0x400, $0x38;
	[tilespmem:$0x11200] =	vst v63  }
0x162: {  	s31 =	spop (v2sf)  }
0x163: {  	[tilespmem:s14], [sflag:$0x2] =	stream.linear.gather [hbm4b:s31+s3], $0x400, $0x38;
	[tilespmem:$0x11200] =	vst v63  }
0x164: {  	s0 =	spop (v2sf)  }
0x165: {  	[tilespmem:s15], [sflag:$0x2] =	stream.linear.gather [hbm4b:s0+s3], $0x400, $0x38;
	[tilespmem:$0x11200] =	vst v63  }
0x166: {  	s31 =	spop (v2sf)  }
0x167: {  	[tilespmem:s16], [sflag:$0x2] =	stream.linear.gather [hbm4b:s31+s3], $0x400, $0x38;
	[tilespmem:$0x11200] =	vst v63  }
0x168: {  	s0 =	spop (v2sf)  }
0x169: {  	[tilespmem:s17], [sflag:$0x2] =	stream.linear.gather [hbm4b:s0+s3], $0x400, $0x38;
	[tilespmem:$0x11200] =	vst v63  }
0x16a: {  	s31 =	spop (v2sf)  }
0x16b: {  	[tilespmem:s18], [sflag:$0x2] =	stream.linear.gather [hbm4b:s31+s3], $0x400, $0x38;
	[tilespmem:$0x11200] =	vst v63  }
0x16c: {  	_ =	swait.ge [sflag:s12], $0x400  }
0x16d: {  	[sflag:s12] =	ssyncset.done $0x0  }
0x16e: {  	[sflag:s12] =	ssyncadd.s32 $0xFFFFFC00  }
0x16f: {  	_ =	swait.ge [sflag:s12], $0x400  }
0x170: {  	[sflag:s12] =	ssyncset.done $0x0  }
0x171: {  	[sflag:s12] =	ssyncadd.s32 $0xFFFFFC00  }
0x172: {  	_ =	swait.ge [sflag:s12], $0x400  }
0x173: {  	[sflag:s12] =	ssyncset.done $0x0  }
0x174: {  	[sflag:s12] =	ssyncadd.s32 $0xFFFFFC00  }
0x175: {  	_ =	swait.ge [sflag:s12], $0x400  }
0x176: {  	[sflag:s12] =	ssyncset.done $0x0  }
0x177: {  	[sflag:s12] =	ssyncadd.s32 $0xFFFFFC00  }
0x178: {  	_ =	swait.ge [sflag:s12], $0x400  }
0x179: {  	[sflag:s12] =	ssyncset.done $0x0  }
0x17a: {  	[sflag:s12] =	ssyncadd.s32 $0xFFFFFC00  }
0x17b: {  	_ =	swait.ge [sflag:s12], $0x400  }
0x17c: {  	[sflag:s12] =	ssyncset.done $0x0  }
0x17d: {  	[sflag:s12] =	ssyncadd.s32 $0xFFFFFC00  }
0x17e: {  	_ =	swait.ge [sflag:s12], $0x400  }
0x17f: {  	[sflag:s12] =	ssyncset.done $0x0  }
0x180: {  	[sflag:s12] =	ssyncadd.s32 $0xFFFFFC00  }
0x181: {  	_ =	swait.ge [sflag:s12], $0x400  }
0x182: {  	[sflag:s12] =	ssyncset.done $0x0  }
0x183: {  	[sflag:s12] =	ssyncadd.s32 $0xFFFFFC00  }
0x184: {  	_ =	swait.ge [sflag:s12], $0x400  }
0x185: {  	[sflag:s12] =	ssyncset.done $0x0  }
0x186: {  	[sflag:s12] =	ssyncadd.s32 $0xFFFFFC00  }
0x187: {  	_ =	swait.ge [sflag:s12], $0x400  }
0x188: {  	[sflag:s12] =	ssyncset.done $0x0  }
0x189: {  	[sflag:s12] =	ssyncadd.s32 $0xFFFFFC00  }
0x18a: {  	_ =	swait.ge [sflag:s12], $0x400  }
0x18b: {  	[sflag:s12] =	ssyncset.done $0x0  }
0x18c: {  	[sflag:s12] =	ssyncadd.s32 $0xFFFFFC00  }
0x18d: {  	_ =	swait.ge [sflag:s12], $0x400  }
0x18e: {  	[sflag:s12] =	ssyncset.done $0x0  }
0x18f: {  	[sflag:s12] =	ssyncadd.s32 $0xFFFFFC00  }
0x190: {  	_ =	swait.ge [sflag:s12], $0x400  }
0x191: {  	[sflag:s12] =	ssyncset.done $0x0  }
0x192: {  	[sflag:s12] =	ssyncadd.s32 $0xFFFFFC00  }
0x193: {  	_ =	swait.ge [sflag:s12], $0x400  }
0x194: {  	[sflag:s12] =	ssyncset.done $0x0  }
0x195: {  	[sflag:s12] =	ssyncadd.s32 $0xFFFFFC00  }
0x196: {  	_ =	swait.ge [sflag:s12], $0x400  }
0x197: {  	[sflag:s12] =	ssyncset.done $0x0  }
0x198: {  	[sflag:s12] =	ssyncadd.s32 $0xFFFFFC00  }
0x199: {  	_ =	swait.ge [sflag:s12], $0x400  }
0x19a: {  	[sflag:s12] =	ssyncset.done $0x0  }
0x19b: {  	[sflag:s12] =	ssyncadd.s32 $0xFFFFFC00  }
0x19c: {  	_ =	swait.ge [sflag:s12], $0x400  }
0x19d: {  	[sflag:s12] =	ssyncset.done $0x0  }
0x19e: {  	[sflag:s12] =	ssyncadd.s32 $0xFFFFFC00  }
0x19f: {  	_ =	swait.ge [sflag:s12], $0x400  }
0x1a0: {  	[sflag:s12] =	ssyncset.done $0x0  }
0x1a1: {  	[sflag:s12] =	ssyncadd.s32 $0xFFFFFC00  }
0x1a2: {  	_ =	swait.ge [sflag:s12], $0x400  }
0x1a3: {  	[sflag:s12] =	ssyncset.done $0x0  }
0x1a4: {  	[sflag:s12] =	ssyncadd.s32 $0xFFFFFC00  }
0x1a5: {  	_ =	swait.ge [sflag:s12], $0x400  }
0x1a6: {  	[sflag:s12] =	ssyncset.done $0x0  }
0x1a7: {  	[sflag:s12] =	ssyncadd.s32 $0xFFFFFC00  }
0x1a8: {  	_ =	swait.ge [sflag:s12], $0x400  }
0x1a9: {  	[sflag:s12] =	ssyncset.done $0x0  }
0x1aa: {  	[sflag:s12] =	ssyncadd.s32 $0xFFFFFC00  }
0x1ab: {  	_ =	swait.ge [sflag:s12], $0x400  }
0x1ac: {  	[sflag:s12] =	ssyncset.done $0x0  }
0x1ad: {  	[sflag:s12] =	ssyncadd.s32 $0xFFFFFC00  }
0x1ae: {  	_ =	swait.ge [sflag:s12], $0x400  }
0x1af: {  	[sflag:s12] =	ssyncset.done $0x0  }
0x1b0: {  	[sflag:s12] =	ssyncadd.s32 $0xFFFFFC00  }
0x1b1: {  	_ =	swait.ge [sflag:s12], $0x400  }
0x1b2: {  	[sflag:s12] =	ssyncset.done $0x0  }
0x1b3: {  	[sflag:s12] =	ssyncadd.s32 $0xFFFFFC00  }
0x1b4: {  	_ =	swait.ge [sflag:s12], $0x400  }
0x1b5: {  	[sflag:s12] =	ssyncset.done $0x0  }
0x1b6: {  	[sflag:s12] =	ssyncadd.s32 $0xFFFFFC00  }
0x1b7: {  	_ =	swait.ge [sflag:s12], $0x400  }
0x1b8: {  	[sflag:s12] =	ssyncset.done $0x0  }
0x1b9: {  	[sflag:s12] =	ssyncadd.s32 $0xFFFFFC00  }
0x1ba: {  	_ =	swait.ge [sflag:s12], $0x400  }
0x1bb: {  	[sflag:s12] =	ssyncset.done $0x0  }
0x1bc: {  	[sflag:s12] =	ssyncadd.s32 $0xFFFFFC00  }
0x1bd: {  	_ =	swait.ge [sflag:s12], $0x400  }
0x1be: {  	[sflag:s12] =	ssyncset.done $0x0  }
0x1bf: {  	[sflag:s12] =	ssyncadd.s32 $0xFFFFFC00  }
0x1c0: {  	_ =	swait.ge [sflag:s12], $0x400  }
0x1c1: {  	[sflag:s12] =	ssyncset.done $0x0  }
0x1c2: {  	[sflag:s12] =	ssyncadd.s32 $0xFFFFFC00  }
0x1c3: {  	_ =	swait.ge [sflag:s12], $0x400  }
0x1c4: {  	[sflag:s12] =	ssyncset.done $0x0  }
0x1c5: {  	[sflag:s12] =	ssyncadd.s32 $0xFFFFFC00  }
0x1c6: {  	_ =	swait.ge [sflag:s12], $0x400  }
0x1c7: {  	[sflag:s12] =	ssyncset.done $0x0  }
0x1c8: {  	[sflag:s12] =	ssyncadd.s32 $0xFFFFFC00  }
0x1c9: {  	_ =	swait.ge [sflag:s12], $0x400  }
0x1ca: {  	[sflag:s12] =	ssyncset.done $0x0  }
0x1cb: {  	[sflag:s12] =	ssyncadd.s32 $0xFFFFFC00  }
0x1cc: {  	v10 =	vld [tilespmem:s20+$0xFFFFFFC0];
	_ =	sdelay $0x4  }
0x1cd: {  	v10 =	vtrunc.f32 v10  }
0x1ce: {  	v10 =	vcvt.f32.s32 v10;
	_ =	sdelay $0x1  }
0x1cf: {  	v10 =	vand.u32 $0x7F, v10  }
0x1d0: {  	v11 =	vor.u32 v0, v10;
	_ =	sdelay $0x4  }
0x1d1: {  	v11 =	vld.idx.msk [tilespmem:v11+s8+$0x0], $0xffff  }
0x1d2: {  	v12 =	vor.u32 v1, v10  }
0x1d3: {  	s0 =	sand.u32 $0xC00, s23  }
0x1d4: {  	s26 =	sor.u32 $0x10200, s0  }
0x1d5: {  	s28 =	sor.u32 s29, s26  }
0x1d6: {  	[tilespmem:s28+$0x0] =	vst v11  }
0x1d7: {  	v11 =	vld.idx.msk [tilespmem:v12+s8+$0x0], $0xffff  }
0x1d8: {  	v59 =	vor.u32 v2, v10;
	_ =	sdelay $0x3  }
0x1d9: {  	[tilespmem:s28+$0x80] =	vst v11  }
0x1da: {  	v11 =	vld.idx.msk [tilespmem:v59+s8+$0x0], $0xffff  }
0x1db: {  	v60 =	vor.u32 v3, v10;
	_ =	sdelay $0x3  }
0x1dc: {  	[tilespmem:s28+$0x100] =	vst v11  }
0x1dd: {  	v11 =	vld.idx.msk [tilespmem:v60+s8+$0x0], $0xffff  }
0x1de: {  	v10 =	vor.u32 v4, v10;
	_ =	sdelay $0x3  }
0x1df: {  	[tilespmem:s28+$0x180] =	vst v11  }
0x1e0: {  	s28 =	simm.s32 $0x1;
	v10 =	vld.idx.msk [tilespmem:v10+s8+$0x0], $0xffff  }
0x1e1: {  	s28 =	simm.s32 @!p0 $0x0  }
0x1e2: {  	s28 =	sshll.u32 s28, $0x6  }
0x1e3: {  	s31 =	sadd.s32 s28, s23  }
0x1e4: {  	s29 =	sor.u32 $0x10, s29;
	s0 =	sor.u32 $0x200, s31  }
0x1e5: {  	s30 =	sor.u32 s29, s30;
	[tilespmem:s0+$0x10200] =	vst v10  }
0x1e6: {  	v10 =	vld [tilespmem:s30+$0x0];
	_ =	sdelay $0x4  }
0x1e7: {  	v10 =	vtrunc.f32 v10  }
0x1e8: {  	v10 =	vcvt.f32.s32 v10;
	_ =	sdelay $0x1  }
0x1e9: {  	v10 =	vand.u32 $0x7F, v10  }
0x1ea: {  	v11 =	vor.u32 v5, v10;
	_ =	sdelay $0x4  }
0x1eb: {  	v11 =	vld.idx.msk [tilespmem:v11+s8+$0x0], $0xffff  }
0x1ec: {  	v61 =	vor.u32 v6, v10;
	_ =	sdelay $0x2  }
0x1ed: {  	s30 =	sor.u32 s29, s26  }
0x1ee: {  	[tilespmem:s30+$0x0] =	vst v11  }
0x1ef: {  	v11 =	vld.idx.msk [tilespmem:v61+s8+$0x0], $0xffff  }
0x1f0: {  	v62 =	vor.u32 v7, v10;
	_ =	sdelay $0x3  }
0x1f1: {  	[tilespmem:s30+$0x80] =	vst v11  }
0x1f2: {  	v11 =	vld.idx.msk [tilespmem:v62+s8+$0x0], $0xffff  }
0x1f3: {  	v63 =	vor.u32 v8, v10;
	_ =	sdelay $0x3  }
0x1f4: {  	[tilespmem:s30+$0x100] =	vst v11  }
0x1f5: {  	v11 =	vld.idx.msk [tilespmem:v63+s8+$0x0], $0xffff  }
0x1f6: {  	v10 =	vor.u32 v9, v10;
	_ =	sdelay $0x3  }
0x1f7: {  	[tilespmem:s30+$0x180] =	vst v11  }
0x1f8: {  	p1 =	seq.s32 s23, $0xE00;
	v10 =	vld.idx.msk [tilespmem:v10+s8+$0x0], $0xffff  }
.Ltmp4:
0x1f9: {  	_ = 	snop;
	(pc) =	sbr.rel @p1 .LBB2_4-.Ltmp4, $4  }
0x1fa: {  	_ = 	snop  }
0x1fb: {  	s31 =	sadd.s32 $0x10, s31  }
0x1fc: {  	s0 =	sor.u32 $0x200, s31  }
0x1fd: {  	[tilespmem:s0+$0x10200] =	vst v10  }
0x1fe: {  	v10 =	vld [tilespmem:s20+$0x0];
	_ =	sdelay $0x4  }
0x1ff: {  	v10 =	vtrunc.f32 v10  }
0x200: {  	v10 =	vcvt.f32.s32 v10;
	_ =	sdelay $0x1  }
0x201: {  	v10 =	vand.u32 $0xFFFFFF80, v10  }
0x202: {  	v10 =	vadd.s32 s1, v10  }
0x203: {  	(v2sf) =	vpush v10, $0x0;
	_ =	sdelay $0x1  }
0x204: {  	(v2sf) =	vpush v10, $0x1;
	_ =	sdelay $0x1  }
0x205: {  	(v2sf) =	vpush v10, $0x2;
	_ =	sdelay $0x1  }
0x206: {  	(v2sf) =	vpush v10, $0x3;
	_ =	sdelay $0x1  }
0x207: {  	(v2sf) =	vpush v10, $0x4;
	_ =	sdelay $0x1  }
0x208: {  	(v2sf) =	vpush v10, $0x5;
	_ =	sdelay $0x1  }
0x209: {  	(v2sf) =	vpush v10, $0x6;
	_ =	sdelay $0x1  }
0x20a: {  	(v2sf) =	vpush v10, $0x7  }
0x20b: {  	s0 =	spop (v2sf)  }
0x20c: {  	(v2sf) =	vpush v10, $0x8;
	[tilespmem:s8], [sflag:$0x1] =	stream.linear.gather [hbm4b:s0+s3], $0x400, $0x38;
	[tilespmem:$0x11200] =	vst v63  }
0x20d: {  	s29 =	simm.s32 $0x600;
	s31 =	spop (v2sf)  }
0x20e: {  	(v2sf) =	vpush v10, $0x9;
	[tilespmem:s29], [sflag:$0x1] =	stream.linear.gather [hbm4b:s31+s3], $0x400, $0x38;
	[tilespmem:$0x11200] =	vst v63  }
0x20f: {  	s30 =	spop (v2sf);
	s31 =	simm.s32 $0xA00  }
0x210: {  	(v2sf) =	vpush v10, $0xA;
	[tilespmem:s31], [sflag:$0x1] =	stream.linear.gather [hbm4b:s30+s3], $0x400, $0x38;
	[tilespmem:$0x11200] =	vst v63  }
0x211: {  	s30 =	spop (v2sf);
	s31 =	simm.s32 $0xE00  }
0x212: {  	(v2sf) =	vpush v10, $0xB;
	[tilespmem:s31], [sflag:$0x1] =	stream.linear.gather [hbm4b:s30+s3], $0x400, $0x38;
	[tilespmem:$0x11200] =	vst v63  }
0x213: {  	s30 =	spop (v2sf);
	s31 =	simm.s32 $0x1200  }
0x214: {  	(v2sf) =	vpush v10, $0xC;
	[tilespmem:s31], [sflag:$0x1] =	stream.linear.gather [hbm4b:s30+s3], $0x400, $0x38;
	[tilespmem:$0x11200] =	vst v63  }
0x215: {  	s30 =	spop (v2sf);
	s31 =	simm.s32 $0x1600  }
0x216: {  	(v2sf) =	vpush v10, $0xD;
	[tilespmem:s31], [sflag:$0x1] =	stream.linear.gather [hbm4b:s30+s3], $0x400, $0x38;
	[tilespmem:$0x11200] =	vst v63  }
0x217: {  	s30 =	spop (v2sf);
	s31 =	simm.s32 $0x1A00  }
0x218: {  	(v2sf) =	vpush v10, $0xE;
	[tilespmem:s31], [sflag:$0x1] =	stream.linear.gather [hbm4b:s30+s3], $0x400, $0x38;
	[tilespmem:$0x11200] =	vst v63  }
0x219: {  	s30 =	spop (v2sf);
	s31 =	simm.s32 $0x1E00  }
0x21a: {  	(v2sf) =	vpush v10, $0xF;
	[tilespmem:s31], [sflag:$0x1] =	stream.linear.gather [hbm4b:s30+s3], $0x400, $0x38;
	[tilespmem:$0x11200] =	vst v63  }
0x21b: {  	s30 =	spop (v2sf);
	s31 =	simm.s32 $0x2200  }
0x21c: {  	[tilespmem:s31], [sflag:$0x1] =	stream.linear.gather [hbm4b:s30+s3], $0x400, $0x38;
	[tilespmem:$0x11200] =	vst v63  }
0x21d: {  	s30 =	spop (v2sf);
	s31 =	simm.s32 $0x2600  }
0x21e: {  	[tilespmem:s31], [sflag:$0x1] =	stream.linear.gather [hbm4b:s30+s3], $0x400, $0x38;
	[tilespmem:$0x11200] =	vst v63  }
0x21f: {  	s30 =	spop (v2sf);
	s31 =	simm.s32 $0x2A00  }
0x220: {  	[tilespmem:s31], [sflag:$0x1] =	stream.linear.gather [hbm4b:s30+s3], $0x400, $0x38;
	[tilespmem:$0x11200] =	vst v63  }
0x221: {  	s30 =	spop (v2sf);
	s31 =	simm.s32 $0x2E00  }
0x222: {  	[tilespmem:s31], [sflag:$0x1] =	stream.linear.gather [hbm4b:s30+s3], $0x400, $0x38;
	[tilespmem:$0x11200] =	vst v63  }
0x223: {  	s30 =	spop (v2sf);
	s31 =	simm.s32 $0x3200  }
0x224: {  	[tilespmem:s31], [sflag:$0x1] =	stream.linear.gather [hbm4b:s30+s3], $0x400, $0x38;
	[tilespmem:$0x11200] =	vst v63  }
0x225: {  	s30 =	spop (v2sf);
	s31 =	simm.s32 $0x3600  }
0x226: {  	[tilespmem:s31], [sflag:$0x1] =	stream.linear.gather [hbm4b:s30+s3], $0x400, $0x38;
	[tilespmem:$0x11200] =	vst v63  }
0x227: {  	s30 =	spop (v2sf);
	s31 =	simm.s32 $0x3A00  }
0x228: {  	[tilespmem:s31], [sflag:$0x1] =	stream.linear.gather [hbm4b:s30+s3], $0x400, $0x38;
	[tilespmem:$0x11200] =	vst v63  }
0x229: {  	s30 =	spop (v2sf);
	s31 =	simm.s32 $0x3E00  }
0x22a: {  	[tilespmem:s31], [sflag:$0x1] =	stream.linear.gather [hbm4b:s30+s3], $0x400, $0x38;
	[tilespmem:$0x11200] =	vst v63  }
0x22b: {  	v10 =	vld [tilespmem:s20+$0x10];
	_ =	sdelay $0x4  }
0x22c: {  	v10 =	vtrunc.f32 v10  }
0x22d: {  	v10 =	vcvt.f32.s32 v10;
	_ =	sdelay $0x1  }
0x22e: {  	v10 =	vand.u32 $0xFFFFFF80, v10  }
0x22f: {  	v10 =	vadd.s32 s1, v10  }
0x230: {  	(v2sf) =	vpush v10, $0x0;
	_ =	sdelay $0x1  }
0x231: {  	(v2sf) =	vpush v10, $0x1;
	_ =	sdelay $0x1  }
0x232: {  	(v2sf) =	vpush v10, $0x2;
	_ =	sdelay $0x1  }
0x233: {  	(v2sf) =	vpush v10, $0x3;
	_ =	sdelay $0x1  }
0x234: {  	(v2sf) =	vpush v10, $0x4;
	_ =	sdelay $0x1  }
0x235: {  	(v2sf) =	vpush v10, $0x5;
	_ =	sdelay $0x1  }
0x236: {  	(v2sf) =	vpush v10, $0x6;
	_ =	sdelay $0x1  }
0x237: {  	(v2sf) =	vpush v10, $0x7  }
0x238: {  	s31 =	simm.s32 $0x4200;
	s30 =	spop (v2sf)  }
0x239: {  	(v2sf) =	vpush v10, $0x8;
	[tilespmem:s31], [sflag:$0x1] =	stream.linear.gather [hbm4b:s30+s3], $0x400, $0x38;
	[tilespmem:$0x11200] =	vst v63  }
0x23a: {  	s30 =	spop (v2sf);
	s31 =	simm.s32 $0x4600  }
0x23b: {  	(v2sf) =	vpush v10, $0x9;
	[tilespmem:s31], [sflag:$0x1] =	stream.linear.gather [hbm4b:s30+s3], $0x400, $0x38;
	[tilespmem:$0x11200] =	vst v63  }
0x23c: {  	s30 =	spop (v2sf);
	s31 =	simm.s32 $0x4A00  }
0x23d: {  	(v2sf) =	vpush v10, $0xA;
	[tilespmem:s31], [sflag:$0x1] =	stream.linear.gather [hbm4b:s30+s3], $0x400, $0x38;
	[tilespmem:$0x11200] =	vst v63  }
0x23e: {  	s30 =	spop (v2sf);
	s31 =	simm.s32 $0x4E00  }
0x23f: {  	(v2sf) =	vpush v10, $0xB;
	[tilespmem:s31], [sflag:$0x1] =	stream.linear.gather [hbm4b:s30+s3], $0x400, $0x38;
	[tilespmem:$0x11200] =	vst v63  }
0x240: {  	s30 =	spop (v2sf);
	s31 =	simm.s32 $0x5200  }
0x241: {  	(v2sf) =	vpush v10, $0xC;
	[tilespmem:s31], [sflag:$0x1] =	stream.linear.gather [hbm4b:s30+s3], $0x400, $0x38;
	[tilespmem:$0x11200] =	vst v63  }
0x242: {  	s30 =	spop (v2sf);
	s31 =	simm.s32 $0x5600  }
0x243: {  	(v2sf) =	vpush v10, $0xD;
	[tilespmem:s31], [sflag:$0x1] =	stream.linear.gather [hbm4b:s30+s3], $0x400, $0x38;
	[tilespmem:$0x11200] =	vst v63  }
0x244: {  	s30 =	spop (v2sf);
	s31 =	simm.s32 $0x5A00  }
0x245: {  	[tilespmem:s31], [sflag:$0x1] =	stream.linear.gather [hbm4b:s30+s3], $0x400, $0x38;
	[tilespmem:$0x11200] =	vst v63  }
0x246: {  	(v2sf) =	vpush v10, $0xE;
	s30 =	spop (v2sf);
	s31 =	simm.s32 $0x5E00  }
0x247: {  	[tilespmem:s31], [sflag:$0x1] =	stream.linear.gather [hbm4b:s30+s3], $0x400, $0x38;
	[tilespmem:$0x11200] =	vst v63  }
0x248: {  	(v2sf) =	vpush v10, $0xF;
	s30 =	spop (v2sf);
	s31 =	simm.s32 $0x6200  }
0x249: {  	[tilespmem:s31], [sflag:$0x1] =	stream.linear.gather [hbm4b:s30+s3], $0x400, $0x38;
	[tilespmem:$0x11200] =	vst v63  }
0x24a: {  	s30 =	spop (v2sf);
	s31 =	simm.s32 $0x6600  }
0x24b: {  	[tilespmem:s31], [sflag:$0x1] =	stream.linear.gather [hbm4b:s30+s3], $0x400, $0x38;
	[tilespmem:$0x11200] =	vst v63  }
0x24c: {  	s30 =	spop (v2sf);
	s31 =	simm.s32 $0x6A00  }
0x24d: {  	[tilespmem:s31], [sflag:$0x1] =	stream.linear.gather [hbm4b:s30+s3], $0x400, $0x38;
	[tilespmem:$0x11200] =	vst v63  }
0x24e: {  	s30 =	spop (v2sf);
	s31 =	simm.s32 $0x6E00  }
0x24f: {  	[tilespmem:s31], [sflag:$0x1] =	stream.linear.gather [hbm4b:s30+s3], $0x400, $0x38;
	[tilespmem:$0x11200] =	vst v63  }
0x250: {  	s30 =	spop (v2sf);
	s31 =	simm.s32 $0x7200  }
0x251: {  	[tilespmem:s31], [sflag:$0x1] =	stream.linear.gather [hbm4b:s30+s3], $0x400, $0x38;
	[tilespmem:$0x11200] =	vst v63  }
0x252: {  	s30 =	spop (v2sf);
	s31 =	simm.s32 $0x7600  }
0x253: {  	[tilespmem:s31], [sflag:$0x1] =	stream.linear.gather [hbm4b:s30+s3], $0x400, $0x38;
	[tilespmem:$0x11200] =	vst v63  }
.Ltmp5:
0x254: {  	_ = 	snop;
	(pc) =	sbr.rel .LBB2_4-.Ltmp5, $4  }
0x255: {  	s30 =	spop (v2sf);
	s31 =	simm.s32 $0x7A00  }
0x256: {  	[tilespmem:s31], [sflag:$0x1] =	stream.linear.gather [hbm4b:s30+s3], $0x400, $0x38;
	[tilespmem:$0x11200] =	vst v63  }
0x257: {  	s30 =	spop (v2sf);
	s31 =	simm.s32 $0x7E00  }
0x258: {  	[tilespmem:s31], [sflag:$0x1] =	stream.linear.gather [hbm4b:s30+s3], $0x400, $0x38;
	[tilespmem:$0x11200] =	vst v63  }
.LBB2_6:
0x259: {  	_ =	sfence.sel $0x180000  }
0x25a: {  	[bflag:$0x0] =	sbarrier.arrive $0xFFFF  }
0x25b: {  	_ =	strace $0x90000047  }
0x25c: {  	s0 =	stileid.u32;
	[bflag:$0x2] =	sbarrier.arrive $0xFFFF  }
0x25d: {  	p0 =	sne.s32 s0, $0x0;
	s0 =	rddreg [dreg:$0x3]  }
0x25e: {  	s0 =	sadd.s32 @!p0 $0x100000, s0  }
0x25f: {  	[sflag:s0] =	ssyncadd.tile.s32 @!p0 $0x1;
	_ =	shalt  }
.Lfunc_end2:
_tile_overlayer_lowered:
.L_overlay_start_2:
0x260: {  	(tag) =	ssettag $0x2  }
0x261: {  	s0 =	rddreg [dreg:$0x0];
	s2 =	stileid.u32  }
0x262: {  	s1 =	rddreg [dreg:$0x1];
	p0 =	sne.s32 s2, $0x0  }
0x263: {  	s3 =	rddreg [dreg:$0x2];
	[bflag:$0x3] =	sbarrier.arrive $0xFFFF;
	s2 =	simm.s32 @!p0 $0x1C03  }
0x264: {  	[timem:s3], [sflag:s2] =	dma.local @!p0 [hbm:s0], s1  }
0x265: {  	s0 =	simm.s32 @!p0 $0x3  }
0x266: {  	_ =	swait.ge @!p0 [sflag:s0], s1  }
0x267: {  	s1 =	ssub.s32 @!p0 $0x0, s1;
	[sflag:s0] =	ssyncset.done @!p0 $0x0  }
0x268: {  	[sflag:s0] =	ssyncadd.s32 @!p0 s1  }
0x269: {  	[bflag:$0x3] =	sbarrier.arrive $0xFFFF  }
0x26a: {  	_ =	shalt  }

</sc_bundles>
